<compile_context>
chip_gen: v7x
topology: tpu7x:2x2x1
jax: 0.10.2.dev20260603
libtpu: 0.0.44.dev20260713+nightly
codegen_flags: <defaults>
</compile_context>

<pallas_src>
import functools

import jax
import jax.numpy as jnp
from jax import lax
from jax.experimental import pallas as pl
from jax.experimental.pallas import tpu as pltpu
from jax.experimental.pallas import tpu_sc as plsc

NC = 2
NS = 16
NW = NC * NS
LANES = 16
CHUNK = 100
FH = 64
NBUF = 4
GLAG = 3


def _cdiv(a, b):
    return (a + b - 1) // b



def _make_deg_kernel(n_pad, k):
    stripe = n_pad // NS
    mesh = plsc.VectorSubcoreMesh(core_axis_name="c", subcore_axis_name="s")

    @functools.partial(
        pl.kernel,
        mesh=mesh,
        out_type=jax.ShapeDtypeStruct((NC, n_pad), jnp.float32),
        scratch_types=[
            pltpu.VMEM((k, CHUNK), jnp.int32),
            pltpu.VMEM((CHUNK,), jnp.float32),
            pltpu.VMEM_SHARED((n_pad,), jnp.float32),
        ],
    )
    def deg_kernel(dst_hbm, zeros_hbm, out_hbm, dst_v, ones_v, acc_sh):
        c = lax.axis_index("c")
        s = lax.axis_index("s")
        wid = s * NC + c
        pltpu.sync_copy(dst_hbm.at[wid], dst_v)
        offs = list(range(0, CHUNK - LANES + 1, LANES))
        if CHUNK % LANES:
            offs.append(CHUNK - LANES)
        for o in offs:
            ones_v[pl.ds(o, LANES)] = jnp.ones((LANES,), jnp.float32)
        pltpu.sync_copy(zeros_hbm.at[pl.ds(s * stripe, stripe)],
                        acc_sh.at[pl.ds(s * stripe, stripe)])
        plsc.subcore_barrier()

        def body(j, carry):
            pltpu.sync_copy(ones_v, acc_sh.at[dst_v.at[j]], add=True)
            return carry

        lax.fori_loop(0, k, body, 0)
        plsc.subcore_barrier()
        pltpu.sync_copy(acc_sh.at[pl.ds(s * stripe, stripe)],
                        out_hbm.at[c, pl.ds(s * stripe, stripe)])

    return deg_kernel



def _make_scatter_kernel(n_pad, k, npass):
    stripe = n_pad // NS
    groups = k // NBUF
    mesh = plsc.VectorSubcoreMesh(core_axis_name="c", subcore_axis_name="s")

    @functools.partial(
        pl.kernel,
        mesh=mesh,
        compiler_params=pltpu.CompilerParams(use_tc_tiling_on_sc=False),
        out_type=jax.ShapeDtypeStruct((npass, NC, n_pad, FH), jnp.float32),
        scratch_types=[
            pltpu.VMEM((k, CHUNK), jnp.int32),
            pltpu.VMEM((k, CHUNK), jnp.int32),
            [pltpu.VMEM((CHUNK, FH), jnp.float32) for _ in range(NBUF)],
            pltpu.VMEM_SHARED((n_pad, FH), jnp.float32),
            pltpu.VMEM_SHARED((n_pad, FH), jnp.float32),
            [pltpu.SemaphoreType.DMA for _ in range(NBUF)],
            [pltpu.SemaphoreType.DMA for _ in range(NBUF)],
        ],
    )
    def scatter_kernel(src_hbm, dst_hbm, g_hbm, zeros_hbm, out_hbm,
                       src_v, dst_v, rows, g_sh, acc_sh, sem_g, sem_s):
        c = lax.axis_index("c")
        s = lax.axis_index("s")
        wid = s * NC + c
        pltpu.sync_copy(src_hbm.at[wid], src_v)
        pltpu.sync_copy(dst_hbm.at[wid], dst_v)

        def fire_g(j, t):
            pltpu.async_copy(g_sh.at[src_v.at[j]], rows[t], sem_g[t])

        def wait_g(j, t):
            pltpu.make_async_copy(g_sh.at[src_v.at[j]], rows[t],
                                  sem_g[t]).wait()

        def fire_s(j, t):
            pltpu.async_copy(rows[t], acc_sh.at[dst_v.at[j]],
                             sem_s[t], add=True)

        def wait_s(j, t):
            pltpu.make_async_copy(rows[t], acc_sh.at[dst_v.at[j]],
                                  sem_s[t]).wait()

        for p in range(npass):
            pltpu.sync_copy(g_hbm.at[p, pl.ds(s * stripe, stripe)],
                            g_sh.at[pl.ds(s * stripe, stripe)])
            pltpu.sync_copy(zeros_hbm.at[pl.ds(s * stripe, stripe)],
                            acc_sh.at[pl.ds(s * stripe, stripe)])
            plsc.subcore_barrier()

            for t in range(GLAG):
                fire_g(t, t)

            def body(g, carry):
                for t in range(NBUF):
                    j = g * NBUF + t
                    wait_g(j, t)
                    fire_s(j, t)
                    u = (t + GLAG) % NBUF
                    jn = j + GLAG
                    jd = jn - NBUF

                    @pl.when(jd >= 0)
                    def _():
                        wait_s(jd, u)

                    @pl.when(jn < k)
                    def _():
                        fire_g(jn, u)
                return carry

            lax.fori_loop(0, groups, body, 0)
            for j in range(k - (NBUF - GLAG), k):
                wait_s(j, j % NBUF)
            plsc.subcore_barrier()
            pltpu.sync_copy(acc_sh.at[pl.ds(s * stripe, stripe)],
                            out_hbm.at[p, c, pl.ds(s * stripe, stripe)])

    return scatter_kernel



BM = 2560


def _h1_body(x_ref, w_ref, o_ref):
    o_ref[...] = jnp.dot(x_ref[...], w_ref[...],
                         preferred_element_type=jnp.float32)


def _g1_body(h_ref, degp_ref, o_ref):
    d = lax.rsqrt(degp_ref[0, :] + degp_ref[1, :] + 1.0)
    g = h_ref[...] * d[:, None]
    o_ref[0, :, :] = g[:, :FH]
    o_ref[1, :, :] = g[:, FH:]


def _mid_body(p_ref, g1_ref, degp_ref, b1_ref, w2_ref, o_ref):
    d = lax.rsqrt(degp_ref[0, :] + degp_ref[1, :] + 1.0)
    s_lo = p_ref[0, 0] + p_ref[0, 1] + g1_ref[0]
    s_hi = p_ref[1, 0] + p_ref[1, 1] + g1_ref[1]
    s_tot = jnp.concatenate([s_lo, s_hi], axis=1)
    out1 = jnp.maximum(s_tot * d[:, None] + b1_ref[...], 0.0)
    o_ref[...] = jnp.dot(out1, w2_ref[...],
                         preferred_element_type=jnp.float32) * d[:, None]


def _fin_body(q_ref, g2_ref, degp_ref, b2_ref, o_ref):
    d = lax.rsqrt(degp_ref[0, :] + degp_ref[1, :] + 1.0)
    s_tot = q_ref[0, 0] + q_ref[0, 1] + g2_ref[...]
    o_ref[...] = jnp.maximum(s_tot * d[:, None] + b2_ref[...], 0.0)


def _row_spec(f):
    return pl.BlockSpec((BM, f), lambda i: (i, 0))


def _half_spec(npass):
    return pl.BlockSpec((npass, BM, FH), lambda i: (0, i, 0))


def _part_spec(npass):
    return pl.BlockSpec((npass, NC, BM, FH), lambda i: (0, 0, i, 0))


_DEG_SPEC = pl.BlockSpec((NC, BM), lambda i: (0, i))


def _full_spec(r, c):
    return pl.BlockSpec((r, c), lambda i: (0, 0))



def kernel(x, edge_index, W1, b1, W2, b2):
    N, F_in = x.shape
    H = W1.shape[1]
    C = W2.shape[1]
    E = edge_index.shape[1]

    n_pad = _cdiv(N, BM) * BM
    k = _cdiv(_cdiv(E, NW * CHUNK), NBUF) * NBUF
    e_pad = NW * k * CHUNK

    pad_node = n_pad - 1
    if e_pad == E:
        src = edge_index[0].astype(jnp.int32).reshape(NW, k, CHUNK)
        dst = edge_index[1].astype(jnp.int32).reshape(NW, k, CHUNK)
    else:
        src = jnp.full((e_pad,), pad_node, jnp.int32).at[:E].set(
            edge_index[0].astype(jnp.int32)).reshape(NW, k, CHUNK)
        dst = jnp.full((e_pad,), pad_node, jnp.int32).at[:E].set(
            edge_index[1].astype(jnp.int32)).reshape(NW, k, CHUNK)
    x_pad = jnp.zeros((n_pad, F_in), jnp.float32).at[:N].set(x)

    zeros1 = jnp.zeros((n_pad,), jnp.float32)
    zerosF = jnp.zeros((n_pad, FH), jnp.float32)

    grid = (n_pad // BM,)
    h1 = pl.pallas_call(
        _h1_body,
        grid=grid,
        in_specs=[_row_spec(F_in), _full_spec(F_in, H)],
        out_specs=_row_spec(H),
        out_shape=jax.ShapeDtypeStruct((n_pad, H), jnp.float32),
    )(x_pad, W1)

    degp = _make_deg_kernel(n_pad, k)(dst, zeros1)

    g1 = pl.pallas_call(
        _g1_body,
        grid=grid,
        in_specs=[_row_spec(H), _DEG_SPEC],
        out_specs=_half_spec(2),
        out_shape=jax.ShapeDtypeStruct((2, n_pad, FH), jnp.float32),
    )(h1, degp)

    p1 = _make_scatter_kernel(n_pad, k, 2)(src, dst, g1, zerosF)

    g2 = pl.pallas_call(
        _mid_body,
        grid=grid,
        in_specs=[_part_spec(2), _half_spec(2), _DEG_SPEC,
                  _full_spec(1, H), _full_spec(H, C)],
        out_specs=_row_spec(C),
        out_shape=jax.ShapeDtypeStruct((n_pad, C), jnp.float32),
    )(p1, g1, degp, b1.reshape(1, H), W2)

    p2 = _make_scatter_kernel(n_pad, k, 1)(src, dst,
                                           g2.reshape(1, n_pad, FH), zerosF)

    out = pl.pallas_call(
        _fin_body,
        grid=grid,
        in_specs=[_part_spec(1), _row_spec(C), _DEG_SPEC, _full_spec(1, C)],
        out_specs=_row_spec(C),
        out_shape=jax.ShapeDtypeStruct((n_pad, C), jnp.float32),
    )(p2, g2, degp, b2.reshape(1, C))

    return out[:N]

# --- scband reference (transcript-rebuilt; emitter-appended) ---
"""Pipeline reference for scband-gcn-6786048328632 (READ-ONLY COPY).

The authoritative reference and input builder live on the scoring server;
editing this copy changes nothing except your own understanding.
"""

import jax, jax.numpy as jnp
import numpy as np


def gcn_conv(x, edge_index, W, b):
    # Faithful PyG GCNConv: add self-loops, symmetric normalization, linear transform,
    # normalized scatter-add aggregation, bias.
    N = x.shape[0]
    loop = jnp.arange(N, dtype=edge_index.dtype)
    src = jnp.concatenate([edge_index[0], loop])
    dst = jnp.concatenate([edge_index[1], loop])
    deg = jnp.zeros((N,), dtype=x.dtype).at[dst].add(1.0)
    deg_inv_sqrt = jnp.where(deg > 0, 1.0 / jnp.sqrt(deg), 0.0)
    norm = deg_inv_sqrt[src] * deg_inv_sqrt[dst]
    h = x @ W
    msg = h[src] * norm[:, None]
    out = jnp.zeros((N, h.shape[1]), dtype=x.dtype).at[dst].add(msg)
    return out + b


def setup_inputs(seed: int = 0) -> dict:
    key = jax.random.key(seed)
    k1, k2, k3, k4, k5, k6 = jax.random.split(key, 6)
    N, E = 10000, 320000
    F_in, H, C = 128, 128, 64
    x = jax.random.normal(k1, (N, F_in), dtype=jnp.float32)
    edge_index = jax.random.randint(k2, (2, E), 0, N, dtype=jnp.int32)
    W1 = jax.random.normal(k3, (F_in, H), dtype=jnp.float32) * (1.0 / np.sqrt(F_in))
    b1 = jnp.zeros((H,), dtype=jnp.float32)
    W2 = jax.random.normal(k4, (H, C), dtype=jnp.float32) * (1.0 / np.sqrt(H))
    b2 = jnp.zeros((C,), dtype=jnp.float32)
    return {"x": x, "edge_index": edge_index, "W1": W1, "b1": b1, "W2": W2, "b2": b2}


def reference(x, edge_index, W1, b1, W2, b2):
    h = jax.nn.relu(gcn_conv(x, edge_index, W1, b1))
    out = jax.nn.relu(gcn_conv(h, edge_index, W2, b2))
    # F.dropout(x, training=self.training): identity in eval mode (inference reference)
    return out

if __name__ == "__main__":
    import jax
    _d = setup_inputs()
    print(jax.jit(kernel)(*tuple(_d.values())))

</pallas_src>

<mosaic_0001>
#map = affine_map<(d0, d1) -> (0, 0, 0)>
#map1 = affine_map<(d0, d1) -> (0, 0)>
#map2 = affine_map<(d0, d1) -> (0, 0, 0, 0)>
module attributes {stable_mosaic.version = 14 : i64} {
  func.func @scatter_kernel(%arg0: i32, %arg1: i32, %arg2: memref<32x100x100xi32, #tpu.memory_space<hbm>>, %arg3: memref<32x100x100xi32, #tpu.memory_space<hbm>>, %arg4: memref<1x10240x64xf32, #tpu.memory_space<hbm>>, %arg5: memref<10240x64xf32, #tpu.memory_space<hbm>>, %arg6: memref<1x2x10240x64xf32, #tpu.memory_space<hbm>>, %arg7: memref<100x100xi32, #tpu.memory_space<vmem>>, %arg8: memref<100x100xi32, #tpu.memory_space<vmem>>, %arg9: memref<100x64xf32, #tpu.memory_space<vmem>>, %arg10: memref<100x64xf32, #tpu.memory_space<vmem>>, %arg11: memref<100x64xf32, #tpu.memory_space<vmem>>, %arg12: memref<100x64xf32, #tpu.memory_space<vmem>>, %arg13: memref<10240x64xf32, #tpu.memory_space<vmem_shared>>, %arg14: memref<10240x64xf32, #tpu.memory_space<vmem_shared>>, %arg15: memref<!tpu.dma_semaphore, #tpu.memory_space<semaphore_mem>>, %arg16: memref<!tpu.dma_semaphore, #tpu.memory_space<semaphore_mem>>, %arg17: memref<!tpu.dma_semaphore, #tpu.memory_space<semaphore_mem>>, %arg18: memref<!tpu.dma_semaphore, #tpu.memory_space<semaphore_mem>>, %arg19: memref<!tpu.dma_semaphore, #tpu.memory_space<semaphore_mem>>, %arg20: memref<!tpu.dma_semaphore, #tpu.memory_space<semaphore_mem>>, %arg21: memref<!tpu.dma_semaphore, #tpu.memory_space<semaphore_mem>>, %arg22: memref<!tpu.dma_semaphore, #tpu.memory_space<semaphore_mem>>) attributes {dimension_semantics = [#tpu.dimension_semantics<core_parallel>, #tpu.dimension_semantics<subcore_parallel>], iteration_bounds = array<i64: 2, 16>, scalar_prefetch = 0 : i64, scratch_operands = 16 : i64, tpu.core_type = #tpu.core_type<sc_vector_subcore>, window_params = [{transform_indices = #map}, {transform_indices = #map}, {transform_indices = #map}, {transform_indices = #map1}, {transform_indices = #map2}]} {
    %mul3A = arith.constant 2 : i32
    %mul3A_0 = arith.muli %arg1, %mul3A : i32
    %add3A = arith.addi %mul3A_0, %arg0 : i32
    "tpu.region"() ({
      %run_scoped3A_46 = tpu.sem_alloc : memref<!tpu.dma_semaphore, #tpu.memory_space<semaphore_mem>>
      %dma_start3A_47 = arith.constant 0 : i32
      %dma_start3A_48 = arith.constant 0 : i32
      %dma_start3A_49 = tpu.memref_slice %arg2[%add3A, %dma_start3A_47, %dma_start3A_48] : memref<32x100x100xi32, #tpu.memory_space<hbm>> -> memref<1x100x100xi32, #tpu.memory_space<hbm>>
      %dma_start3A_50 = tpu.memref_squeeze %dma_start3A_49 : memref<1x100x100xi32, #tpu.memory_space<hbm>> -> memref<100x100xi32, #tpu.memory_space<hbm>>
      %dma_start3A_51 = arith.constant 0 : i32
      %dma_start3A_52 = arith.constant 0 : i32
      %dma_start3A_53 = tpu.memref_slice %arg2[%add3A, %dma_start3A_51, %dma_start3A_52] : memref<32x100x100xi32, #tpu.memory_space<hbm>> -> memref<1x100x100xi32, #tpu.memory_space<hbm>>
      %dma_start3A_54 = tpu.memref_squeeze %dma_start3A_53 : memref<1x100x100xi32, #tpu.memory_space<hbm>> -> memref<100x100xi32, #tpu.memory_space<hbm>>
      tpu.enqueue_dma source(%dma_start3A_54 : memref<100x100xi32, #tpu.memory_space<hbm>>) target(%arg7 : memref<100x100xi32, #tpu.memory_space<vmem>>) target_semaphore(%run_scoped3A_46 : memref<!tpu.dma_semaphore, #tpu.memory_space<semaphore_mem>>)
      %dma_wait3A_55 = arith.constant 0 : i32
      %dma_wait3A_56 = arith.constant 0 : i32
      %dma_wait3A_57 = tpu.memref_slice %arg2[%add3A, %dma_wait3A_55, %dma_wait3A_56] : memref<32x100x100xi32, #tpu.memory_space<hbm>> -> memref<1x100x100xi32, #tpu.memory_space<hbm>>
      %dma_wait3A_58 = tpu.memref_squeeze %dma_wait3A_57 : memref<1x100x100xi32, #tpu.memory_space<hbm>> -> memref<100x100xi32, #tpu.memory_space<hbm>>
      %dma_wait3A_59 = arith.constant 0 : i32
      %dma_wait3A_60 = arith.constant 0 : i32
      %dma_wait3A_61 = tpu.memref_slice %arg2[%add3A, %dma_wait3A_59, %dma_wait3A_60] : memref<32x100x100xi32, #tpu.memory_space<hbm>> -> memref<1x100x100xi32, #tpu.memory_space<hbm>>
      %dma_wait3A_62 = tpu.memref_squeeze %dma_wait3A_61 : memref<1x100x100xi32, #tpu.memory_space<hbm>> -> memref<100x100xi32, #tpu.memory_space<hbm>>
      tpu.wait_dma2 semaphore(%run_scoped3A_46 : memref<!tpu.dma_semaphore, #tpu.memory_space<semaphore_mem>>) src(%dma_wait3A_62 : memref<100x100xi32, #tpu.memory_space<hbm>>) dst(%arg7 : memref<100x100xi32, #tpu.memory_space<vmem>>)
      tpu.yield
    }) : () -> ()
    "tpu.region"() ({
      %run_scoped3A_46 = tpu.sem_alloc : memref<!tpu.dma_semaphore, #tpu.memory_space<semaphore_mem>>
      %dma_start3A_47 = arith.constant 0 : i32
      %dma_start3A_48 = arith.constant 0 : i32
      %dma_start3A_49 = tpu.memref_slice %arg3[%add3A, %dma_start3A_47, %dma_start3A_48] : memref<32x100x100xi32, #tpu.memory_space<hbm>> -> memref<1x100x100xi32, #tpu.memory_space<hbm>>
      %dma_start3A_50 = tpu.memref_squeeze %dma_start3A_49 : memref<1x100x100xi32, #tpu.memory_space<hbm>> -> memref<100x100xi32, #tpu.memory_space<hbm>>
      %dma_start3A_51 = arith.constant 0 : i32
      %dma_start3A_52 = arith.constant 0 : i32
      %dma_start3A_53 = tpu.memref_slice %arg3[%add3A, %dma_start3A_51, %dma_start3A_52] : memref<32x100x100xi32, #tpu.memory_space<hbm>> -> memref<1x100x100xi32, #tpu.memory_space<hbm>>
      %dma_start3A_54 = tpu.memref_squeeze %dma_start3A_53 : memref<1x100x100xi32, #tpu.memory_space<hbm>> -> memref<100x100xi32, #tpu.memory_space<hbm>>
      tpu.enqueue_dma source(%dma_start3A_54 : memref<100x100xi32, #tpu.memory_space<hbm>>) target(%arg8 : memref<100x100xi32, #tpu.memory_space<vmem>>) target_semaphore(%run_scoped3A_46 : memref<!tpu.dma_semaphore, #tpu.memory_space<semaphore_mem>>)
      %dma_wait3A_55 = arith.constant 0 : i32
      %dma_wait3A_56 = arith.constant 0 : i32
      %dma_wait3A_57 = tpu.memref_slice %arg3[%add3A, %dma_wait3A_55, %dma_wait3A_56] : memref<32x100x100xi32, #tpu.memory_space<hbm>> -> memref<1x100x100xi32, #tpu.memory_space<hbm>>
      %dma_wait3A_58 = tpu.memref_squeeze %dma_wait3A_57 : memref<1x100x100xi32, #tpu.memory_space<hbm>> -> memref<100x100xi32, #tpu.memory_space<hbm>>
      %dma_wait3A_59 = arith.constant 0 : i32
      %dma_wait3A_60 = arith.constant 0 : i32
      %dma_wait3A_61 = tpu.memref_slice %arg3[%add3A, %dma_wait3A_59, %dma_wait3A_60] : memref<32x100x100xi32, #tpu.memory_space<hbm>> -> memref<1x100x100xi32, #tpu.memory_space<hbm>>
      %dma_wait3A_62 = tpu.memref_squeeze %dma_wait3A_61 : memref<1x100x100xi32, #tpu.memory_space<hbm>> -> memref<100x100xi32, #tpu.memory_space<hbm>>
      tpu.wait_dma2 semaphore(%run_scoped3A_46 : memref<!tpu.dma_semaphore, #tpu.memory_space<semaphore_mem>>) src(%dma_wait3A_62 : memref<100x100xi32, #tpu.memory_space<hbm>>) dst(%arg8 : memref<100x100xi32, #tpu.memory_space<vmem>>)
      tpu.yield
    }) : () -> ()
    %mul3A_1 = arith.constant 640 : i32
    %mul3A_2 = arith.muli %arg1, %mul3A_1 : i32
    %mul3A_3 = arith.constant 640 : i32
    %mul3A_4 = arith.muli %arg1, %mul3A_3 : i32
    %run_scoped3A = arith.constant 0 : i32
    "tpu.region"() ({
      %run_scoped3A_46 = tpu.sem_alloc : memref<!tpu.dma_semaphore, #tpu.memory_space<semaphore_mem>>
      %dma_start3A_47 = arith.constant 0 : i32
      %dma_start3A_48 = tpu.memref_slice %arg13[%mul3A_4, %dma_start3A_47] : memref<10240x64xf32, #tpu.memory_space<vmem_shared>> -> memref<640x64xf32, #tpu.memory_space<vmem_shared>>
      %dma_start3A_49 = arith.constant 0 : i32
      %dma_start3A_50 = tpu.memref_slice %arg4[%run_scoped3A, %mul3A_2, %dma_start3A_49] : memref<1x10240x64xf32, #tpu.memory_space<hbm>> -> memref<1x640x64xf32, #tpu.memory_space<hbm>>
      %dma_start3A_51 = tpu.memref_squeeze %dma_start3A_50 : memref<1x640x64xf32, #tpu.memory_space<hbm>> -> memref<640x64xf32, #tpu.memory_space<hbm>>
      tpu.enqueue_dma source(%dma_start3A_51 : memref<640x64xf32, #tpu.memory_space<hbm>>) target(%dma_start3A_48 : memref<640x64xf32, #tpu.memory_space<vmem_shared>>) target_semaphore(%run_scoped3A_46 : memref<!tpu.dma_semaphore, #tpu.memory_space<semaphore_mem>>)
      %dma_wait3A_52 = arith.constant 0 : i32
      %dma_wait3A_53 = tpu.memref_slice %arg13[%mul3A_4, %dma_wait3A_52] : memref<10240x64xf32, #tpu.memory_space<vmem_shared>> -> memref<640x64xf32, #tpu.memory_space<vmem_shared>>
      %dma_wait3A_54 = arith.constant 0 : i32
      %dma_wait3A_55 = tpu.memref_slice %arg4[%run_scoped3A, %mul3A_2, %dma_wait3A_54] : memref<1x10240x64xf32, #tpu.memory_space<hbm>> -> memref<1x640x64xf32, #tpu.memory_space<hbm>>
      %dma_wait3A_56 = tpu.memref_squeeze %dma_wait3A_55 : memref<1x640x64xf32, #tpu.memory_space<hbm>> -> memref<640x64xf32, #tpu.memory_space<hbm>>
      tpu.wait_dma2 semaphore(%run_scoped3A_46 : memref<!tpu.dma_semaphore, #tpu.memory_space<semaphore_mem>>) src(%dma_wait3A_56 : memref<640x64xf32, #tpu.memory_space<hbm>>) dst(%dma_wait3A_53 : memref<640x64xf32, #tpu.memory_space<vmem_shared>>)
      tpu.yield
    }) : () -> ()
    %mul3A_5 = arith.constant 640 : i32
    %mul3A_6 = arith.muli %arg1, %mul3A_5 : i32
    %mul3A_7 = arith.constant 640 : i32
    %mul3A_8 = arith.muli %arg1, %mul3A_7 : i32
    "tpu.region"() ({
      %run_scoped3A_46 = tpu.sem_alloc : memref<!tpu.dma_semaphore, #tpu.memory_space<semaphore_mem>>
      %dma_start3A_47 = arith.constant 0 : i32
      %dma_start3A_48 = tpu.memref_slice %arg14[%mul3A_8, %dma_start3A_47] : memref<10240x64xf32, #tpu.memory_space<vmem_shared>> -> memref<640x64xf32, #tpu.memory_space<vmem_shared>>
      %dma_start3A_49 = arith.constant 0 : i32
      %dma_start3A_50 = tpu.memref_slice %arg5[%mul3A_6, %dma_start3A_49] : memref<10240x64xf32, #tpu.memory_space<hbm>> -> memref<640x64xf32, #tpu.memory_space<hbm>>
      tpu.enqueue_dma source(%dma_start3A_50 : memref<640x64xf32, #tpu.memory_space<hbm>>) target(%dma_start3A_48 : memref<640x64xf32, #tpu.memory_space<vmem_shared>>) target_semaphore(%run_scoped3A_46 : memref<!tpu.dma_semaphore, #tpu.memory_space<semaphore_mem>>)
      %dma_wait3A_51 = arith.constant 0 : i32
      %dma_wait3A_52 = tpu.memref_slice %arg14[%mul3A_8, %dma_wait3A_51] : memref<10240x64xf32, #tpu.memory_space<vmem_shared>> -> memref<640x64xf32, #tpu.memory_space<vmem_shared>>
      %dma_wait3A_53 = arith.constant 0 : i32
      %dma_wait3A_54 = tpu.memref_slice %arg5[%mul3A_6, %dma_wait3A_53] : memref<10240x64xf32, #tpu.memory_space<hbm>> -> memref<640x64xf32, #tpu.memory_space<hbm>>
      tpu.wait_dma2 semaphore(%run_scoped3A_46 : memref<!tpu.dma_semaphore, #tpu.memory_space<semaphore_mem>>) src(%dma_wait3A_54 : memref<640x64xf32, #tpu.memory_space<hbm>>) dst(%dma_wait3A_52 : memref<640x64xf32, #tpu.memory_space<vmem_shared>>)
      tpu.yield
    }) : () -> ()
    %barrier3A = arith.constant 0 : index
    tpu.barrier barrier_id(%barrier3A)
    %dma_start3A = arith.constant 0 : i32
    %dma_start3A_9 = arith.constant 0 : i32
    %dma_start3A_10 = tpu.memref_slice %arg7[%dma_start3A, %dma_start3A_9] : memref<100x100xi32, #tpu.memory_space<vmem>> -> memref<1x100xi32, #tpu.memory_space<vmem>>
    %dma_start3A_11 = tpu.memref_squeeze %dma_start3A_10 : memref<1x100xi32, #tpu.memory_space<vmem>> -> memref<100xi32, #tpu.memory_space<vmem>>
    %dma_start3A_12 = arith.constant 0 : i32
    %dma_start3A_13 = arith.constant 0 : i32
    %dma_start3A_14 = tpu.memref_slice %arg13[%dma_start3A_12, %dma_start3A_13] : memref<10240x64xf32, #tpu.memory_space<vmem_shared>> -> memref<10240x64xf32, #tpu.memory_space<vmem_shared>>
    tpu.enqueue_indirect_dma source(%dma_start3A_14 : memref<10240x64xf32, #tpu.memory_space<vmem_shared>>) target(%arg9 : memref<100x64xf32, #tpu.memory_space<vmem>>) offsets(%dma_start3A_11 : memref<100xi32, #tpu.memory_space<vmem>>) semaphore(%arg15 : memref<!tpu.dma_semaphore, #tpu.memory_space<semaphore_mem>>)
    %dma_start3A_15 = arith.constant 1 : i32
    %dma_start3A_16 = arith.constant 0 : i32
    %dma_start3A_17 = tpu.memref_slice %arg7[%dma_start3A_15, %dma_start3A_16] : memref<100x100xi32, #tpu.memory_space<vmem>> -> memref<1x100xi32, #tpu.memory_space<vmem>>
    %dma_start3A_18 = tpu.memref_squeeze %dma_start3A_17 : memref<1x100xi32, #tpu.memory_space<vmem>> -> memref<100xi32, #tpu.memory_space<vmem>>
    %dma_start3A_19 = arith.constant 0 : i32
    %dma_start3A_20 = arith.constant 0 : i32
    %dma_start3A_21 = tpu.memref_slice %arg13[%dma_start3A_19, %dma_start3A_20] : memref<10240x64xf32, #tpu.memory_space<vmem_shared>> -> memref<10240x64xf32, #tpu.memory_space<vmem_shared>>
    tpu.enqueue_indirect_dma source(%dma_start3A_21 : memref<10240x64xf32, #tpu.memory_space<vmem_shared>>) target(%arg10 : memref<100x64xf32, #tpu.memory_space<vmem>>) offsets(%dma_start3A_18 : memref<100xi32, #tpu.memory_space<vmem>>) semaphore(%arg16 : memref<!tpu.dma_semaphore, #tpu.memory_space<semaphore_mem>>)
    %dma_start3A_22 = arith.constant 2 : i32
    %dma_start3A_23 = arith.constant 0 : i32
    %dma_start3A_24 = tpu.memref_slice %arg7[%dma_start3A_22, %dma_start3A_23] : memref<100x100xi32, #tpu.memory_space<vmem>> -> memref<1x100xi32, #tpu.memory_space<vmem>>
    %dma_start3A_25 = tpu.memref_squeeze %dma_start3A_24 : memref<1x100xi32, #tpu.memory_space<vmem>> -> memref<100xi32, #tpu.memory_space<vmem>>
    %dma_start3A_26 = arith.constant 0 : i32
    %dma_start3A_27 = arith.constant 0 : i32
    %dma_start3A_28 = tpu.memref_slice %arg13[%dma_start3A_26, %dma_start3A_27] : memref<10240x64xf32, #tpu.memory_space<vmem_shared>> -> memref<10240x64xf32, #tpu.memory_space<vmem_shared>>
    tpu.enqueue_indirect_dma source(%dma_start3A_28 : memref<10240x64xf32, #tpu.memory_space<vmem_shared>>) target(%arg11 : memref<100x64xf32, #tpu.memory_space<vmem>>) offsets(%dma_start3A_25 : memref<100xi32, #tpu.memory_space<vmem>>) semaphore(%arg17 : memref<!tpu.dma_semaphore, #tpu.memory_space<semaphore_mem>>)
    %scan3A = arith.constant 0 : i32
    %scan3A_29 = arith.constant 0 : i32
    %scan3A_30 = arith.constant 25 : i32
    %scan3A_31 = arith.addi %scan3A_29, %scan3A_30 : i32
    %scan3A_32 = arith.constant 1 : i32
    scf.for %scan3A_46 = %scan3A_29 to %scan3A_31 step %scan3A_32  : i32 {
      %mul3A_47 = arith.constant 4 : i32
      %mul3A_48 = arith.muli %scan3A_46, %mul3A_47 : i32
      %add3A_49 = arith.constant 0 : i32
      %add3A_50 = arith.addi %mul3A_48, %add3A_49 : i32
      %dma_wait3A_51 = arith.constant 0 : i32
      %dma_wait3A_52 = tpu.memref_slice %arg7[%add3A_50, %dma_wait3A_51] : memref<100x100xi32, #tpu.memory_space<vmem>> -> memref<1x100xi32, #tpu.memory_space<vmem>>
      %dma_wait3A_53 = tpu.memref_squeeze %dma_wait3A_52 : memref<1x100xi32, #tpu.memory_space<vmem>> -> memref<100xi32, #tpu.memory_space<vmem>>
      %dma_wait3A_54 = arith.constant 0 : i32
      %dma_wait3A_55 = arith.constant 0 : i32
      %dma_wait3A_56 = tpu.memref_slice %arg13[%dma_wait3A_54, %dma_wait3A_55] : memref<10240x64xf32, #tpu.memory_space<vmem_shared>> -> memref<10240x64xf32, #tpu.memory_space<vmem_shared>>
      tpu.wait_indirect_dma semaphore(%arg15 : memref<!tpu.dma_semaphore, #tpu.memory_space<semaphore_mem>>) src(%dma_wait3A_56 : memref<10240x64xf32, #tpu.memory_space<vmem_shared>>) dst(%arg9 : memref<100x64xf32, #tpu.memory_space<vmem>>)
      %dma_start3A_57 = arith.constant 0 : i32
      %dma_start3A_58 = tpu.memref_slice %arg8[%add3A_50, %dma_start3A_57] : memref<100x100xi32, #tpu.memory_space<vmem>> -> memref<1x100xi32, #tpu.memory_space<vmem>>
      %dma_start3A_59 = tpu.memref_squeeze %dma_start3A_58 : memref<1x100xi32, #tpu.memory_space<vmem>> -> memref<100xi32, #tpu.memory_space<vmem>>
      %dma_start3A_60 = arith.constant 0 : i32
      %dma_start3A_61 = arith.constant 0 : i32
      %dma_start3A_62 = tpu.memref_slice %arg14[%dma_start3A_60, %dma_start3A_61] : memref<10240x64xf32, #tpu.memory_space<vmem_shared>> -> memref<10240x64xf32, #tpu.memory_space<vmem_shared>>
      tpu.enqueue_indirect_dma source(%arg9 : memref<100x64xf32, #tpu.memory_space<vmem>>) target(%dma_start3A_62 : memref<10240x64xf32, #tpu.memory_space<vmem_shared>>) offsets(%dma_start3A_59 : memref<100xi32, #tpu.memory_space<vmem>>) semaphore(%arg19 : memref<!tpu.dma_semaphore, #tpu.memory_space<semaphore_mem>>) {add = true}
      %add3A_63 = arith.constant 3 : i32
      %add3A_64 = arith.addi %add3A_50, %add3A_63 : i32
      %sub3A = arith.constant 4 : i32
      %sub3A_65 = arith.subi %add3A_64, %sub3A : i32
      %ge3A = arith.constant 0 : i32
      %ge3A_66 = arith.cmpi sge, %sub3A_65, %ge3A : i32
      %convert_element_type3A = arith.extui %ge3A_66 : i1 to i32
      %cond3A = arith.constant 0 : i32
      %cond3A_67 = arith.cmpi ne, %convert_element_type3A, %cond3A : i32
      scf.if %cond3A_67 {
        %dma_wait3A_162 = arith.constant 0 : i32
        %dma_wait3A_163 = tpu.memref_slice %arg8[%sub3A_65, %dma_wait3A_162] : memref<100x100xi32, #tpu.memory_space<vmem>> -> memref<1x100xi32, #tpu.memory_space<vmem>>
        %dma_wait3A_164 = tpu.memref_squeeze %dma_wait3A_163 : memref<1x100xi32, #tpu.memory_space<vmem>> -> memref<100xi32, #tpu.memory_space<vmem>>
        %dma_wait3A_165 = arith.constant 0 : i32
        %dma_wait3A_166 = arith.constant 0 : i32
        %dma_wait3A_167 = tpu.memref_slice %arg14[%dma_wait3A_165, %dma_wait3A_166] : memref<10240x64xf32, #tpu.memory_space<vmem_shared>> -> memref<10240x64xf32, #tpu.memory_space<vmem_shared>>
        tpu.wait_indirect_dma semaphore(%arg22 : memref<!tpu.dma_semaphore, #tpu.memory_space<semaphore_mem>>) src(%arg12 : memref<100x64xf32, #tpu.memory_space<vmem>>) dst(%dma_wait3A_167 : memref<10240x64xf32, #tpu.memory_space<vmem_shared>>)
      } else {
      }
      %lt3A = arith.constant 100 : i32
      %lt3A_68 = arith.cmpi slt, %add3A_64, %lt3A : i32
      %convert_element_type3A_69 = arith.extui %lt3A_68 : i1 to i32
      %cond3A_70 = arith.constant 0 : i32
      %cond3A_71 = arith.cmpi ne, %convert_element_type3A_69, %cond3A_70 : i32
      scf.if %cond3A_71 {
        %dma_start3A_162 = arith.constant 0 : i32
        %dma_start3A_163 = tpu.memref_slice %arg7[%add3A_64, %dma_start3A_162] : memref<100x100xi32, #tpu.memory_space<vmem>> -> memref<1x100xi32, #tpu.memory_space<vmem>>
        %dma_start3A_164 = tpu.memref_squeeze %dma_start3A_163 : memref<1x100xi32, #tpu.memory_space<vmem>> -> memref<100xi32, #tpu.memory_space<vmem>>
        %dma_start3A_165 = arith.constant 0 : i32
        %dma_start3A_166 = arith.constant 0 : i32
        %dma_start3A_167 = tpu.memref_slice %arg13[%dma_start3A_165, %dma_start3A_166] : memref<10240x64xf32, #tpu.memory_space<vmem_shared>> -> memref<10240x64xf32, #tpu.memory_space<vmem_shared>>
        tpu.enqueue_indirect_dma source(%dma_start3A_167 : memref<10240x64xf32, #tpu.memory_space<vmem_shared>>) target(%arg12 : memref<100x64xf32, #tpu.memory_space<vmem>>) offsets(%dma_start3A_164 : memref<100xi32, #tpu.memory_space<vmem>>) semaphore(%arg18 : memref<!tpu.dma_semaphore, #tpu.memory_space<semaphore_mem>>)
      } else {
      }
      %mul3A_72 = arith.constant 4 : i32
      %mul3A_73 = arith.muli %scan3A_46, %mul3A_72 : i32
      %add3A_74 = arith.constant 1 : i32
      %add3A_75 = arith.addi %mul3A_73, %add3A_74 : i32
      %dma_wait3A_76 = arith.constant 0 : i32
      %dma_wait3A_77 = tpu.memref_slice %arg7[%add3A_75, %dma_wait3A_76] : memref<100x100xi32, #tpu.memory_space<vmem>> -> memref<1x100xi32, #tpu.memory_space<vmem>>
      %dma_wait3A_78 = tpu.memref_squeeze %dma_wait3A_77 : memref<1x100xi32, #tpu.memory_space<vmem>> -> memref<100xi32, #tpu.memory_space<vmem>>
      %dma_wait3A_79 = arith.constant 0 : i32
      %dma_wait3A_80 = arith.constant 0 : i32
      %dma_wait3A_81 = tpu.memref_slice %arg13[%dma_wait3A_79, %dma_wait3A_80] : memref<10240x64xf32, #tpu.memory_space<vmem_shared>> -> memref<10240x64xf32, #tpu.memory_space<vmem_shared>>
      tpu.wait_indirect_dma semaphore(%arg16 : memref<!tpu.dma_semaphore, #tpu.memory_space<semaphore_mem>>) src(%dma_wait3A_81 : memref<10240x64xf32, #tpu.memory_space<vmem_shared>>) dst(%arg10 : memref<100x64xf32, #tpu.memory_space<vmem>>)
      %dma_start3A_82 = arith.constant 0 : i32
      %dma_start3A_83 = tpu.memref_slice %arg8[%add3A_75, %dma_start3A_82] : memref<100x100xi32, #tpu.memory_space<vmem>> -> memref<1x100xi32, #tpu.memory_space<vmem>>
      %dma_start3A_84 = tpu.memref_squeeze %dma_start3A_83 : memref<1x100xi32, #tpu.memory_space<vmem>> -> memref<100xi32, #tpu.memory_space<vmem>>
      %dma_start3A_85 = arith.constant 0 : i32
      %dma_start3A_86 = arith.constant 0 : i32
      %dma_start3A_87 = tpu.memref_slice %arg14[%dma_start3A_85, %dma_start3A_86] : memref<10240x64xf32, #tpu.memory_space<vmem_shared>> -> memref<10240x64xf32, #tpu.memory_space<vmem_shared>>
      tpu.enqueue_indirect_dma source(%arg10 : memref<100x64xf32, #tpu.memory_space<vmem>>) target(%dma_start3A_87 : memref<10240x64xf32, #tpu.memory_space<vmem_shared>>) offsets(%dma_start3A_84 : memref<100xi32, #tpu.memory_space<vmem>>) semaphore(%arg20 : memref<!tpu.dma_semaphore, #tpu.memory_space<semaphore_mem>>) {add = true}
      %add3A_88 = arith.constant 3 : i32
      %add3A_89 = arith.addi %add3A_75, %add3A_88 : i32
      %sub3A_90 = arith.constant 4 : i32
      %sub3A_91 = arith.subi %add3A_89, %sub3A_90 : i32
      %ge3A_92 = arith.constant 0 : i32
      %ge3A_93 = arith.cmpi sge, %sub3A_91, %ge3A_92 : i32
      %convert_element_type3A_94 = arith.extui %ge3A_93 : i1 to i32
      %cond3A_95 = arith.constant 0 : i32
      %cond3A_96 = arith.cmpi ne, %convert_element_type3A_94, %cond3A_95 : i32
      scf.if %cond3A_96 {
        %dma_wait3A_162 = arith.constant 0 : i32
        %dma_wait3A_163 = tpu.memref_slice %arg8[%sub3A_91, %dma_wait3A_162] : memref<100x100xi32, #tpu.memory_space<vmem>> -> memref<1x100xi32, #tpu.memory_space<vmem>>
        %dma_wait3A_164 = tpu.memref_squeeze %dma_wait3A_163 : memref<1x100xi32, #tpu.memory_space<vmem>> -> memref<100xi32, #tpu.memory_space<vmem>>
        %dma_wait3A_165 = arith.constant 0 : i32
        %dma_wait3A_166 = arith.constant 0 : i32
        %dma_wait3A_167 = tpu.memref_slice %arg14[%dma_wait3A_165, %dma_wait3A_166] : memref<10240x64xf32, #tpu.memory_space<vmem_shared>> -> memref<10240x64xf32, #tpu.memory_space<vmem_shared>>
        tpu.wait_indirect_dma semaphore(%arg19 : memref<!tpu.dma_semaphore, #tpu.memory_space<semaphore_mem>>) src(%arg9 : memref<100x64xf32, #tpu.memory_space<vmem>>) dst(%dma_wait3A_167 : memref<10240x64xf32, #tpu.memory_space<vmem_shared>>)
      } else {
      }
      %lt3A_97 = arith.constant 100 : i32
      %lt3A_98 = arith.cmpi slt, %add3A_89, %lt3A_97 : i32
      %convert_element_type3A_99 = arith.extui %lt3A_98 : i1 to i32
      %cond3A_100 = arith.constant 0 : i32
      %cond3A_101 = arith.cmpi ne, %convert_element_type3A_99, %cond3A_100 : i32
      scf.if %cond3A_101 {
        %dma_start3A_162 = arith.constant 0 : i32
        %dma_start3A_163 = tpu.memref_slice %arg7[%add3A_89, %dma_start3A_162] : memref<100x100xi32, #tpu.memory_space<vmem>> -> memref<1x100xi32, #tpu.memory_space<vmem>>
        %dma_start3A_164 = tpu.memref_squeeze %dma_start3A_163 : memref<1x100xi32, #tpu.memory_space<vmem>> -> memref<100xi32, #tpu.memory_space<vmem>>
        %dma_start3A_165 = arith.constant 0 : i32
        %dma_start3A_166 = arith.constant 0 : i32
        %dma_start3A_167 = tpu.memref_slice %arg13[%dma_start3A_165, %dma_start3A_166] : memref<10240x64xf32, #tpu.memory_space<vmem_shared>> -> memref<10240x64xf32, #tpu.memory_space<vmem_shared>>
        tpu.enqueue_indirect_dma source(%dma_start3A_167 : memref<10240x64xf32, #tpu.memory_space<vmem_shared>>) target(%arg9 : memref<100x64xf32, #tpu.memory_space<vmem>>) offsets(%dma_start3A_164 : memref<100xi32, #tpu.memory_space<vmem>>) semaphore(%arg15 : memref<!tpu.dma_semaphore, #tpu.memory_space<semaphore_mem>>)
      } else {
      }
      %mul3A_102 = arith.constant 4 : i32
      %mul3A_103 = arith.muli %scan3A_46, %mul3A_102 : i32
      %add3A_104 = arith.constant 2 : i32
      %add3A_105 = arith.addi %mul3A_103, %add3A_104 : i32
      %dma_wait3A_106 = arith.constant 0 : i32
      %dma_wait3A_107 = tpu.memref_slice %arg7[%add3A_105, %dma_wait3A_106] : memref<100x100xi32, #tpu.memory_space<vmem>> -> memref<1x100xi32, #tpu.memory_space<vmem>>
      %dma_wait3A_108 = tpu.memref_squeeze %dma_wait3A_107 : memref<1x100xi32, #tpu.memory_space<vmem>> -> memref<100xi32, #tpu.memory_space<vmem>>
      %dma_wait3A_109 = arith.constant 0 : i32
      %dma_wait3A_110 = arith.constant 0 : i32
      %dma_wait3A_111 = tpu.memref_slice %arg13[%dma_wait3A_109, %dma_wait3A_110] : memref<10240x64xf32, #tpu.memory_space<vmem_shared>> -> memref<10240x64xf32, #tpu.memory_space<vmem_shared>>
      tpu.wait_indirect_dma semaphore(%arg17 : memref<!tpu.dma_semaphore, #tpu.memory_space<semaphore_mem>>) src(%dma_wait3A_111 : memref<10240x64xf32, #tpu.memory_space<vmem_shared>>) dst(%arg11 : memref<100x64xf32, #tpu.memory_space<vmem>>)
      %dma_start3A_112 = arith.constant 0 : i32
      %dma_start3A_113 = tpu.memref_slice %arg8[%add3A_105, %dma_start3A_112] : memref<100x100xi32, #tpu.memory_space<vmem>> -> memref<1x100xi32, #tpu.memory_space<vmem>>
      %dma_start3A_114 = tpu.memref_squeeze %dma_start3A_113 : memref<1x100xi32, #tpu.memory_space<vmem>> -> memref<100xi32, #tpu.memory_space<vmem>>
      %dma_start3A_115 = arith.constant 0 : i32
      %dma_start3A_116 = arith.constant 0 : i32
      %dma_start3A_117 = tpu.memref_slice %arg14[%dma_start3A_115, %dma_start3A_116] : memref<10240x64xf32, #tpu.memory_space<vmem_shared>> -> memref<10240x64xf32, #tpu.memory_space<vmem_shared>>
      tpu.enqueue_indirect_dma source(%arg11 : memref<100x64xf32, #tpu.memory_space<vmem>>) target(%dma_start3A_117 : memref<10240x64xf32, #tpu.memory_space<vmem_shared>>) offsets(%dma_start3A_114 : memref<100xi32, #tpu.memory_space<vmem>>) semaphore(%arg21 : memref<!tpu.dma_semaphore, #tpu.memory_space<semaphore_mem>>) {add = true}
      %add3A_118 = arith.constant 3 : i32
      %add3A_119 = arith.addi %add3A_105, %add3A_118 : i32
      %sub3A_120 = arith.constant 4 : i32
      %sub3A_121 = arith.subi %add3A_119, %sub3A_120 : i32
      %ge3A_122 = arith.constant 0 : i32
      %ge3A_123 = arith.cmpi sge, %sub3A_121, %ge3A_122 : i32
      %convert_element_type3A_124 = arith.extui %ge3A_123 : i1 to i32
      %cond3A_125 = arith.constant 0 : i32
      %cond3A_126 = arith.cmpi ne, %convert_element_type3A_124, %cond3A_125 : i32
      scf.if %cond3A_126 {
        %dma_wait3A_162 = arith.constant 0 : i32
        %dma_wait3A_163 = tpu.memref_slice %arg8[%sub3A_121, %dma_wait3A_162] : memref<100x100xi32, #tpu.memory_space<vmem>> -> memref<1x100xi32, #tpu.memory_space<vmem>>
        %dma_wait3A_164 = tpu.memref_squeeze %dma_wait3A_163 : memref<1x100xi32, #tpu.memory_space<vmem>> -> memref<100xi32, #tpu.memory_space<vmem>>
        %dma_wait3A_165 = arith.constant 0 : i32
        %dma_wait3A_166 = arith.constant 0 : i32
        %dma_wait3A_167 = tpu.memref_slice %arg14[%dma_wait3A_165, %dma_wait3A_166] : memref<10240x64xf32, #tpu.memory_space<vmem_shared>> -> memref<10240x64xf32, #tpu.memory_space<vmem_shared>>
        tpu.wait_indirect_dma semaphore(%arg20 : memref<!tpu.dma_semaphore, #tpu.memory_space<semaphore_mem>>) src(%arg10 : memref<100x64xf32, #tpu.memory_space<vmem>>) dst(%dma_wait3A_167 : memref<10240x64xf32, #tpu.memory_space<vmem_shared>>)
      } else {
      }
      %lt3A_127 = arith.constant 100 : i32
      %lt3A_128 = arith.cmpi slt, %add3A_119, %lt3A_127 : i32
      %convert_element_type3A_129 = arith.extui %lt3A_128 : i1 to i32
      %cond3A_130 = arith.constant 0 : i32
      %cond3A_131 = arith.cmpi ne, %convert_element_type3A_129, %cond3A_130 : i32
      scf.if %cond3A_131 {
        %dma_start3A_162 = arith.constant 0 : i32
        %dma_start3A_163 = tpu.memref_slice %arg7[%add3A_119, %dma_start3A_162] : memref<100x100xi32, #tpu.memory_space<vmem>> -> memref<1x100xi32, #tpu.memory_space<vmem>>
        %dma_start3A_164 = tpu.memref_squeeze %dma_start3A_163 : memref<1x100xi32, #tpu.memory_space<vmem>> -> memref<100xi32, #tpu.memory_space<vmem>>
        %dma_start3A_165 = arith.constant 0 : i32
        %dma_start3A_166 = arith.constant 0 : i32
        %dma_start3A_167 = tpu.memref_slice %arg13[%dma_start3A_165, %dma_start3A_166] : memref<10240x64xf32, #tpu.memory_space<vmem_shared>> -> memref<10240x64xf32, #tpu.memory_space<vmem_shared>>
        tpu.enqueue_indirect_dma source(%dma_start3A_167 : memref<10240x64xf32, #tpu.memory_space<vmem_shared>>) target(%arg10 : memref<100x64xf32, #tpu.memory_space<vmem>>) offsets(%dma_start3A_164 : memref<100xi32, #tpu.memory_space<vmem>>) semaphore(%arg16 : memref<!tpu.dma_semaphore, #tpu.memory_space<semaphore_mem>>)
      } else {
      }
      %mul3A_132 = arith.constant 4 : i32
      %mul3A_133 = arith.muli %scan3A_46, %mul3A_132 : i32
      %add3A_134 = arith.constant 3 : i32
      %add3A_135 = arith.addi %mul3A_133, %add3A_134 : i32
      %dma_wait3A_136 = arith.constant 0 : i32
      %dma_wait3A_137 = tpu.memref_slice %arg7[%add3A_135, %dma_wait3A_136] : memref<100x100xi32, #tpu.memory_space<vmem>> -> memref<1x100xi32, #tpu.memory_space<vmem>>
      %dma_wait3A_138 = tpu.memref_squeeze %dma_wait3A_137 : memref<1x100xi32, #tpu.memory_space<vmem>> -> memref<100xi32, #tpu.memory_space<vmem>>
      %dma_wait3A_139 = arith.constant 0 : i32
      %dma_wait3A_140 = arith.constant 0 : i32
      %dma_wait3A_141 = tpu.memref_slice %arg13[%dma_wait3A_139, %dma_wait3A_140] : memref<10240x64xf32, #tpu.memory_space<vmem_shared>> -> memref<10240x64xf32, #tpu.memory_space<vmem_shared>>
      tpu.wait_indirect_dma semaphore(%arg18 : memref<!tpu.dma_semaphore, #tpu.memory_space<semaphore_mem>>) src(%dma_wait3A_141 : memref<10240x64xf32, #tpu.memory_space<vmem_shared>>) dst(%arg12 : memref<100x64xf32, #tpu.memory_space<vmem>>)
      %dma_start3A_142 = arith.constant 0 : i32
      %dma_start3A_143 = tpu.memref_slice %arg8[%add3A_135, %dma_start3A_142] : memref<100x100xi32, #tpu.memory_space<vmem>> -> memref<1x100xi32, #tpu.memory_space<vmem>>
      %dma_start3A_144 = tpu.memref_squeeze %dma_start3A_143 : memref<1x100xi32, #tpu.memory_space<vmem>> -> memref<100xi32, #tpu.memory_space<vmem>>
      %dma_start3A_145 = arith.constant 0 : i32
      %dma_start3A_146 = arith.constant 0 : i32
      %dma_start3A_147 = tpu.memref_slice %arg14[%dma_start3A_145, %dma_start3A_146] : memref<10240x64xf32, #tpu.memory_space<vmem_shared>> -> memref<10240x64xf32, #tpu.memory_space<vmem_shared>>
      tpu.enqueue_indirect_dma source(%arg12 : memref<100x64xf32, #tpu.memory_space<vmem>>) target(%dma_start3A_147 : memref<10240x64xf32, #tpu.memory_space<vmem_shared>>) offsets(%dma_start3A_144 : memref<100xi32, #tpu.memory_space<vmem>>) semaphore(%arg22 : memref<!tpu.dma_semaphore, #tpu.memory_space<semaphore_mem>>) {add = true}
      %add3A_148 = arith.constant 3 : i32
      %add3A_149 = arith.addi %add3A_135, %add3A_148 : i32
      %sub3A_150 = arith.constant 4 : i32
      %sub3A_151 = arith.subi %add3A_149, %sub3A_150 : i32
      %ge3A_152 = arith.constant 0 : i32
      %ge3A_153 = arith.cmpi sge, %sub3A_151, %ge3A_152 : i32
      %convert_element_type3A_154 = arith.extui %ge3A_153 : i1 to i32
      %cond3A_155 = arith.constant 0 : i32
      %cond3A_156 = arith.cmpi ne, %convert_element_type3A_154, %cond3A_155 : i32
      scf.if %cond3A_156 {
        %dma_wait3A_162 = arith.constant 0 : i32
        %dma_wait3A_163 = tpu.memref_slice %arg8[%sub3A_151, %dma_wait3A_162] : memref<100x100xi32, #tpu.memory_space<vmem>> -> memref<1x100xi32, #tpu.memory_space<vmem>>
        %dma_wait3A_164 = tpu.memref_squeeze %dma_wait3A_163 : memref<1x100xi32, #tpu.memory_space<vmem>> -> memref<100xi32, #tpu.memory_space<vmem>>
        %dma_wait3A_165 = arith.constant 0 : i32
        %dma_wait3A_166 = arith.constant 0 : i32
        %dma_wait3A_167 = tpu.memref_slice %arg14[%dma_wait3A_165, %dma_wait3A_166] : memref<10240x64xf32, #tpu.memory_space<vmem_shared>> -> memref<10240x64xf32, #tpu.memory_space<vmem_shared>>
        tpu.wait_indirect_dma semaphore(%arg21 : memref<!tpu.dma_semaphore, #tpu.memory_space<semaphore_mem>>) src(%arg11 : memref<100x64xf32, #tpu.memory_space<vmem>>) dst(%dma_wait3A_167 : memref<10240x64xf32, #tpu.memory_space<vmem_shared>>)
      } else {
      }
      %lt3A_157 = arith.constant 100 : i32
      %lt3A_158 = arith.cmpi slt, %add3A_149, %lt3A_157 : i32
      %convert_element_type3A_159 = arith.extui %lt3A_158 : i1 to i32
      %cond3A_160 = arith.constant 0 : i32
      %cond3A_161 = arith.cmpi ne, %convert_element_type3A_159, %cond3A_160 : i32
      scf.if %cond3A_161 {
        %dma_start3A_162 = arith.constant 0 : i32
        %dma_start3A_163 = tpu.memref_slice %arg7[%add3A_149, %dma_start3A_162] : memref<100x100xi32, #tpu.memory_space<vmem>> -> memref<1x100xi32, #tpu.memory_space<vmem>>
        %dma_start3A_164 = tpu.memref_squeeze %dma_start3A_163 : memref<1x100xi32, #tpu.memory_space<vmem>> -> memref<100xi32, #tpu.memory_space<vmem>>
        %dma_start3A_165 = arith.constant 0 : i32
        %dma_start3A_166 = arith.constant 0 : i32
        %dma_start3A_167 = tpu.memref_slice %arg13[%dma_start3A_165, %dma_start3A_166] : memref<10240x64xf32, #tpu.memory_space<vmem_shared>> -> memref<10240x64xf32, #tpu.memory_space<vmem_shared>>
        tpu.enqueue_indirect_dma source(%dma_start3A_167 : memref<10240x64xf32, #tpu.memory_space<vmem_shared>>) target(%arg11 : memref<100x64xf32, #tpu.memory_space<vmem>>) offsets(%dma_start3A_164 : memref<100xi32, #tpu.memory_space<vmem>>) semaphore(%arg17 : memref<!tpu.dma_semaphore, #tpu.memory_space<semaphore_mem>>)
      } else {
      }
    }
    %scan3A_33 = arith.constant 25 : i32
    %dma_wait3A = arith.constant 99 : i32
    %dma_wait3A_34 = arith.constant 0 : i32
    %dma_wait3A_35 = tpu.memref_slice %arg8[%dma_wait3A, %dma_wait3A_34] : memref<100x100xi32, #tpu.memory_space<vmem>> -> memref<1x100xi32, #tpu.memory_space<vmem>>
    %dma_wait3A_36 = tpu.memref_squeeze %dma_wait3A_35 : memref<1x100xi32, #tpu.memory_space<vmem>> -> memref<100xi32, #tpu.memory_space<vmem>>
    %dma_wait3A_37 = arith.constant 0 : i32
    %dma_wait3A_38 = arith.constant 0 : i32
    %dma_wait3A_39 = tpu.memref_slice %arg14[%dma_wait3A_37, %dma_wait3A_38] : memref<10240x64xf32, #tpu.memory_space<vmem_shared>> -> memref<10240x64xf32, #tpu.memory_space<vmem_shared>>
    tpu.wait_indirect_dma semaphore(%arg22 : memref<!tpu.dma_semaphore, #tpu.memory_space<semaphore_mem>>) src(%arg12 : memref<100x64xf32, #tpu.memory_space<vmem>>) dst(%dma_wait3A_39 : memref<10240x64xf32, #tpu.memory_space<vmem_shared>>)
    %barrier3A_40 = arith.constant 0 : index
    tpu.barrier barrier_id(%barrier3A_40)
    %mul3A_41 = arith.constant 640 : i32
    %mul3A_42 = arith.muli %arg1, %mul3A_41 : i32
    %mul3A_43 = arith.constant 640 : i32
    %mul3A_44 = arith.muli %arg1, %mul3A_43 : i32
    %run_scoped3A_45 = arith.constant 0 : i32
    "tpu.region"() ({
      %run_scoped3A_46 = tpu.sem_alloc : memref<!tpu.dma_semaphore, #tpu.memory_space<semaphore_mem>>
      %dma_start3A_47 = arith.constant 0 : i32
      %dma_start3A_48 = tpu.memref_slice %arg6[%run_scoped3A_45, %arg0, %mul3A_44, %dma_start3A_47] : memref<1x2x10240x64xf32, #tpu.memory_space<hbm>> -> memref<1x1x640x64xf32, #tpu.memory_space<hbm>>
      %dma_start3A_49 = tpu.memref_squeeze %dma_start3A_48 : memref<1x1x640x64xf32, #tpu.memory_space<hbm>> -> memref<640x64xf32, #tpu.memory_space<hbm>>
      %dma_start3A_50 = arith.constant 0 : i32
      %dma_start3A_51 = tpu.memref_slice %arg14[%mul3A_42, %dma_start3A_50] : memref<10240x64xf32, #tpu.memory_space<vmem_shared>> -> memref<640x64xf32, #tpu.memory_space<vmem_shared>>
      tpu.enqueue_dma source(%dma_start3A_51 : memref<640x64xf32, #tpu.memory_space<vmem_shared>>) target(%dma_start3A_49 : memref<640x64xf32, #tpu.memory_space<hbm>>) target_semaphore(%run_scoped3A_46 : memref<!tpu.dma_semaphore, #tpu.memory_space<semaphore_mem>>)
      %dma_wait3A_52 = arith.constant 0 : i32
      %dma_wait3A_53 = tpu.memref_slice %arg6[%run_scoped3A_45, %arg0, %mul3A_44, %dma_wait3A_52] : memref<1x2x10240x64xf32, #tpu.memory_space<hbm>> -> memref<1x1x640x64xf32, #tpu.memory_space<hbm>>
      %dma_wait3A_54 = tpu.memref_squeeze %dma_wait3A_53 : memref<1x1x640x64xf32, #tpu.memory_space<hbm>> -> memref<640x64xf32, #tpu.memory_space<hbm>>
      %dma_wait3A_55 = arith.constant 0 : i32
      %dma_wait3A_56 = tpu.memref_slice %arg14[%mul3A_42, %dma_wait3A_55] : memref<10240x64xf32, #tpu.memory_space<vmem_shared>> -> memref<640x64xf32, #tpu.memory_space<vmem_shared>>
      tpu.wait_dma2 semaphore(%run_scoped3A_46 : memref<!tpu.dma_semaphore, #tpu.memory_space<semaphore_mem>>) src(%dma_wait3A_56 : memref<640x64xf32, #tpu.memory_space<vmem_shared>>) dst(%dma_wait3A_54 : memref<640x64xf32, #tpu.memory_space<hbm>>)
      tpu.yield
    }) : () -> ()
    return
  }
}

#map = affine_map<(d0, d1) -> (0, 0, 0)>
#map1 = affine_map<(d0, d1) -> (0)>
#map2 = affine_map<(d0, d1) -> (0, 0)>
module attributes {stable_mosaic.version = 14 : i64} {
  func.func @deg_kernel(%arg0: i32, %arg1: i32, %arg2: memref<32x100x100xi32, #tpu.memory_space<hbm>>, %arg3: memref<10240xf32, #tpu.memory_space<hbm>>, %arg4: memref<2x10240xf32, #tpu.memory_space<hbm>>, %arg5: memref<100x100xi32, #tpu.memory_space<vmem>>, %arg6: memref<100xf32, #tpu.memory_space<vmem>>, %arg7: memref<10240xf32, #tpu.memory_space<vmem_shared>>) attributes {dimension_semantics = [#tpu.dimension_semantics<core_parallel>, #tpu.dimension_semantics<subcore_parallel>], iteration_bounds = array<i64: 2, 16>, scalar_prefetch = 0 : i64, scratch_operands = 3 : i64, tpu.core_type = #tpu.core_type<sc_vector_subcore>, window_params = [{transform_indices = #map}, {transform_indices = #map1}, {transform_indices = #map2}]} {
    %mul3A = arith.constant 2 : i32
    %mul3A_0 = arith.muli %arg1, %mul3A : i32
    %add3A = arith.addi %mul3A_0, %arg0 : i32
    "tpu.region"() ({
      %run_scoped3A = tpu.sem_alloc : memref<!tpu.dma_semaphore, #tpu.memory_space<semaphore_mem>>
      %dma_start3A = arith.constant 0 : i32
      %dma_start3A_55 = arith.constant 0 : i32
      %dma_start3A_56 = tpu.memref_slice %arg2[%add3A, %dma_start3A, %dma_start3A_55] : memref<32x100x100xi32, #tpu.memory_space<hbm>> -> memref<1x100x100xi32, #tpu.memory_space<hbm>>
      %dma_start3A_57 = tpu.memref_squeeze %dma_start3A_56 : memref<1x100x100xi32, #tpu.memory_space<hbm>> -> memref<100x100xi32, #tpu.memory_space<hbm>>
      %dma_start3A_58 = arith.constant 0 : i32
      %dma_start3A_59 = arith.constant 0 : i32
      %dma_start3A_60 = tpu.memref_slice %arg2[%add3A, %dma_start3A_58, %dma_start3A_59] : memref<32x100x100xi32, #tpu.memory_space<hbm>> -> memref<1x100x100xi32, #tpu.memory_space<hbm>>
      %dma_start3A_61 = tpu.memref_squeeze %dma_start3A_60 : memref<1x100x100xi32, #tpu.memory_space<hbm>> -> memref<100x100xi32, #tpu.memory_space<hbm>>
      tpu.enqueue_dma source(%dma_start3A_61 : memref<100x100xi32, #tpu.memory_space<hbm>>) target(%arg5 : memref<100x100xi32, #tpu.memory_space<vmem>>) target_semaphore(%run_scoped3A : memref<!tpu.dma_semaphore, #tpu.memory_space<semaphore_mem>>)
      %dma_wait3A = arith.constant 0 : i32
      %dma_wait3A_62 = arith.constant 0 : i32
      %dma_wait3A_63 = tpu.memref_slice %arg2[%add3A, %dma_wait3A, %dma_wait3A_62] : memref<32x100x100xi32, #tpu.memory_space<hbm>> -> memref<1x100x100xi32, #tpu.memory_space<hbm>>
      %dma_wait3A_64 = tpu.memref_squeeze %dma_wait3A_63 : memref<1x100x100xi32, #tpu.memory_space<hbm>> -> memref<100x100xi32, #tpu.memory_space<hbm>>
      %dma_wait3A_65 = arith.constant 0 : i32
      %dma_wait3A_66 = arith.constant 0 : i32
      %dma_wait3A_67 = tpu.memref_slice %arg2[%add3A, %dma_wait3A_65, %dma_wait3A_66] : memref<32x100x100xi32, #tpu.memory_space<hbm>> -> memref<1x100x100xi32, #tpu.memory_space<hbm>>
      %dma_wait3A_68 = tpu.memref_squeeze %dma_wait3A_67 : memref<1x100x100xi32, #tpu.memory_space<hbm>> -> memref<100x100xi32, #tpu.memory_space<hbm>>
      tpu.wait_dma2 semaphore(%run_scoped3A : memref<!tpu.dma_semaphore, #tpu.memory_space<semaphore_mem>>) src(%dma_wait3A_68 : memref<100x100xi32, #tpu.memory_space<hbm>>) dst(%arg5 : memref<100x100xi32, #tpu.memory_space<vmem>>)
      tpu.yield
    }) : () -> ()
    %broadcast_in_dim3A = arith.constant 1.000000e+00 : f32
    %broadcast_in_dim3A_1 = vector.broadcast %broadcast_in_dim3A : f32 to vector<16xf32>
    %swap3A = arith.constant 0 : index
    %swap3A_2 = tpu.vector_load %arg6[%swap3A] {strides = array<i32>} : memref<100xf32, #tpu.memory_space<vmem>>, vector<16xf32>,
    %swap3A_3 = vector.shape_cast %swap3A_2 : vector<16xf32> to vector<16xf32>
    %swap3A_4 = vector.shape_cast %broadcast_in_dim3A_1 : vector<16xf32> to vector<16xf32>
    tpu.vector_store %arg6[%swap3A], %swap3A_4 {strides = array<i32>} : memref<100xf32, #tpu.memory_space<vmem>>, vector<16xf32>,
    %broadcast_in_dim3A_5 = arith.constant 1.000000e+00 : f32
    %broadcast_in_dim3A_6 = vector.broadcast %broadcast_in_dim3A_5 : f32 to vector<16xf32>
    %swap3A_7 = arith.constant 16 : index
    %swap3A_8 = tpu.vector_load %arg6[%swap3A_7] {strides = array<i32>} : memref<100xf32, #tpu.memory_space<vmem>>, vector<16xf32>,
    %swap3A_9 = vector.shape_cast %swap3A_8 : vector<16xf32> to vector<16xf32>
    %swap3A_10 = vector.shape_cast %broadcast_in_dim3A_6 : vector<16xf32> to vector<16xf32>
    tpu.vector_store %arg6[%swap3A_7], %swap3A_10 {strides = array<i32>} : memref<100xf32, #tpu.memory_space<vmem>>, vector<16xf32>,
    %broadcast_in_dim3A_11 = arith.constant 1.000000e+00 : f32
    %broadcast_in_dim3A_12 = vector.broadcast %broadcast_in_dim3A_11 : f32 to vector<16xf32>
    %swap3A_13 = arith.constant 32 : index
    %swap3A_14 = tpu.vector_load %arg6[%swap3A_13] {strides = array<i32>} : memref<100xf32, #tpu.memory_space<vmem>>, vector<16xf32>,
    %swap3A_15 = vector.shape_cast %swap3A_14 : vector<16xf32> to vector<16xf32>
    %swap3A_16 = vector.shape_cast %broadcast_in_dim3A_12 : vector<16xf32> to vector<16xf32>
    tpu.vector_store %arg6[%swap3A_13], %swap3A_16 {strides = array<i32>} : memref<100xf32, #tpu.memory_space<vmem>>, vector<16xf32>,
    %broadcast_in_dim3A_17 = arith.constant 1.000000e+00 : f32
    %broadcast_in_dim3A_18 = vector.broadcast %broadcast_in_dim3A_17 : f32 to vector<16xf32>
    %swap3A_19 = arith.constant 48 : index
    %swap3A_20 = tpu.vector_load %arg6[%swap3A_19] {strides = array<i32>} : memref<100xf32, #tpu.memory_space<vmem>>, vector<16xf32>,
    %swap3A_21 = vector.shape_cast %swap3A_20 : vector<16xf32> to vector<16xf32>
    %swap3A_22 = vector.shape_cast %broadcast_in_dim3A_18 : vector<16xf32> to vector<16xf32>
    tpu.vector_store %arg6[%swap3A_19], %swap3A_22 {strides = array<i32>} : memref<100xf32, #tpu.memory_space<vmem>>, vector<16xf32>,
    %broadcast_in_dim3A_23 = arith.constant 1.000000e+00 : f32
    %broadcast_in_dim3A_24 = vector.broadcast %broadcast_in_dim3A_23 : f32 to vector<16xf32>
    %swap3A_25 = arith.constant 64 : index
    %swap3A_26 = tpu.vector_load %arg6[%swap3A_25] {strides = array<i32>} : memref<100xf32, #tpu.memory_space<vmem>>, vector<16xf32>,
    %swap3A_27 = vector.shape_cast %swap3A_26 : vector<16xf32> to vector<16xf32>
    %swap3A_28 = vector.shape_cast %broadcast_in_dim3A_24 : vector<16xf32> to vector<16xf32>
    tpu.vector_store %arg6[%swap3A_25], %swap3A_28 {strides = array<i32>} : memref<100xf32, #tpu.memory_space<vmem>>, vector<16xf32>,
    %broadcast_in_dim3A_29 = arith.constant 1.000000e+00 : f32
    %broadcast_in_dim3A_30 = vector.broadcast %broadcast_in_dim3A_29 : f32 to vector<16xf32>
    %swap3A_31 = arith.constant 80 : index
    %swap3A_32 = tpu.vector_load %arg6[%swap3A_31] {strides = array<i32>} : memref<100xf32, #tpu.memory_space<vmem>>, vector<16xf32>,
    %swap3A_33 = vector.shape_cast %swap3A_32 : vector<16xf32> to vector<16xf32>
    %swap3A_34 = vector.shape_cast %broadcast_in_dim3A_30 : vector<16xf32> to vector<16xf32>
    tpu.vector_store %arg6[%swap3A_31], %swap3A_34 {strides = array<i32>} : memref<100xf32, #tpu.memory_space<vmem>>, vector<16xf32>,
    %broadcast_in_dim3A_35 = arith.constant 1.000000e+00 : f32
    %broadcast_in_dim3A_36 = vector.broadcast %broadcast_in_dim3A_35 : f32 to vector<16xf32>
    %swap3A_37 = arith.constant 84 : index
    %swap3A_38 = tpu.vector_load %arg6[%swap3A_37] {strides = array<i32>} : memref<100xf32, #tpu.memory_space<vmem>>, vector<16xf32>,
    %swap3A_39 = vector.shape_cast %swap3A_38 : vector<16xf32> to vector<16xf32>
    %swap3A_40 = vector.shape_cast %broadcast_in_dim3A_36 : vector<16xf32> to vector<16xf32>
    tpu.vector_store %arg6[%swap3A_37], %swap3A_40 {strides = array<i32>} : memref<100xf32, #tpu.memory_space<vmem>>, vector<16xf32>,
    %mul3A_41 = arith.constant 640 : i32
    %mul3A_42 = arith.muli %arg1, %mul3A_41 : i32
    %mul3A_43 = arith.constant 640 : i32
    %mul3A_44 = arith.muli %arg1, %mul3A_43 : i32
    "tpu.region"() ({
      %run_scoped3A = tpu.sem_alloc : memref<!tpu.dma_semaphore, #tpu.memory_space<semaphore_mem>>
      %dma_start3A = tpu.memref_slice %arg7[%mul3A_44] : memref<10240xf32, #tpu.memory_space<vmem_shared>> -> memref<640xf32, #tpu.memory_space<vmem_shared>>
      %dma_start3A_55 = tpu.memref_slice %arg3[%mul3A_42] : memref<10240xf32, #tpu.memory_space<hbm>> -> memref<640xf32, #tpu.memory_space<hbm>>
      tpu.enqueue_dma source(%dma_start3A_55 : memref<640xf32, #tpu.memory_space<hbm>>) target(%dma_start3A : memref<640xf32, #tpu.memory_space<vmem_shared>>) target_semaphore(%run_scoped3A : memref<!tpu.dma_semaphore, #tpu.memory_space<semaphore_mem>>)
      %dma_wait3A = tpu.memref_slice %arg7[%mul3A_44] : memref<10240xf32, #tpu.memory_space<vmem_shared>> -> memref<640xf32, #tpu.memory_space<vmem_shared>>
      %dma_wait3A_56 = tpu.memref_slice %arg3[%mul3A_42] : memref<10240xf32, #tpu.memory_space<hbm>> -> memref<640xf32, #tpu.memory_space<hbm>>
      tpu.wait_dma2 semaphore(%run_scoped3A : memref<!tpu.dma_semaphore, #tpu.memory_space<semaphore_mem>>) src(%dma_wait3A_56 : memref<640xf32, #tpu.memory_space<hbm>>) dst(%dma_wait3A : memref<640xf32, #tpu.memory_space<vmem_shared>>)
      tpu.yield
    }) : () -> ()
    %barrier3A = arith.constant 0 : index
    tpu.barrier barrier_id(%barrier3A)
    %scan3A = arith.constant 0 : i32
    %scan3A_45 = arith.constant 0 : i32
    %scan3A_46 = arith.constant 100 : i32
    %scan3A_47 = arith.addi %scan3A_45, %scan3A_46 : i32
    %scan3A_48 = arith.constant 1 : i32
    scf.for %scan3A_55 = %scan3A_45 to %scan3A_47 step %scan3A_48  : i32 {
      "tpu.region"() ({
        %run_scoped3A = tpu.sem_alloc : memref<!tpu.dma_semaphore, #tpu.memory_space<semaphore_mem>>
        %dma_start3A = arith.constant 0 : i32
        %dma_start3A_56 = tpu.memref_slice %arg5[%scan3A_55, %dma_start3A] : memref<100x100xi32, #tpu.memory_space<vmem>> -> memref<1x100xi32, #tpu.memory_space<vmem>>
        %dma_start3A_57 = tpu.memref_squeeze %dma_start3A_56 : memref<1x100xi32, #tpu.memory_space<vmem>> -> memref<100xi32, #tpu.memory_space<vmem>>
        %dma_start3A_58 = arith.constant 0 : i32
        %dma_start3A_59 = tpu.memref_slice %arg7[%dma_start3A_58] : memref<10240xf32, #tpu.memory_space<vmem_shared>> -> memref<10240xf32, #tpu.memory_space<vmem_shared>>
        tpu.enqueue_indirect_dma source(%arg6 : memref<100xf32, #tpu.memory_space<vmem>>) target(%dma_start3A_59 : memref<10240xf32, #tpu.memory_space<vmem_shared>>) offsets(%dma_start3A_57 : memref<100xi32, #tpu.memory_space<vmem>>) semaphore(%run_scoped3A : memref<!tpu.dma_semaphore, #tpu.memory_space<semaphore_mem>>) {add = true}
        %dma_wait3A = arith.constant 0 : i32
        %dma_wait3A_60 = tpu.memref_slice %arg5[%scan3A_55, %dma_wait3A] : memref<100x100xi32, #tpu.memory_space<vmem>> -> memref<1x100xi32, #tpu.memory_space<vmem>>
        %dma_wait3A_61 = tpu.memref_squeeze %dma_wait3A_60 : memref<1x100xi32, #tpu.memory_space<vmem>> -> memref<100xi32, #tpu.memory_space<vmem>>
        %dma_wait3A_62 = arith.constant 0 : i32
        %dma_wait3A_63 = tpu.memref_slice %arg7[%dma_wait3A_62] : memref<10240xf32, #tpu.memory_space<vmem_shared>> -> memref<10240xf32, #tpu.memory_space<vmem_shared>>
        tpu.wait_indirect_dma semaphore(%run_scoped3A : memref<!tpu.dma_semaphore, #tpu.memory_space<semaphore_mem>>) src(%arg6 : memref<100xf32, #tpu.memory_space<vmem>>) dst(%dma_wait3A_63 : memref<10240xf32, #tpu.memory_space<vmem_shared>>)
        tpu.yield
      }) : () -> ()
    }
    %scan3A_49 = arith.constant 100 : i32
    %barrier3A_50 = arith.constant 0 : index
    tpu.barrier barrier_id(%barrier3A_50)
    %mul3A_51 = arith.constant 640 : i32
    %mul3A_52 = arith.muli %arg1, %mul3A_51 : i32
    %mul3A_53 = arith.constant 640 : i32
    %mul3A_54 = arith.muli %arg1, %mul3A_53 : i32
    "tpu.region"() ({
      %run_scoped3A = tpu.sem_alloc : memref<!tpu.dma_semaphore, #tpu.memory_space<semaphore_mem>>
      %dma_start3A = tpu.memref_slice %arg4[%arg0, %mul3A_54] : memref<2x10240xf32, #tpu.memory_space<hbm>> -> memref<1x640xf32, #tpu.memory_space<hbm>>
      %dma_start3A_55 = tpu.memref_squeeze %dma_start3A : memref<1x640xf32, #tpu.memory_space<hbm>> -> memref<640xf32, #tpu.memory_space<hbm>>
      %dma_start3A_56 = tpu.memref_slice %arg7[%mul3A_52] : memref<10240xf32, #tpu.memory_space<vmem_shared>> -> memref<640xf32, #tpu.memory_space<vmem_shared>>
      tpu.enqueue_dma source(%dma_start3A_56 : memref<640xf32, #tpu.memory_space<vmem_shared>>) target(%dma_start3A_55 : memref<640xf32, #tpu.memory_space<hbm>>) target_semaphore(%run_scoped3A : memref<!tpu.dma_semaphore, #tpu.memory_space<semaphore_mem>>)
      %dma_wait3A = tpu.memref_slice %arg4[%arg0, %mul3A_54] : memref<2x10240xf32, #tpu.memory_space<hbm>> -> memref<1x640xf32, #tpu.memory_space<hbm>>
      %dma_wait3A_57 = tpu.memref_squeeze %dma_wait3A : memref<1x640xf32, #tpu.memory_space<hbm>> -> memref<640xf32, #tpu.memory_space<hbm>>
      %dma_wait3A_58 = tpu.memref_slice %arg7[%mul3A_52] : memref<10240xf32, #tpu.memory_space<vmem_shared>> -> memref<640xf32, #tpu.memory_space<vmem_shared>>
      tpu.wait_dma2 semaphore(%run_scoped3A : memref<!tpu.dma_semaphore, #tpu.memory_space<semaphore_mem>>) src(%dma_wait3A_58 : memref<640xf32, #tpu.memory_space<vmem_shared>>) dst(%dma_wait3A_57 : memref<640xf32, #tpu.memory_space<hbm>>)
      tpu.yield
    }) : () -> ()
    return
  }
}

#map = affine_map<(d0, d1) -> (0, 0, 0)>
#map1 = affine_map<(d0, d1) -> (0, 0)>
#map2 = affine_map<(d0, d1) -> (0, 0, 0, 0)>
module attributes {stable_mosaic.version = 14 : i64} {
  func.func @scatter_kernel(%arg0: i32, %arg1: i32, %arg2: memref<32x100x100xi32, #tpu.memory_space<hbm>>, %arg3: memref<32x100x100xi32, #tpu.memory_space<hbm>>, %arg4: memref<2x10240x64xf32, #tpu.memory_space<hbm>>, %arg5: memref<10240x64xf32, #tpu.memory_space<hbm>>, %arg6: memref<2x2x10240x64xf32, #tpu.memory_space<hbm>>, %arg7: memref<100x100xi32, #tpu.memory_space<vmem>>, %arg8: memref<100x100xi32, #tpu.memory_space<vmem>>, %arg9: memref<100x64xf32, #tpu.memory_space<vmem>>, %arg10: memref<100x64xf32, #tpu.memory_space<vmem>>, %arg11: memref<100x64xf32, #tpu.memory_space<vmem>>, %arg12: memref<100x64xf32, #tpu.memory_space<vmem>>, %arg13: memref<10240x64xf32, #tpu.memory_space<vmem_shared>>, %arg14: memref<10240x64xf32, #tpu.memory_space<vmem_shared>>, %arg15: memref<!tpu.dma_semaphore, #tpu.memory_space<semaphore_mem>>, %arg16: memref<!tpu.dma_semaphore, #tpu.memory_space<semaphore_mem>>, %arg17: memref<!tpu.dma_semaphore, #tpu.memory_space<semaphore_mem>>, %arg18: memref<!tpu.dma_semaphore, #tpu.memory_space<semaphore_mem>>, %arg19: memref<!tpu.dma_semaphore, #tpu.memory_space<semaphore_mem>>, %arg20: memref<!tpu.dma_semaphore, #tpu.memory_space<semaphore_mem>>, %arg21: memref<!tpu.dma_semaphore, #tpu.memory_space<semaphore_mem>>, %arg22: memref<!tpu.dma_semaphore, #tpu.memory_space<semaphore_mem>>) attributes {dimension_semantics = [#tpu.dimension_semantics<core_parallel>, #tpu.dimension_semantics<subcore_parallel>], iteration_bounds = array<i64: 2, 16>, scalar_prefetch = 0 : i64, scratch_operands = 16 : i64, tpu.core_type = #tpu.core_type<sc_vector_subcore>, window_params = [{transform_indices = #map}, {transform_indices = #map}, {transform_indices = #map}, {transform_indices = #map1}, {transform_indices = #map2}]} {
    %mul3A = arith.constant 2 : i32
    %mul3A_0 = arith.muli %arg1, %mul3A : i32
    %add3A = arith.addi %mul3A_0, %arg0 : i32
    "tpu.region"() ({
      %run_scoped3A_96 = tpu.sem_alloc : memref<!tpu.dma_semaphore, #tpu.memory_space<semaphore_mem>>
      %dma_start3A_97 = arith.constant 0 : i32
      %dma_start3A_98 = arith.constant 0 : i32
      %dma_start3A_99 = tpu.memref_slice %arg2[%add3A, %dma_start3A_97, %dma_start3A_98] : memref<32x100x100xi32, #tpu.memory_space<hbm>> -> memref<1x100x100xi32, #tpu.memory_space<hbm>>
      %dma_start3A_100 = tpu.memref_squeeze %dma_start3A_99 : memref<1x100x100xi32, #tpu.memory_space<hbm>> -> memref<100x100xi32, #tpu.memory_space<hbm>>
      %dma_start3A_101 = arith.constant 0 : i32
      %dma_start3A_102 = arith.constant 0 : i32
      %dma_start3A_103 = tpu.memref_slice %arg2[%add3A, %dma_start3A_101, %dma_start3A_102] : memref<32x100x100xi32, #tpu.memory_space<hbm>> -> memref<1x100x100xi32, #tpu.memory_space<hbm>>
      %dma_start3A_104 = tpu.memref_squeeze %dma_start3A_103 : memref<1x100x100xi32, #tpu.memory_space<hbm>> -> memref<100x100xi32, #tpu.memory_space<hbm>>
      tpu.enqueue_dma source(%dma_start3A_104 : memref<100x100xi32, #tpu.memory_space<hbm>>) target(%arg7 : memref<100x100xi32, #tpu.memory_space<vmem>>) target_semaphore(%run_scoped3A_96 : memref<!tpu.dma_semaphore, #tpu.memory_space<semaphore_mem>>)
      %dma_wait3A_105 = arith.constant 0 : i32
      %dma_wait3A_106 = arith.constant 0 : i32
      %dma_wait3A_107 = tpu.memref_slice %arg2[%add3A, %dma_wait3A_105, %dma_wait3A_106] : memref<32x100x100xi32, #tpu.memory_space<hbm>> -> memref<1x100x100xi32, #tpu.memory_space<hbm>>
      %dma_wait3A_108 = tpu.memref_squeeze %dma_wait3A_107 : memref<1x100x100xi32, #tpu.memory_space<hbm>> -> memref<100x100xi32, #tpu.memory_space<hbm>>
      %dma_wait3A_109 = arith.constant 0 : i32
      %dma_wait3A_110 = arith.constant 0 : i32
      %dma_wait3A_111 = tpu.memref_slice %arg2[%add3A, %dma_wait3A_109, %dma_wait3A_110] : memref<32x100x100xi32, #tpu.memory_space<hbm>> -> memref<1x100x100xi32, #tpu.memory_space<hbm>>
      %dma_wait3A_112 = tpu.memref_squeeze %dma_wait3A_111 : memref<1x100x100xi32, #tpu.memory_space<hbm>> -> memref<100x100xi32, #tpu.memory_space<hbm>>
      tpu.wait_dma2 semaphore(%run_scoped3A_96 : memref<!tpu.dma_semaphore, #tpu.memory_space<semaphore_mem>>) src(%dma_wait3A_112 : memref<100x100xi32, #tpu.memory_space<hbm>>) dst(%arg7 : memref<100x100xi32, #tpu.memory_space<vmem>>)
      tpu.yield
    }) : () -> ()
    "tpu.region"() ({
      %run_scoped3A_96 = tpu.sem_alloc : memref<!tpu.dma_semaphore, #tpu.memory_space<semaphore_mem>>
      %dma_start3A_97 = arith.constant 0 : i32
      %dma_start3A_98 = arith.constant 0 : i32
      %dma_start3A_99 = tpu.memref_slice %arg3[%add3A, %dma_start3A_97, %dma_start3A_98] : memref<32x100x100xi32, #tpu.memory_space<hbm>> -> memref<1x100x100xi32, #tpu.memory_space<hbm>>
      %dma_start3A_100 = tpu.memref_squeeze %dma_start3A_99 : memref<1x100x100xi32, #tpu.memory_space<hbm>> -> memref<100x100xi32, #tpu.memory_space<hbm>>
      %dma_start3A_101 = arith.constant 0 : i32
      %dma_start3A_102 = arith.constant 0 : i32
      %dma_start3A_103 = tpu.memref_slice %arg3[%add3A, %dma_start3A_101, %dma_start3A_102] : memref<32x100x100xi32, #tpu.memory_space<hbm>> -> memref<1x100x100xi32, #tpu.memory_space<hbm>>
      %dma_start3A_104 = tpu.memref_squeeze %dma_start3A_103 : memref<1x100x100xi32, #tpu.memory_space<hbm>> -> memref<100x100xi32, #tpu.memory_space<hbm>>
      tpu.enqueue_dma source(%dma_start3A_104 : memref<100x100xi32, #tpu.memory_space<hbm>>) target(%arg8 : memref<100x100xi32, #tpu.memory_space<vmem>>) target_semaphore(%run_scoped3A_96 : memref<!tpu.dma_semaphore, #tpu.memory_space<semaphore_mem>>)
      %dma_wait3A_105 = arith.constant 0 : i32
      %dma_wait3A_106 = arith.constant 0 : i32
      %dma_wait3A_107 = tpu.memref_slice %arg3[%add3A, %dma_wait3A_105, %dma_wait3A_106] : memref<32x100x100xi32, #tpu.memory_space<hbm>> -> memref<1x100x100xi32, #tpu.memory_space<hbm>>
      %dma_wait3A_108 = tpu.memref_squeeze %dma_wait3A_107 : memref<1x100x100xi32, #tpu.memory_space<hbm>> -> memref<100x100xi32, #tpu.memory_space<hbm>>
      %dma_wait3A_109 = arith.constant 0 : i32
      %dma_wait3A_110 = arith.constant 0 : i32
      %dma_wait3A_111 = tpu.memref_slice %arg3[%add3A, %dma_wait3A_109, %dma_wait3A_110] : memref<32x100x100xi32, #tpu.memory_space<hbm>> -> memref<1x100x100xi32, #tpu.memory_space<hbm>>
      %dma_wait3A_112 = tpu.memref_squeeze %dma_wait3A_111 : memref<1x100x100xi32, #tpu.memory_space<hbm>> -> memref<100x100xi32, #tpu.memory_space<hbm>>
      tpu.wait_dma2 semaphore(%run_scoped3A_96 : memref<!tpu.dma_semaphore, #tpu.memory_space<semaphore_mem>>) src(%dma_wait3A_112 : memref<100x100xi32, #tpu.memory_space<hbm>>) dst(%arg8 : memref<100x100xi32, #tpu.memory_space<vmem>>)
      tpu.yield
    }) : () -> ()
    %mul3A_1 = arith.constant 640 : i32
    %mul3A_2 = arith.muli %arg1, %mul3A_1 : i32
    %mul3A_3 = arith.constant 640 : i32
    %mul3A_4 = arith.muli %arg1, %mul3A_3 : i32
    %run_scoped3A = arith.constant 0 : i32
    "tpu.region"() ({
      %run_scoped3A_96 = tpu.sem_alloc : memref<!tpu.dma_semaphore, #tpu.memory_space<semaphore_mem>>
      %dma_start3A_97 = arith.constant 0 : i32
      %dma_start3A_98 = tpu.memref_slice %arg13[%mul3A_4, %dma_start3A_97] : memref<10240x64xf32, #tpu.memory_space<vmem_shared>> -> memref<640x64xf32, #tpu.memory_space<vmem_shared>>
      %dma_start3A_99 = arith.constant 0 : i32
      %dma_start3A_100 = tpu.memref_slice %arg4[%run_scoped3A, %mul3A_2, %dma_start3A_99] : memref<2x10240x64xf32, #tpu.memory_space<hbm>> -> memref<1x640x64xf32, #tpu.memory_space<hbm>>
      %dma_start3A_101 = tpu.memref_squeeze %dma_start3A_100 : memref<1x640x64xf32, #tpu.memory_space<hbm>> -> memref<640x64xf32, #tpu.memory_space<hbm>>
      tpu.enqueue_dma source(%dma_start3A_101 : memref<640x64xf32, #tpu.memory_space<hbm>>) target(%dma_start3A_98 : memref<640x64xf32, #tpu.memory_space<vmem_shared>>) target_semaphore(%run_scoped3A_96 : memref<!tpu.dma_semaphore, #tpu.memory_space<semaphore_mem>>)
      %dma_wait3A_102 = arith.constant 0 : i32
      %dma_wait3A_103 = tpu.memref_slice %arg13[%mul3A_4, %dma_wait3A_102] : memref<10240x64xf32, #tpu.memory_space<vmem_shared>> -> memref<640x64xf32, #tpu.memory_space<vmem_shared>>
      %dma_wait3A_104 = arith.constant 0 : i32
      %dma_wait3A_105 = tpu.memref_slice %arg4[%run_scoped3A, %mul3A_2, %dma_wait3A_104] : memref<2x10240x64xf32, #tpu.memory_space<hbm>> -> memref<1x640x64xf32, #tpu.memory_space<hbm>>
      %dma_wait3A_106 = tpu.memref_squeeze %dma_wait3A_105 : memref<1x640x64xf32, #tpu.memory_space<hbm>> -> memref<640x64xf32, #tpu.memory_space<hbm>>
      tpu.wait_dma2 semaphore(%run_scoped3A_96 : memref<!tpu.dma_semaphore, #tpu.memory_space<semaphore_mem>>) src(%dma_wait3A_106 : memref<640x64xf32, #tpu.memory_space<hbm>>) dst(%dma_wait3A_103 : memref<640x64xf32, #tpu.memory_space<vmem_shared>>)
      tpu.yield
    }) : () -> ()
    %mul3A_5 = arith.constant 640 : i32
    %mul3A_6 = arith.muli %arg1, %mul3A_5 : i32
    %mul3A_7 = arith.constant 640 : i32
    %mul3A_8 = arith.muli %arg1, %mul3A_7 : i32
    "tpu.region"() ({
      %run_scoped3A_96 = tpu.sem_alloc : memref<!tpu.dma_semaphore, #tpu.memory_space<semaphore_mem>>
      %dma_start3A_97 = arith.constant 0 : i32
      %dma_start3A_98 = tpu.memref_slice %arg14[%mul3A_8, %dma_start3A_97] : memref<10240x64xf32, #tpu.memory_space<vmem_shared>> -> memref<640x64xf32, #tpu.memory_space<vmem_shared>>
      %dma_start3A_99 = arith.constant 0 : i32
      %dma_start3A_100 = tpu.memref_slice %arg5[%mul3A_6, %dma_start3A_99] : memref<10240x64xf32, #tpu.memory_space<hbm>> -> memref<640x64xf32, #tpu.memory_space<hbm>>
      tpu.enqueue_dma source(%dma_start3A_100 : memref<640x64xf32, #tpu.memory_space<hbm>>) target(%dma_start3A_98 : memref<640x64xf32, #tpu.memory_space<vmem_shared>>) target_semaphore(%run_scoped3A_96 : memref<!tpu.dma_semaphore, #tpu.memory_space<semaphore_mem>>)
      %dma_wait3A_101 = arith.constant 0 : i32
      %dma_wait3A_102 = tpu.memref_slice %arg14[%mul3A_8, %dma_wait3A_101] : memref<10240x64xf32, #tpu.memory_space<vmem_shared>> -> memref<640x64xf32, #tpu.memory_space<vmem_shared>>
      %dma_wait3A_103 = arith.constant 0 : i32
      %dma_wait3A_104 = tpu.memref_slice %arg5[%mul3A_6, %dma_wait3A_103] : memref<10240x64xf32, #tpu.memory_space<hbm>> -> memref<640x64xf32, #tpu.memory_space<hbm>>
      tpu.wait_dma2 semaphore(%run_scoped3A_96 : memref<!tpu.dma_semaphore, #tpu.memory_space<semaphore_mem>>) src(%dma_wait3A_104 : memref<640x64xf32, #tpu.memory_space<hbm>>) dst(%dma_wait3A_102 : memref<640x64xf32, #tpu.memory_space<vmem_shared>>)
      tpu.yield
    }) : () -> ()
    %barrier3A = arith.constant 0 : index
    tpu.barrier barrier_id(%barrier3A)
    %dma_start3A = arith.constant 0 : i32
    %dma_start3A_9 = arith.constant 0 : i32
    %dma_start3A_10 = tpu.memref_slice %arg7[%dma_start3A, %dma_start3A_9] : memref<100x100xi32, #tpu.memory_space<vmem>> -> memref<1x100xi32, #tpu.memory_space<vmem>>
    %dma_start3A_11 = tpu.memref_squeeze %dma_start3A_10 : memref<1x100xi32, #tpu.memory_space<vmem>> -> memref<100xi32, #tpu.memory_space<vmem>>
    %dma_start3A_12 = arith.constant 0 : i32
    %dma_start3A_13 = arith.constant 0 : i32
    %dma_start3A_14 = tpu.memref_slice %arg13[%dma_start3A_12, %dma_start3A_13] : memref<10240x64xf32, #tpu.memory_space<vmem_shared>> -> memref<10240x64xf32, #tpu.memory_space<vmem_shared>>
    tpu.enqueue_indirect_dma source(%dma_start3A_14 : memref<10240x64xf32, #tpu.memory_space<vmem_shared>>) target(%arg9 : memref<100x64xf32, #tpu.memory_space<vmem>>) offsets(%dma_start3A_11 : memref<100xi32, #tpu.memory_space<vmem>>) semaphore(%arg15 : memref<!tpu.dma_semaphore, #tpu.memory_space<semaphore_mem>>)
    %dma_start3A_15 = arith.constant 1 : i32
    %dma_start3A_16 = arith.constant 0 : i32
    %dma_start3A_17 = tpu.memref_slice %arg7[%dma_start3A_15, %dma_start3A_16] : memref<100x100xi32, #tpu.memory_space<vmem>> -> memref<1x100xi32, #tpu.memory_space<vmem>>
    %dma_start3A_18 = tpu.memref_squeeze %dma_start3A_17 : memref<1x100xi32, #tpu.memory_space<vmem>> -> memref<100xi32, #tpu.memory_space<vmem>>
    %dma_start3A_19 = arith.constant 0 : i32
    %dma_start3A_20 = arith.constant 0 : i32
    %dma_start3A_21 = tpu.memref_slice %arg13[%dma_start3A_19, %dma_start3A_20] : memref<10240x64xf32, #tpu.memory_space<vmem_shared>> -> memref<10240x64xf32, #tpu.memory_space<vmem_shared>>
    tpu.enqueue_indirect_dma source(%dma_start3A_21 : memref<10240x64xf32, #tpu.memory_space<vmem_shared>>) target(%arg10 : memref<100x64xf32, #tpu.memory_space<vmem>>) offsets(%dma_start3A_18 : memref<100xi32, #tpu.memory_space<vmem>>) semaphore(%arg16 : memref<!tpu.dma_semaphore, #tpu.memory_space<semaphore_mem>>)
    %dma_start3A_22 = arith.constant 2 : i32
    %dma_start3A_23 = arith.constant 0 : i32
    %dma_start3A_24 = tpu.memref_slice %arg7[%dma_start3A_22, %dma_start3A_23] : memref<100x100xi32, #tpu.memory_space<vmem>> -> memref<1x100xi32, #tpu.memory_space<vmem>>
    %dma_start3A_25 = tpu.memref_squeeze %dma_start3A_24 : memref<1x100xi32, #tpu.memory_space<vmem>> -> memref<100xi32, #tpu.memory_space<vmem>>
    %dma_start3A_26 = arith.constant 0 : i32
    %dma_start3A_27 = arith.constant 0 : i32
    %dma_start3A_28 = tpu.memref_slice %arg13[%dma_start3A_26, %dma_start3A_27] : memref<10240x64xf32, #tpu.memory_space<vmem_shared>> -> memref<10240x64xf32, #tpu.memory_space<vmem_shared>>
    tpu.enqueue_indirect_dma source(%dma_start3A_28 : memref<10240x64xf32, #tpu.memory_space<vmem_shared>>) target(%arg11 : memref<100x64xf32, #tpu.memory_space<vmem>>) offsets(%dma_start3A_25 : memref<100xi32, #tpu.memory_space<vmem>>) semaphore(%arg17 : memref<!tpu.dma_semaphore, #tpu.memory_space<semaphore_mem>>)
    %scan3A = arith.constant 0 : i32
    %scan3A_29 = arith.constant 0 : i32
    %scan3A_30 = arith.constant 25 : i32
    %scan3A_31 = arith.addi %scan3A_29, %scan3A_30 : i32
    %scan3A_32 = arith.constant 1 : i32
    scf.for %scan3A_96 = %scan3A_29 to %scan3A_31 step %scan3A_32  : i32 {
      %mul3A_97 = arith.constant 4 : i32
      %mul3A_98 = arith.muli %scan3A_96, %mul3A_97 : i32
      %add3A_99 = arith.constant 0 : i32
      %add3A_100 = arith.addi %mul3A_98, %add3A_99 : i32
      %dma_wait3A_101 = arith.constant 0 : i32
      %dma_wait3A_102 = tpu.memref_slice %arg7[%add3A_100, %dma_wait3A_101] : memref<100x100xi32, #tpu.memory_space<vmem>> -> memref<1x100xi32, #tpu.memory_space<vmem>>
      %dma_wait3A_103 = tpu.memref_squeeze %dma_wait3A_102 : memref<1x100xi32, #tpu.memory_space<vmem>> -> memref<100xi32, #tpu.memory_space<vmem>>
      %dma_wait3A_104 = arith.constant 0 : i32
      %dma_wait3A_105 = arith.constant 0 : i32
      %dma_wait3A_106 = tpu.memref_slice %arg13[%dma_wait3A_104, %dma_wait3A_105] : memref<10240x64xf32, #tpu.memory_space<vmem_shared>> -> memref<10240x64xf32, #tpu.memory_space<vmem_shared>>
      tpu.wait_indirect_dma semaphore(%arg15 : memref<!tpu.dma_semaphore, #tpu.memory_space<semaphore_mem>>) src(%dma_wait3A_106 : memref<10240x64xf32, #tpu.memory_space<vmem_shared>>) dst(%arg9 : memref<100x64xf32, #tpu.memory_space<vmem>>)
      %dma_start3A_107 = arith.constant 0 : i32
      %dma_start3A_108 = tpu.memref_slice %arg8[%add3A_100, %dma_start3A_107] : memref<100x100xi32, #tpu.memory_space<vmem>> -> memref<1x100xi32, #tpu.memory_space<vmem>>
      %dma_start3A_109 = tpu.memref_squeeze %dma_start3A_108 : memref<1x100xi32, #tpu.memory_space<vmem>> -> memref<100xi32, #tpu.memory_space<vmem>>
      %dma_start3A_110 = arith.constant 0 : i32
      %dma_start3A_111 = arith.constant 0 : i32
      %dma_start3A_112 = tpu.memref_slice %arg14[%dma_start3A_110, %dma_start3A_111] : memref<10240x64xf32, #tpu.memory_space<vmem_shared>> -> memref<10240x64xf32, #tpu.memory_space<vmem_shared>>
      tpu.enqueue_indirect_dma source(%arg9 : memref<100x64xf32, #tpu.memory_space<vmem>>) target(%dma_start3A_112 : memref<10240x64xf32, #tpu.memory_space<vmem_shared>>) offsets(%dma_start3A_109 : memref<100xi32, #tpu.memory_space<vmem>>) semaphore(%arg19 : memref<!tpu.dma_semaphore, #tpu.memory_space<semaphore_mem>>) {add = true}
      %add3A_113 = arith.constant 3 : i32
      %add3A_114 = arith.addi %add3A_100, %add3A_113 : i32
      %sub3A = arith.constant 4 : i32
      %sub3A_115 = arith.subi %add3A_114, %sub3A : i32
      %ge3A = arith.constant 0 : i32
      %ge3A_116 = arith.cmpi sge, %sub3A_115, %ge3A : i32
      %convert_element_type3A = arith.extui %ge3A_116 : i1 to i32
      %cond3A = arith.constant 0 : i32
      %cond3A_117 = arith.cmpi ne, %convert_element_type3A, %cond3A : i32
      scf.if %cond3A_117 {
        %dma_wait3A_212 = arith.constant 0 : i32
        %dma_wait3A_213 = tpu.memref_slice %arg8[%sub3A_115, %dma_wait3A_212] : memref<100x100xi32, #tpu.memory_space<vmem>> -> memref<1x100xi32, #tpu.memory_space<vmem>>
        %dma_wait3A_214 = tpu.memref_squeeze %dma_wait3A_213 : memref<1x100xi32, #tpu.memory_space<vmem>> -> memref<100xi32, #tpu.memory_space<vmem>>
        %dma_wait3A_215 = arith.constant 0 : i32
        %dma_wait3A_216 = arith.constant 0 : i32
        %dma_wait3A_217 = tpu.memref_slice %arg14[%dma_wait3A_215, %dma_wait3A_216] : memref<10240x64xf32, #tpu.memory_space<vmem_shared>> -> memref<10240x64xf32, #tpu.memory_space<vmem_shared>>
        tpu.wait_indirect_dma semaphore(%arg22 : memref<!tpu.dma_semaphore, #tpu.memory_space<semaphore_mem>>) src(%arg12 : memref<100x64xf32, #tpu.memory_space<vmem>>) dst(%dma_wait3A_217 : memref<10240x64xf32, #tpu.memory_space<vmem_shared>>)
      } else {
      }
      %lt3A = arith.constant 100 : i32
      %lt3A_118 = arith.cmpi slt, %add3A_114, %lt3A : i32
      %convert_element_type3A_119 = arith.extui %lt3A_118 : i1 to i32
      %cond3A_120 = arith.constant 0 : i32
      %cond3A_121 = arith.cmpi ne, %convert_element_type3A_119, %cond3A_120 : i32
      scf.if %cond3A_121 {
        %dma_start3A_212 = arith.constant 0 : i32
        %dma_start3A_213 = tpu.memref_slice %arg7[%add3A_114, %dma_start3A_212] : memref<100x100xi32, #tpu.memory_space<vmem>> -> memref<1x100xi32, #tpu.memory_space<vmem>>
        %dma_start3A_214 = tpu.memref_squeeze %dma_start3A_213 : memref<1x100xi32, #tpu.memory_space<vmem>> -> memref<100xi32, #tpu.memory_space<vmem>>
        %dma_start3A_215 = arith.constant 0 : i32
        %dma_start3A_216 = arith.constant 0 : i32
        %dma_start3A_217 = tpu.memref_slice %arg13[%dma_start3A_215, %dma_start3A_216] : memref<10240x64xf32, #tpu.memory_space<vmem_shared>> -> memref<10240x64xf32, #tpu.memory_space<vmem_shared>>
        tpu.enqueue_indirect_dma source(%dma_start3A_217 : memref<10240x64xf32, #tpu.memory_space<vmem_shared>>) target(%arg12 : memref<100x64xf32, #tpu.memory_space<vmem>>) offsets(%dma_start3A_214 : memref<100xi32, #tpu.memory_space<vmem>>) semaphore(%arg18 : memref<!tpu.dma_semaphore, #tpu.memory_space<semaphore_mem>>)
      } else {
      }
      %mul3A_122 = arith.constant 4 : i32
      %mul3A_123 = arith.muli %scan3A_96, %mul3A_122 : i32
      %add3A_124 = arith.constant 1 : i32
      %add3A_125 = arith.addi %mul3A_123, %add3A_124 : i32
      %dma_wait3A_126 = arith.constant 0 : i32
      %dma_wait3A_127 = tpu.memref_slice %arg7[%add3A_125, %dma_wait3A_126] : memref<100x100xi32, #tpu.memory_space<vmem>> -> memref<1x100xi32, #tpu.memory_space<vmem>>
      %dma_wait3A_128 = tpu.memref_squeeze %dma_wait3A_127 : memref<1x100xi32, #tpu.memory_space<vmem>> -> memref<100xi32, #tpu.memory_space<vmem>>
      %dma_wait3A_129 = arith.constant 0 : i32
      %dma_wait3A_130 = arith.constant 0 : i32
      %dma_wait3A_131 = tpu.memref_slice %arg13[%dma_wait3A_129, %dma_wait3A_130] : memref<10240x64xf32, #tpu.memory_space<vmem_shared>> -> memref<10240x64xf32, #tpu.memory_space<vmem_shared>>
      tpu.wait_indirect_dma semaphore(%arg16 : memref<!tpu.dma_semaphore, #tpu.memory_space<semaphore_mem>>) src(%dma_wait3A_131 : memref<10240x64xf32, #tpu.memory_space<vmem_shared>>) dst(%arg10 : memref<100x64xf32, #tpu.memory_space<vmem>>)
      %dma_start3A_132 = arith.constant 0 : i32
      %dma_start3A_133 = tpu.memref_slice %arg8[%add3A_125, %dma_start3A_132] : memref<100x100xi32, #tpu.memory_space<vmem>> -> memref<1x100xi32, #tpu.memory_space<vmem>>
      %dma_start3A_134 = tpu.memref_squeeze %dma_start3A_133 : memref<1x100xi32, #tpu.memory_space<vmem>> -> memref<100xi32, #tpu.memory_space<vmem>>
      %dma_start3A_135 = arith.constant 0 : i32
      %dma_start3A_136 = arith.constant 0 : i32
      %dma_start3A_137 = tpu.memref_slice %arg14[%dma_start3A_135, %dma_start3A_136] : memref<10240x64xf32, #tpu.memory_space<vmem_shared>> -> memref<10240x64xf32, #tpu.memory_space<vmem_shared>>
      tpu.enqueue_indirect_dma source(%arg10 : memref<100x64xf32, #tpu.memory_space<vmem>>) target(%dma_start3A_137 : memref<10240x64xf32, #tpu.memory_space<vmem_shared>>) offsets(%dma_start3A_134 : memref<100xi32, #tpu.memory_space<vmem>>) semaphore(%arg20 : memref<!tpu.dma_semaphore, #tpu.memory_space<semaphore_mem>>) {add = true}
      %add3A_138 = arith.constant 3 : i32
      %add3A_139 = arith.addi %add3A_125, %add3A_138 : i32
      %sub3A_140 = arith.constant 4 : i32
      %sub3A_141 = arith.subi %add3A_139, %sub3A_140 : i32
      %ge3A_142 = arith.constant 0 : i32
      %ge3A_143 = arith.cmpi sge, %sub3A_141, %ge3A_142 : i32
      %convert_element_type3A_144 = arith.extui %ge3A_143 : i1 to i32
      %cond3A_145 = arith.constant 0 : i32
      %cond3A_146 = arith.cmpi ne, %convert_element_type3A_144, %cond3A_145 : i32
      scf.if %cond3A_146 {
        %dma_wait3A_212 = arith.constant 0 : i32
        %dma_wait3A_213 = tpu.memref_slice %arg8[%sub3A_141, %dma_wait3A_212] : memref<100x100xi32, #tpu.memory_space<vmem>> -> memref<1x100xi32, #tpu.memory_space<vmem>>
        %dma_wait3A_214 = tpu.memref_squeeze %dma_wait3A_213 : memref<1x100xi32, #tpu.memory_space<vmem>> -> memref<100xi32, #tpu.memory_space<vmem>>
        %dma_wait3A_215 = arith.constant 0 : i32
        %dma_wait3A_216 = arith.constant 0 : i32
        %dma_wait3A_217 = tpu.memref_slice %arg14[%dma_wait3A_215, %dma_wait3A_216] : memref<10240x64xf32, #tpu.memory_space<vmem_shared>> -> memref<10240x64xf32, #tpu.memory_space<vmem_shared>>
        tpu.wait_indirect_dma semaphore(%arg19 : memref<!tpu.dma_semaphore, #tpu.memory_space<semaphore_mem>>) src(%arg9 : memref<100x64xf32, #tpu.memory_space<vmem>>) dst(%dma_wait3A_217 : memref<10240x64xf32, #tpu.memory_space<vmem_shared>>)
      } else {
      }
      %lt3A_147 = arith.constant 100 : i32
      %lt3A_148 = arith.cmpi slt, %add3A_139, %lt3A_147 : i32
      %convert_element_type3A_149 = arith.extui %lt3A_148 : i1 to i32
      %cond3A_150 = arith.constant 0 : i32
      %cond3A_151 = arith.cmpi ne, %convert_element_type3A_149, %cond3A_150 : i32
      scf.if %cond3A_151 {
        %dma_start3A_212 = arith.constant 0 : i32
        %dma_start3A_213 = tpu.memref_slice %arg7[%add3A_139, %dma_start3A_212] : memref<100x100xi32, #tpu.memory_space<vmem>> -> memref<1x100xi32, #tpu.memory_space<vmem>>
        %dma_start3A_214 = tpu.memref_squeeze %dma_start3A_213 : memref<1x100xi32, #tpu.memory_space<vmem>> -> memref<100xi32, #tpu.memory_space<vmem>>
        %dma_start3A_215 = arith.constant 0 : i32
        %dma_start3A_216 = arith.constant 0 : i32
        %dma_start3A_217 = tpu.memref_slice %arg13[%dma_start3A_215, %dma_start3A_216] : memref<10240x64xf32, #tpu.memory_space<vmem_shared>> -> memref<10240x64xf32, #tpu.memory_space<vmem_shared>>
        tpu.enqueue_indirect_dma source(%dma_start3A_217 : memref<10240x64xf32, #tpu.memory_space<vmem_shared>>) target(%arg9 : memref<100x64xf32, #tpu.memory_space<vmem>>) offsets(%dma_start3A_214 : memref<100xi32, #tpu.memory_space<vmem>>) semaphore(%arg15 : memref<!tpu.dma_semaphore, #tpu.memory_space<semaphore_mem>>)
      } else {
      }
      %mul3A_152 = arith.constant 4 : i32
      %mul3A_153 = arith.muli %scan3A_96, %mul3A_152 : i32
      %add3A_154 = arith.constant 2 : i32
      %add3A_155 = arith.addi %mul3A_153, %add3A_154 : i32
      %dma_wait3A_156 = arith.constant 0 : i32
      %dma_wait3A_157 = tpu.memref_slice %arg7[%add3A_155, %dma_wait3A_156] : memref<100x100xi32, #tpu.memory_space<vmem>> -> memref<1x100xi32, #tpu.memory_space<vmem>>
      %dma_wait3A_158 = tpu.memref_squeeze %dma_wait3A_157 : memref<1x100xi32, #tpu.memory_space<vmem>> -> memref<100xi32, #tpu.memory_space<vmem>>
      %dma_wait3A_159 = arith.constant 0 : i32
      %dma_wait3A_160 = arith.constant 0 : i32
      %dma_wait3A_161 = tpu.memref_slice %arg13[%dma_wait3A_159, %dma_wait3A_160] : memref<10240x64xf32, #tpu.memory_space<vmem_shared>> -> memref<10240x64xf32, #tpu.memory_space<vmem_shared>>
      tpu.wait_indirect_dma semaphore(%arg17 : memref<!tpu.dma_semaphore, #tpu.memory_space<semaphore_mem>>) src(%dma_wait3A_161 : memref<10240x64xf32, #tpu.memory_space<vmem_shared>>) dst(%arg11 : memref<100x64xf32, #tpu.memory_space<vmem>>)
      %dma_start3A_162 = arith.constant 0 : i32
      %dma_start3A_163 = tpu.memref_slice %arg8[%add3A_155, %dma_start3A_162] : memref<100x100xi32, #tpu.memory_space<vmem>> -> memref<1x100xi32, #tpu.memory_space<vmem>>
      %dma_start3A_164 = tpu.memref_squeeze %dma_start3A_163 : memref<1x100xi32, #tpu.memory_space<vmem>> -> memref<100xi32, #tpu.memory_space<vmem>>
      %dma_start3A_165 = arith.constant 0 : i32
      %dma_start3A_166 = arith.constant 0 : i32
      %dma_start3A_167 = tpu.memref_slice %arg14[%dma_start3A_165, %dma_start3A_166] : memref<10240x64xf32, #tpu.memory_space<vmem_shared>> -> memref<10240x64xf32, #tpu.memory_space<vmem_shared>>
      tpu.enqueue_indirect_dma source(%arg11 : memref<100x64xf32, #tpu.memory_space<vmem>>) target(%dma_start3A_167 : memref<10240x64xf32, #tpu.memory_space<vmem_shared>>) offsets(%dma_start3A_164 : memref<100xi32, #tpu.memory_space<vmem>>) semaphore(%arg21 : memref<!tpu.dma_semaphore, #tpu.memory_space<semaphore_mem>>) {add = true}
      %add3A_168 = arith.constant 3 : i32
      %add3A_169 = arith.addi %add3A_155, %add3A_168 : i32
      %sub3A_170 = arith.constant 4 : i32
      %sub3A_171 = arith.subi %add3A_169, %sub3A_170 : i32
      %ge3A_172 = arith.constant 0 : i32
      %ge3A_173 = arith.cmpi sge, %sub3A_171, %ge3A_172 : i32
      %convert_element_type3A_174 = arith.extui %ge3A_173 : i1 to i32
      %cond3A_175 = arith.constant 0 : i32
      %cond3A_176 = arith.cmpi ne, %convert_element_type3A_174, %cond3A_175 : i32
      scf.if %cond3A_176 {
        %dma_wait3A_212 = arith.constant 0 : i32
        %dma_wait3A_213 = tpu.memref_slice %arg8[%sub3A_171, %dma_wait3A_212] : memref<100x100xi32, #tpu.memory_space<vmem>> -> memref<1x100xi32, #tpu.memory_space<vmem>>
        %dma_wait3A_214 = tpu.memref_squeeze %dma_wait3A_213 : memref<1x100xi32, #tpu.memory_space<vmem>> -> memref<100xi32, #tpu.memory_space<vmem>>
        %dma_wait3A_215 = arith.constant 0 : i32
        %dma_wait3A_216 = arith.constant 0 : i32
        %dma_wait3A_217 = tpu.memref_slice %arg14[%dma_wait3A_215, %dma_wait3A_216] : memref<10240x64xf32, #tpu.memory_space<vmem_shared>> -> memref<10240x64xf32, #tpu.memory_space<vmem_shared>>
        tpu.wait_indirect_dma semaphore(%arg20 : memref<!tpu.dma_semaphore, #tpu.memory_space<semaphore_mem>>) src(%arg10 : memref<100x64xf32, #tpu.memory_space<vmem>>) dst(%dma_wait3A_217 : memref<10240x64xf32, #tpu.memory_space<vmem_shared>>)
      } else {
      }
      %lt3A_177 = arith.constant 100 : i32
      %lt3A_178 = arith.cmpi slt, %add3A_169, %lt3A_177 : i32
      %convert_element_type3A_179 = arith.extui %lt3A_178 : i1 to i32
      %cond3A_180 = arith.constant 0 : i32
      %cond3A_181 = arith.cmpi ne, %convert_element_type3A_179, %cond3A_180 : i32
      scf.if %cond3A_181 {
        %dma_start3A_212 = arith.constant 0 : i32
        %dma_start3A_213 = tpu.memref_slice %arg7[%add3A_169, %dma_start3A_212] : memref<100x100xi32, #tpu.memory_space<vmem>> -> memref<1x100xi32, #tpu.memory_space<vmem>>
        %dma_start3A_214 = tpu.memref_squeeze %dma_start3A_213 : memref<1x100xi32, #tpu.memory_space<vmem>> -> memref<100xi32, #tpu.memory_space<vmem>>
        %dma_start3A_215 = arith.constant 0 : i32
        %dma_start3A_216 = arith.constant 0 : i32
        %dma_start3A_217 = tpu.memref_slice %arg13[%dma_start3A_215, %dma_start3A_216] : memref<10240x64xf32, #tpu.memory_space<vmem_shared>> -> memref<10240x64xf32, #tpu.memory_space<vmem_shared>>
        tpu.enqueue_indirect_dma source(%dma_start3A_217 : memref<10240x64xf32, #tpu.memory_space<vmem_shared>>) target(%arg10 : memref<100x64xf32, #tpu.memory_space<vmem>>) offsets(%dma_start3A_214 : memref<100xi32, #tpu.memory_space<vmem>>) semaphore(%arg16 : memref<!tpu.dma_semaphore, #tpu.memory_space<semaphore_mem>>)
      } else {
      }
      %mul3A_182 = arith.constant 4 : i32
      %mul3A_183 = arith.muli %scan3A_96, %mul3A_182 : i32
      %add3A_184 = arith.constant 3 : i32
      %add3A_185 = arith.addi %mul3A_183, %add3A_184 : i32
      %dma_wait3A_186 = arith.constant 0 : i32
      %dma_wait3A_187 = tpu.memref_slice %arg7[%add3A_185, %dma_wait3A_186] : memref<100x100xi32, #tpu.memory_space<vmem>> -> memref<1x100xi32, #tpu.memory_space<vmem>>
      %dma_wait3A_188 = tpu.memref_squeeze %dma_wait3A_187 : memref<1x100xi32, #tpu.memory_space<vmem>> -> memref<100xi32, #tpu.memory_space<vmem>>
      %dma_wait3A_189 = arith.constant 0 : i32
      %dma_wait3A_190 = arith.constant 0 : i32
      %dma_wait3A_191 = tpu.memref_slice %arg13[%dma_wait3A_189, %dma_wait3A_190] : memref<10240x64xf32, #tpu.memory_space<vmem_shared>> -> memref<10240x64xf32, #tpu.memory_space<vmem_shared>>
      tpu.wait_indirect_dma semaphore(%arg18 : memref<!tpu.dma_semaphore, #tpu.memory_space<semaphore_mem>>) src(%dma_wait3A_191 : memref<10240x64xf32, #tpu.memory_space<vmem_shared>>) dst(%arg12 : memref<100x64xf32, #tpu.memory_space<vmem>>)
      %dma_start3A_192 = arith.constant 0 : i32
      %dma_start3A_193 = tpu.memref_slice %arg8[%add3A_185, %dma_start3A_192] : memref<100x100xi32, #tpu.memory_space<vmem>> -> memref<1x100xi32, #tpu.memory_space<vmem>>
      %dma_start3A_194 = tpu.memref_squeeze %dma_start3A_193 : memref<1x100xi32, #tpu.memory_space<vmem>> -> memref<100xi32, #tpu.memory_space<vmem>>
      %dma_start3A_195 = arith.constant 0 : i32
      %dma_start3A_196 = arith.constant 0 : i32
      %dma_start3A_197 = tpu.memref_slice %arg14[%dma_start3A_195, %dma_start3A_196] : memref<10240x64xf32, #tpu.memory_space<vmem_shared>> -> memref<10240x64xf32, #tpu.memory_space<vmem_shared>>
      tpu.enqueue_indirect_dma source(%arg12 : memref<100x64xf32, #tpu.memory_space<vmem>>) target(%dma_start3A_197 : memref<10240x64xf32, #tpu.memory_space<vmem_shared>>) offsets(%dma_start3A_194 : memref<100xi32, #tpu.memory_space<vmem>>) semaphore(%arg22 : memref<!tpu.dma_semaphore, #tpu.memory_space<semaphore_mem>>) {add = true}
      %add3A_198 = arith.constant 3 : i32
      %add3A_199 = arith.addi %add3A_185, %add3A_198 : i32
      %sub3A_200 = arith.constant 4 : i32
      %sub3A_201 = arith.subi %add3A_199, %sub3A_200 : i32
      %ge3A_202 = arith.constant 0 : i32
      %ge3A_203 = arith.cmpi sge, %sub3A_201, %ge3A_202 : i32
      %convert_element_type3A_204 = arith.extui %ge3A_203 : i1 to i32
      %cond3A_205 = arith.constant 0 : i32
      %cond3A_206 = arith.cmpi ne, %convert_element_type3A_204, %cond3A_205 : i32
      scf.if %cond3A_206 {
        %dma_wait3A_212 = arith.constant 0 : i32
        %dma_wait3A_213 = tpu.memref_slice %arg8[%sub3A_201, %dma_wait3A_212] : memref<100x100xi32, #tpu.memory_space<vmem>> -> memref<1x100xi32, #tpu.memory_space<vmem>>
        %dma_wait3A_214 = tpu.memref_squeeze %dma_wait3A_213 : memref<1x100xi32, #tpu.memory_space<vmem>> -> memref<100xi32, #tpu.memory_space<vmem>>
        %dma_wait3A_215 = arith.constant 0 : i32
        %dma_wait3A_216 = arith.constant 0 : i32
        %dma_wait3A_217 = tpu.memref_slice %arg14[%dma_wait3A_215, %dma_wait3A_216] : memref<10240x64xf32, #tpu.memory_space<vmem_shared>> -> memref<10240x64xf32, #tpu.memory_space<vmem_shared>>
        tpu.wait_indirect_dma semaphore(%arg21 : memref<!tpu.dma_semaphore, #tpu.memory_space<semaphore_mem>>) src(%arg11 : memref<100x64xf32, #tpu.memory_space<vmem>>) dst(%dma_wait3A_217 : memref<10240x64xf32, #tpu.memory_space<vmem_shared>>)
      } else {
      }
      %lt3A_207 = arith.constant 100 : i32
      %lt3A_208 = arith.cmpi slt, %add3A_199, %lt3A_207 : i32
      %convert_element_type3A_209 = arith.extui %lt3A_208 : i1 to i32
      %cond3A_210 = arith.constant 0 : i32
      %cond3A_211 = arith.cmpi ne, %convert_element_type3A_209, %cond3A_210 : i32
      scf.if %cond3A_211 {
        %dma_start3A_212 = arith.constant 0 : i32
        %dma_start3A_213 = tpu.memref_slice %arg7[%add3A_199, %dma_start3A_212] : memref<100x100xi32, #tpu.memory_space<vmem>> -> memref<1x100xi32, #tpu.memory_space<vmem>>
        %dma_start3A_214 = tpu.memref_squeeze %dma_start3A_213 : memref<1x100xi32, #tpu.memory_space<vmem>> -> memref<100xi32, #tpu.memory_space<vmem>>
        %dma_start3A_215 = arith.constant 0 : i32
        %dma_start3A_216 = arith.constant 0 : i32
        %dma_start3A_217 = tpu.memref_slice %arg13[%dma_start3A_215, %dma_start3A_216] : memref<10240x64xf32, #tpu.memory_space<vmem_shared>> -> memref<10240x64xf32, #tpu.memory_space<vmem_shared>>
        tpu.enqueue_indirect_dma source(%dma_start3A_217 : memref<10240x64xf32, #tpu.memory_space<vmem_shared>>) target(%arg11 : memref<100x64xf32, #tpu.memory_space<vmem>>) offsets(%dma_start3A_214 : memref<100xi32, #tpu.memory_space<vmem>>) semaphore(%arg17 : memref<!tpu.dma_semaphore, #tpu.memory_space<semaphore_mem>>)
      } else {
      }
    }
    %scan3A_33 = arith.constant 25 : i32
    %dma_wait3A = arith.constant 99 : i32
    %dma_wait3A_34 = arith.constant 0 : i32
    %dma_wait3A_35 = tpu.memref_slice %arg8[%dma_wait3A, %dma_wait3A_34] : memref<100x100xi32, #tpu.memory_space<vmem>> -> memref<1x100xi32, #tpu.memory_space<vmem>>
    %dma_wait3A_36 = tpu.memref_squeeze %dma_wait3A_35 : memref<1x100xi32, #tpu.memory_space<vmem>> -> memref<100xi32, #tpu.memory_space<vmem>>
    %dma_wait3A_37 = arith.constant 0 : i32
    %dma_wait3A_38 = arith.constant 0 : i32
    %dma_wait3A_39 = tpu.memref_slice %arg14[%dma_wait3A_37, %dma_wait3A_38] : memref<10240x64xf32, #tpu.memory_space<vmem_shared>> -> memref<10240x64xf32, #tpu.memory_space<vmem_shared>>
    tpu.wait_indirect_dma semaphore(%arg22 : memref<!tpu.dma_semaphore, #tpu.memory_space<semaphore_mem>>) src(%arg12 : memref<100x64xf32, #tpu.memory_space<vmem>>) dst(%dma_wait3A_39 : memref<10240x64xf32, #tpu.memory_space<vmem_shared>>)
    %barrier3A_40 = arith.constant 0 : index
    tpu.barrier barrier_id(%barrier3A_40)
    %mul3A_41 = arith.constant 640 : i32
    %mul3A_42 = arith.muli %arg1, %mul3A_41 : i32
    %mul3A_43 = arith.constant 640 : i32
    %mul3A_44 = arith.muli %arg1, %mul3A_43 : i32
    %run_scoped3A_45 = arith.constant 0 : i32
    "tpu.region"() ({
      %run_scoped3A_96 = tpu.sem_alloc : memref<!tpu.dma_semaphore, #tpu.memory_space<semaphore_mem>>
      %dma_start3A_97 = arith.constant 0 : i32
      %dma_start3A_98 = tpu.memref_slice %arg6[%run_scoped3A_45, %arg0, %mul3A_44, %dma_start3A_97] : memref<2x2x10240x64xf32, #tpu.memory_space<hbm>> -> memref<1x1x640x64xf32, #tpu.memory_space<hbm>>
      %dma_start3A_99 = tpu.memref_squeeze %dma_start3A_98 : memref<1x1x640x64xf32, #tpu.memory_space<hbm>> -> memref<640x64xf32, #tpu.memory_space<hbm>>
      %dma_start3A_100 = arith.constant 0 : i32
      %dma_start3A_101 = tpu.memref_slice %arg14[%mul3A_42, %dma_start3A_100] : memref<10240x64xf32, #tpu.memory_space<vmem_shared>> -> memref<640x64xf32, #tpu.memory_space<vmem_shared>>
      tpu.enqueue_dma source(%dma_start3A_101 : memref<640x64xf32, #tpu.memory_space<vmem_shared>>) target(%dma_start3A_99 : memref<640x64xf32, #tpu.memory_space<hbm>>) target_semaphore(%run_scoped3A_96 : memref<!tpu.dma_semaphore, #tpu.memory_space<semaphore_mem>>)
      %dma_wait3A_102 = arith.constant 0 : i32
      %dma_wait3A_103 = tpu.memref_slice %arg6[%run_scoped3A_45, %arg0, %mul3A_44, %dma_wait3A_102] : memref<2x2x10240x64xf32, #tpu.memory_space<hbm>> -> memref<1x1x640x64xf32, #tpu.memory_space<hbm>>
      %dma_wait3A_104 = tpu.memref_squeeze %dma_wait3A_103 : memref<1x1x640x64xf32, #tpu.memory_space<hbm>> -> memref<640x64xf32, #tpu.memory_space<hbm>>
      %dma_wait3A_105 = arith.constant 0 : i32
      %dma_wait3A_106 = tpu.memref_slice %arg14[%mul3A_42, %dma_wait3A_105] : memref<10240x64xf32, #tpu.memory_space<vmem_shared>> -> memref<640x64xf32, #tpu.memory_space<vmem_shared>>
      tpu.wait_dma2 semaphore(%run_scoped3A_96 : memref<!tpu.dma_semaphore, #tpu.memory_space<semaphore_mem>>) src(%dma_wait3A_106 : memref<640x64xf32, #tpu.memory_space<vmem_shared>>) dst(%dma_wait3A_104 : memref<640x64xf32, #tpu.memory_space<hbm>>)
      tpu.yield
    }) : () -> ()
    %mul3A_46 = arith.constant 640 : i32
    %mul3A_47 = arith.muli %arg1, %mul3A_46 : i32
    %mul3A_48 = arith.constant 640 : i32
    %mul3A_49 = arith.muli %arg1, %mul3A_48 : i32
    %run_scoped3A_50 = arith.constant 1 : i32
    "tpu.region"() ({
      %run_scoped3A_96 = tpu.sem_alloc : memref<!tpu.dma_semaphore, #tpu.memory_space<semaphore_mem>>
      %dma_start3A_97 = arith.constant 0 : i32
      %dma_start3A_98 = tpu.memref_slice %arg13[%mul3A_49, %dma_start3A_97] : memref<10240x64xf32, #tpu.memory_space<vmem_shared>> -> memref<640x64xf32, #tpu.memory_space<vmem_shared>>
      %dma_start3A_99 = arith.constant 0 : i32
      %dma_start3A_100 = tpu.memref_slice %arg4[%run_scoped3A_50, %mul3A_47, %dma_start3A_99] : memref<2x10240x64xf32, #tpu.memory_space<hbm>> -> memref<1x640x64xf32, #tpu.memory_space<hbm>>
      %dma_start3A_101 = tpu.memref_squeeze %dma_start3A_100 : memref<1x640x64xf32, #tpu.memory_space<hbm>> -> memref<640x64xf32, #tpu.memory_space<hbm>>
      tpu.enqueue_dma source(%dma_start3A_101 : memref<640x64xf32, #tpu.memory_space<hbm>>) target(%dma_start3A_98 : memref<640x64xf32, #tpu.memory_space<vmem_shared>>) target_semaphore(%run_scoped3A_96 : memref<!tpu.dma_semaphore, #tpu.memory_space<semaphore_mem>>)
      %dma_wait3A_102 = arith.constant 0 : i32
      %dma_wait3A_103 = tpu.memref_slice %arg13[%mul3A_49, %dma_wait3A_102] : memref<10240x64xf32, #tpu.memory_space<vmem_shared>> -> memref<640x64xf32, #tpu.memory_space<vmem_shared>>
      %dma_wait3A_104 = arith.constant 0 : i32
      %dma_wait3A_105 = tpu.memref_slice %arg4[%run_scoped3A_50, %mul3A_47, %dma_wait3A_104] : memref<2x10240x64xf32, #tpu.memory_space<hbm>> -> memref<1x640x64xf32, #tpu.memory_space<hbm>>
      %dma_wait3A_106 = tpu.memref_squeeze %dma_wait3A_105 : memref<1x640x64xf32, #tpu.memory_space<hbm>> -> memref<640x64xf32, #tpu.memory_space<hbm>>
      tpu.wait_dma2 semaphore(%run_scoped3A_96 : memref<!tpu.dma_semaphore, #tpu.memory_space<semaphore_mem>>) src(%dma_wait3A_106 : memref<640x64xf32, #tpu.memory_space<hbm>>) dst(%dma_wait3A_103 : memref<640x64xf32, #tpu.memory_space<vmem_shared>>)
      tpu.yield
    }) : () -> ()
    %mul3A_51 = arith.constant 640 : i32
    %mul3A_52 = arith.muli %arg1, %mul3A_51 : i32
    %mul3A_53 = arith.constant 640 : i32
    %mul3A_54 = arith.muli %arg1, %mul3A_53 : i32
    "tpu.region"() ({
      %run_scoped3A_96 = tpu.sem_alloc : memref<!tpu.dma_semaphore, #tpu.memory_space<semaphore_mem>>
      %dma_start3A_97 = arith.constant 0 : i32
      %dma_start3A_98 = tpu.memref_slice %arg14[%mul3A_54, %dma_start3A_97] : memref<10240x64xf32, #tpu.memory_space<vmem_shared>> -> memref<640x64xf32, #tpu.memory_space<vmem_shared>>
      %dma_start3A_99 = arith.constant 0 : i32
      %dma_start3A_100 = tpu.memref_slice %arg5[%mul3A_52, %dma_start3A_99] : memref<10240x64xf32, #tpu.memory_space<hbm>> -> memref<640x64xf32, #tpu.memory_space<hbm>>
      tpu.enqueue_dma source(%dma_start3A_100 : memref<640x64xf32, #tpu.memory_space<hbm>>) target(%dma_start3A_98 : memref<640x64xf32, #tpu.memory_space<vmem_shared>>) target_semaphore(%run_scoped3A_96 : memref<!tpu.dma_semaphore, #tpu.memory_space<semaphore_mem>>)
      %dma_wait3A_101 = arith.constant 0 : i32
      %dma_wait3A_102 = tpu.memref_slice %arg14[%mul3A_54, %dma_wait3A_101] : memref<10240x64xf32, #tpu.memory_space<vmem_shared>> -> memref<640x64xf32, #tpu.memory_space<vmem_shared>>
      %dma_wait3A_103 = arith.constant 0 : i32
      %dma_wait3A_104 = tpu.memref_slice %arg5[%mul3A_52, %dma_wait3A_103] : memref<10240x64xf32, #tpu.memory_space<hbm>> -> memref<640x64xf32, #tpu.memory_space<hbm>>
      tpu.wait_dma2 semaphore(%run_scoped3A_96 : memref<!tpu.dma_semaphore, #tpu.memory_space<semaphore_mem>>) src(%dma_wait3A_104 : memref<640x64xf32, #tpu.memory_space<hbm>>) dst(%dma_wait3A_102 : memref<640x64xf32, #tpu.memory_space<vmem_shared>>)
      tpu.yield
    }) : () -> ()
    %barrier3A_55 = arith.constant 0 : index
    tpu.barrier barrier_id(%barrier3A_55)
    %dma_start3A_56 = arith.constant 0 : i32
    %dma_start3A_57 = arith.constant 0 : i32
    %dma_start3A_58 = tpu.memref_slice %arg7[%dma_start3A_56, %dma_start3A_57] : memref<100x100xi32, #tpu.memory_space<vmem>> -> memref<1x100xi32, #tpu.memory_space<vmem>>
    %dma_start3A_59 = tpu.memref_squeeze %dma_start3A_58 : memref<1x100xi32, #tpu.memory_space<vmem>> -> memref<100xi32, #tpu.memory_space<vmem>>
    %dma_start3A_60 = arith.constant 0 : i32
    %dma_start3A_61 = arith.constant 0 : i32
    %dma_start3A_62 = tpu.memref_slice %arg13[%dma_start3A_60, %dma_start3A_61] : memref<10240x64xf32, #tpu.memory_space<vmem_shared>> -> memref<10240x64xf32, #tpu.memory_space<vmem_shared>>
    tpu.enqueue_indirect_dma source(%dma_start3A_62 : memref<10240x64xf32, #tpu.memory_space<vmem_shared>>) target(%arg9 : memref<100x64xf32, #tpu.memory_space<vmem>>) offsets(%dma_start3A_59 : memref<100xi32, #tpu.memory_space<vmem>>) semaphore(%arg15 : memref<!tpu.dma_semaphore, #tpu.memory_space<semaphore_mem>>)
    %dma_start3A_63 = arith.constant 1 : i32
    %dma_start3A_64 = arith.constant 0 : i32
    %dma_start3A_65 = tpu.memref_slice %arg7[%dma_start3A_63, %dma_start3A_64] : memref<100x100xi32, #tpu.memory_space<vmem>> -> memref<1x100xi32, #tpu.memory_space<vmem>>
    %dma_start3A_66 = tpu.memref_squeeze %dma_start3A_65 : memref<1x100xi32, #tpu.memory_space<vmem>> -> memref<100xi32, #tpu.memory_space<vmem>>
    %dma_start3A_67 = arith.constant 0 : i32
    %dma_start3A_68 = arith.constant 0 : i32
    %dma_start3A_69 = tpu.memref_slice %arg13[%dma_start3A_67, %dma_start3A_68] : memref<10240x64xf32, #tpu.memory_space<vmem_shared>> -> memref<10240x64xf32, #tpu.memory_space<vmem_shared>>
    tpu.enqueue_indirect_dma source(%dma_start3A_69 : memref<10240x64xf32, #tpu.memory_space<vmem_shared>>) target(%arg10 : memref<100x64xf32, #tpu.memory_space<vmem>>) offsets(%dma_start3A_66 : memref<100xi32, #tpu.memory_space<vmem>>) semaphore(%arg16 : memref<!tpu.dma_semaphore, #tpu.memory_space<semaphore_mem>>)
    %dma_start3A_70 = arith.constant 2 : i32
    %dma_start3A_71 = arith.constant 0 : i32
    %dma_start3A_72 = tpu.memref_slice %arg7[%dma_start3A_70, %dma_start3A_71] : memref<100x100xi32, #tpu.memory_space<vmem>> -> memref<1x100xi32, #tpu.memory_space<vmem>>
    %dma_start3A_73 = tpu.memref_squeeze %dma_start3A_72 : memref<1x100xi32, #tpu.memory_space<vmem>> -> memref<100xi32, #tpu.memory_space<vmem>>
    %dma_start3A_74 = arith.constant 0 : i32
    %dma_start3A_75 = arith.constant 0 : i32
    %dma_start3A_76 = tpu.memref_slice %arg13[%dma_start3A_74, %dma_start3A_75] : memref<10240x64xf32, #tpu.memory_space<vmem_shared>> -> memref<10240x64xf32, #tpu.memory_space<vmem_shared>>
    tpu.enqueue_indirect_dma source(%dma_start3A_76 : memref<10240x64xf32, #tpu.memory_space<vmem_shared>>) target(%arg11 : memref<100x64xf32, #tpu.memory_space<vmem>>) offsets(%dma_start3A_73 : memref<100xi32, #tpu.memory_space<vmem>>) semaphore(%arg17 : memref<!tpu.dma_semaphore, #tpu.memory_space<semaphore_mem>>)
    %scan3A_77 = arith.constant 0 : i32
    %scan3A_78 = arith.constant 0 : i32
    %scan3A_79 = arith.constant 25 : i32
    %scan3A_80 = arith.addi %scan3A_78, %scan3A_79 : i32
    %scan3A_81 = arith.constant 1 : i32
    scf.for %scan3A_96 = %scan3A_78 to %scan3A_80 step %scan3A_81  : i32 {
      %mul3A_97 = arith.constant 4 : i32
      %mul3A_98 = arith.muli %scan3A_96, %mul3A_97 : i32
      %add3A_99 = arith.constant 0 : i32
      %add3A_100 = arith.addi %mul3A_98, %add3A_99 : i32
      %dma_wait3A_101 = arith.constant 0 : i32
      %dma_wait3A_102 = tpu.memref_slice %arg7[%add3A_100, %dma_wait3A_101] : memref<100x100xi32, #tpu.memory_space<vmem>> -> memref<1x100xi32, #tpu.memory_space<vmem>>
      %dma_wait3A_103 = tpu.memref_squeeze %dma_wait3A_102 : memref<1x100xi32, #tpu.memory_space<vmem>> -> memref<100xi32, #tpu.memory_space<vmem>>
      %dma_wait3A_104 = arith.constant 0 : i32
      %dma_wait3A_105 = arith.constant 0 : i32
      %dma_wait3A_106 = tpu.memref_slice %arg13[%dma_wait3A_104, %dma_wait3A_105] : memref<10240x64xf32, #tpu.memory_space<vmem_shared>> -> memref<10240x64xf32, #tpu.memory_space<vmem_shared>>
      tpu.wait_indirect_dma semaphore(%arg15 : memref<!tpu.dma_semaphore, #tpu.memory_space<semaphore_mem>>) src(%dma_wait3A_106 : memref<10240x64xf32, #tpu.memory_space<vmem_shared>>) dst(%arg9 : memref<100x64xf32, #tpu.memory_space<vmem>>)
      %dma_start3A_107 = arith.constant 0 : i32
      %dma_start3A_108 = tpu.memref_slice %arg8[%add3A_100, %dma_start3A_107] : memref<100x100xi32, #tpu.memory_space<vmem>> -> memref<1x100xi32, #tpu.memory_space<vmem>>
      %dma_start3A_109 = tpu.memref_squeeze %dma_start3A_108 : memref<1x100xi32, #tpu.memory_space<vmem>> -> memref<100xi32, #tpu.memory_space<vmem>>
      %dma_start3A_110 = arith.constant 0 : i32
      %dma_start3A_111 = arith.constant 0 : i32
      %dma_start3A_112 = tpu.memref_slice %arg14[%dma_start3A_110, %dma_start3A_111] : memref<10240x64xf32, #tpu.memory_space<vmem_shared>> -> memref<10240x64xf32, #tpu.memory_space<vmem_shared>>
      tpu.enqueue_indirect_dma source(%arg9 : memref<100x64xf32, #tpu.memory_space<vmem>>) target(%dma_start3A_112 : memref<10240x64xf32, #tpu.memory_space<vmem_shared>>) offsets(%dma_start3A_109 : memref<100xi32, #tpu.memory_space<vmem>>) semaphore(%arg19 : memref<!tpu.dma_semaphore, #tpu.memory_space<semaphore_mem>>) {add = true}
      %add3A_113 = arith.constant 3 : i32
      %add3A_114 = arith.addi %add3A_100, %add3A_113 : i32
      %sub3A = arith.constant 4 : i32
      %sub3A_115 = arith.subi %add3A_114, %sub3A : i32
      %ge3A = arith.constant 0 : i32
      %ge3A_116 = arith.cmpi sge, %sub3A_115, %ge3A : i32
      %convert_element_type3A = arith.extui %ge3A_116 : i1 to i32
      %cond3A = arith.constant 0 : i32
      %cond3A_117 = arith.cmpi ne, %convert_element_type3A, %cond3A : i32
      scf.if %cond3A_117 {
        %dma_wait3A_212 = arith.constant 0 : i32
        %dma_wait3A_213 = tpu.memref_slice %arg8[%sub3A_115, %dma_wait3A_212] : memref<100x100xi32, #tpu.memory_space<vmem>> -> memref<1x100xi32, #tpu.memory_space<vmem>>
        %dma_wait3A_214 = tpu.memref_squeeze %dma_wait3A_213 : memref<1x100xi32, #tpu.memory_space<vmem>> -> memref<100xi32, #tpu.memory_space<vmem>>
        %dma_wait3A_215 = arith.constant 0 : i32
        %dma_wait3A_216 = arith.constant 0 : i32
        %dma_wait3A_217 = tpu.memref_slice %arg14[%dma_wait3A_215, %dma_wait3A_216] : memref<10240x64xf32, #tpu.memory_space<vmem_shared>> -> memref<10240x64xf32, #tpu.memory_space<vmem_shared>>
        tpu.wait_indirect_dma semaphore(%arg22 : memref<!tpu.dma_semaphore, #tpu.memory_space<semaphore_mem>>) src(%arg12 : memref<100x64xf32, #tpu.memory_space<vmem>>) dst(%dma_wait3A_217 : memref<10240x64xf32, #tpu.memory_space<vmem_shared>>)
      } else {
      }
      %lt3A = arith.constant 100 : i32
      %lt3A_118 = arith.cmpi slt, %add3A_114, %lt3A : i32
      %convert_element_type3A_119 = arith.extui %lt3A_118 : i1 to i32
      %cond3A_120 = arith.constant 0 : i32
      %cond3A_121 = arith.cmpi ne, %convert_element_type3A_119, %cond3A_120 : i32
      scf.if %cond3A_121 {
        %dma_start3A_212 = arith.constant 0 : i32
        %dma_start3A_213 = tpu.memref_slice %arg7[%add3A_114, %dma_start3A_212] : memref<100x100xi32, #tpu.memory_space<vmem>> -> memref<1x100xi32, #tpu.memory_space<vmem>>
        %dma_start3A_214 = tpu.memref_squeeze %dma_start3A_213 : memref<1x100xi32, #tpu.memory_space<vmem>> -> memref<100xi32, #tpu.memory_space<vmem>>
        %dma_start3A_215 = arith.constant 0 : i32
        %dma_start3A_216 = arith.constant 0 : i32
        %dma_start3A_217 = tpu.memref_slice %arg13[%dma_start3A_215, %dma_start3A_216] : memref<10240x64xf32, #tpu.memory_space<vmem_shared>> -> memref<10240x64xf32, #tpu.memory_space<vmem_shared>>
        tpu.enqueue_indirect_dma source(%dma_start3A_217 : memref<10240x64xf32, #tpu.memory_space<vmem_shared>>) target(%arg12 : memref<100x64xf32, #tpu.memory_space<vmem>>) offsets(%dma_start3A_214 : memref<100xi32, #tpu.memory_space<vmem>>) semaphore(%arg18 : memref<!tpu.dma_semaphore, #tpu.memory_space<semaphore_mem>>)
      } else {
      }
      %mul3A_122 = arith.constant 4 : i32
      %mul3A_123 = arith.muli %scan3A_96, %mul3A_122 : i32
      %add3A_124 = arith.constant 1 : i32
      %add3A_125 = arith.addi %mul3A_123, %add3A_124 : i32
      %dma_wait3A_126 = arith.constant 0 : i32
      %dma_wait3A_127 = tpu.memref_slice %arg7[%add3A_125, %dma_wait3A_126] : memref<100x100xi32, #tpu.memory_space<vmem>> -> memref<1x100xi32, #tpu.memory_space<vmem>>
      %dma_wait3A_128 = tpu.memref_squeeze %dma_wait3A_127 : memref<1x100xi32, #tpu.memory_space<vmem>> -> memref<100xi32, #tpu.memory_space<vmem>>
      %dma_wait3A_129 = arith.constant 0 : i32
      %dma_wait3A_130 = arith.constant 0 : i32
      %dma_wait3A_131 = tpu.memref_slice %arg13[%dma_wait3A_129, %dma_wait3A_130] : memref<10240x64xf32, #tpu.memory_space<vmem_shared>> -> memref<10240x64xf32, #tpu.memory_space<vmem_shared>>
      tpu.wait_indirect_dma semaphore(%arg16 : memref<!tpu.dma_semaphore, #tpu.memory_space<semaphore_mem>>) src(%dma_wait3A_131 : memref<10240x64xf32, #tpu.memory_space<vmem_shared>>) dst(%arg10 : memref<100x64xf32, #tpu.memory_space<vmem>>)
      %dma_start3A_132 = arith.constant 0 : i32
      %dma_start3A_133 = tpu.memref_slice %arg8[%add3A_125, %dma_start3A_132] : memref<100x100xi32, #tpu.memory_space<vmem>> -> memref<1x100xi32, #tpu.memory_space<vmem>>
      %dma_start3A_134 = tpu.memref_squeeze %dma_start3A_133 : memref<1x100xi32, #tpu.memory_space<vmem>> -> memref<100xi32, #tpu.memory_space<vmem>>
      %dma_start3A_135 = arith.constant 0 : i32
      %dma_start3A_136 = arith.constant 0 : i32
      %dma_start3A_137 = tpu.memref_slice %arg14[%dma_start3A_135, %dma_start3A_136] : memref<10240x64xf32, #tpu.memory_space<vmem_shared>> -> memref<10240x64xf32, #tpu.memory_space<vmem_shared>>
      tpu.enqueue_indirect_dma source(%arg10 : memref<100x64xf32, #tpu.memory_space<vmem>>) target(%dma_start3A_137 : memref<10240x64xf32, #tpu.memory_space<vmem_shared>>) offsets(%dma_start3A_134 : memref<100xi32, #tpu.memory_space<vmem>>) semaphore(%arg20 : memref<!tpu.dma_semaphore, #tpu.memory_space<semaphore_mem>>) {add = true}
      %add3A_138 = arith.constant 3 : i32
      %add3A_139 = arith.addi %add3A_125, %add3A_138 : i32
      %sub3A_140 = arith.constant 4 : i32
      %sub3A_141 = arith.subi %add3A_139, %sub3A_140 : i32
      %ge3A_142 = arith.constant 0 : i32
      %ge3A_143 = arith.cmpi sge, %sub3A_141, %ge3A_142 : i32
      %convert_element_type3A_144 = arith.extui %ge3A_143 : i1 to i32
      %cond3A_145 = arith.constant 0 : i32
      %cond3A_146 = arith.cmpi ne, %convert_element_type3A_144, %cond3A_145 : i32
      scf.if %cond3A_146 {
        %dma_wait3A_212 = arith.constant 0 : i32
        %dma_wait3A_213 = tpu.memref_slice %arg8[%sub3A_141, %dma_wait3A_212] : memref<100x100xi32, #tpu.memory_space<vmem>> -> memref<1x100xi32, #tpu.memory_space<vmem>>
        %dma_wait3A_214 = tpu.memref_squeeze %dma_wait3A_213 : memref<1x100xi32, #tpu.memory_space<vmem>> -> memref<100xi32, #tpu.memory_space<vmem>>
        %dma_wait3A_215 = arith.constant 0 : i32
        %dma_wait3A_216 = arith.constant 0 : i32
        %dma_wait3A_217 = tpu.memref_slice %arg14[%dma_wait3A_215, %dma_wait3A_216] : memref<10240x64xf32, #tpu.memory_space<vmem_shared>> -> memref<10240x64xf32, #tpu.memory_space<vmem_shared>>
        tpu.wait_indirect_dma semaphore(%arg19 : memref<!tpu.dma_semaphore, #tpu.memory_space<semaphore_mem>>) src(%arg9 : memref<100x64xf32, #tpu.memory_space<vmem>>) dst(%dma_wait3A_217 : memref<10240x64xf32, #tpu.memory_space<vmem_shared>>)
      } else {
      }
      %lt3A_147 = arith.constant 100 : i32
      %lt3A_148 = arith.cmpi slt, %add3A_139, %lt3A_147 : i32
      %convert_element_type3A_149 = arith.extui %lt3A_148 : i1 to i32
      %cond3A_150 = arith.constant 0 : i32
      %cond3A_151 = arith.cmpi ne, %convert_element_type3A_149, %cond3A_150 : i32
      scf.if %cond3A_151 {
        %dma_start3A_212 = arith.constant 0 : i32
        %dma_start3A_213 = tpu.memref_slice %arg7[%add3A_139, %dma_start3A_212] : memref<100x100xi32, #tpu.memory_space<vmem>> -> memref<1x100xi32, #tpu.memory_space<vmem>>
        %dma_start3A_214 = tpu.memref_squeeze %dma_start3A_213 : memref<1x100xi32, #tpu.memory_space<vmem>> -> memref<100xi32, #tpu.memory_space<vmem>>
        %dma_start3A_215 = arith.constant 0 : i32
        %dma_start3A_216 = arith.constant 0 : i32
        %dma_start3A_217 = tpu.memref_slice %arg13[%dma_start3A_215, %dma_start3A_216] : memref<10240x64xf32, #tpu.memory_space<vmem_shared>> -> memref<10240x64xf32, #tpu.memory_space<vmem_shared>>
        tpu.enqueue_indirect_dma source(%dma_start3A_217 : memref<10240x64xf32, #tpu.memory_space<vmem_shared>>) target(%arg9 : memref<100x64xf32, #tpu.memory_space<vmem>>) offsets(%dma_start3A_214 : memref<100xi32, #tpu.memory_space<vmem>>) semaphore(%arg15 : memref<!tpu.dma_semaphore, #tpu.memory_space<semaphore_mem>>)
      } else {
      }
      %mul3A_152 = arith.constant 4 : i32
      %mul3A_153 = arith.muli %scan3A_96, %mul3A_152 : i32
      %add3A_154 = arith.constant 2 : i32
      %add3A_155 = arith.addi %mul3A_153, %add3A_154 : i32
      %dma_wait3A_156 = arith.constant 0 : i32
      %dma_wait3A_157 = tpu.memref_slice %arg7[%add3A_155, %dma_wait3A_156] : memref<100x100xi32, #tpu.memory_space<vmem>> -> memref<1x100xi32, #tpu.memory_space<vmem>>
      %dma_wait3A_158 = tpu.memref_squeeze %dma_wait3A_157 : memref<1x100xi32, #tpu.memory_space<vmem>> -> memref<100xi32, #tpu.memory_space<vmem>>
      %dma_wait3A_159 = arith.constant 0 : i32
      %dma_wait3A_160 = arith.constant 0 : i32
      %dma_wait3A_161 = tpu.memref_slice %arg13[%dma_wait3A_159, %dma_wait3A_160] : memref<10240x64xf32, #tpu.memory_space<vmem_shared>> -> memref<10240x64xf32, #tpu.memory_space<vmem_shared>>
      tpu.wait_indirect_dma semaphore(%arg17 : memref<!tpu.dma_semaphore, #tpu.memory_space<semaphore_mem>>) src(%dma_wait3A_161 : memref<10240x64xf32, #tpu.memory_space<vmem_shared>>) dst(%arg11 : memref<100x64xf32, #tpu.memory_space<vmem>>)
      %dma_start3A_162 = arith.constant 0 : i32
      %dma_start3A_163 = tpu.memref_slice %arg8[%add3A_155, %dma_start3A_162] : memref<100x100xi32, #tpu.memory_space<vmem>> -> memref<1x100xi32, #tpu.memory_space<vmem>>
      %dma_start3A_164 = tpu.memref_squeeze %dma_start3A_163 : memref<1x100xi32, #tpu.memory_space<vmem>> -> memref<100xi32, #tpu.memory_space<vmem>>
      %dma_start3A_165 = arith.constant 0 : i32
      %dma_start3A_166 = arith.constant 0 : i32
      %dma_start3A_167 = tpu.memref_slice %arg14[%dma_start3A_165, %dma_start3A_166] : memref<10240x64xf32, #tpu.memory_space<vmem_shared>> -> memref<10240x64xf32, #tpu.memory_space<vmem_shared>>
      tpu.enqueue_indirect_dma source(%arg11 : memref<100x64xf32, #tpu.memory_space<vmem>>) target(%dma_start3A_167 : memref<10240x64xf32, #tpu.memory_space<vmem_shared>>) offsets(%dma_start3A_164 : memref<100xi32, #tpu.memory_space<vmem>>) semaphore(%arg21 : memref<!tpu.dma_semaphore, #tpu.memory_space<semaphore_mem>>) {add = true}
      %add3A_168 = arith.constant 3 : i32
      %add3A_169 = arith.addi %add3A_155, %add3A_168 : i32
      %sub3A_170 = arith.constant 4 : i32
      %sub3A_171 = arith.subi %add3A_169, %sub3A_170 : i32
      %ge3A_172 = arith.constant 0 : i32
      %ge3A_173 = arith.cmpi sge, %sub3A_171, %ge3A_172 : i32
      %convert_element_type3A_174 = arith.extui %ge3A_173 : i1 to i32
      %cond3A_175 = arith.constant 0 : i32
      %cond3A_176 = arith.cmpi ne, %convert_element_type3A_174, %cond3A_175 : i32
      scf.if %cond3A_176 {
        %dma_wait3A_212 = arith.constant 0 : i32
        %dma_wait3A_213 = tpu.memref_slice %arg8[%sub3A_171, %dma_wait3A_212] : memref<100x100xi32, #tpu.memory_space<vmem>> -> memref<1x100xi32, #tpu.memory_space<vmem>>
        %dma_wait3A_214 = tpu.memref_squeeze %dma_wait3A_213 : memref<1x100xi32, #tpu.memory_space<vmem>> -> memref<100xi32, #tpu.memory_space<vmem>>
        %dma_wait3A_215 = arith.constant 0 : i32
        %dma_wait3A_216 = arith.constant 0 : i32
        %dma_wait3A_217 = tpu.memref_slice %arg14[%dma_wait3A_215, %dma_wait3A_216] : memref<10240x64xf32, #tpu.memory_space<vmem_shared>> -> memref<10240x64xf32, #tpu.memory_space<vmem_shared>>
        tpu.wait_indirect_dma semaphore(%arg20 : memref<!tpu.dma_semaphore, #tpu.memory_space<semaphore_mem>>) src(%arg10 : memref<100x64xf32, #tpu.memory_space<vmem>>) dst(%dma_wait3A_217 : memref<10240x64xf32, #tpu.memory_space<vmem_shared>>)
      } else {
      }
      %lt3A_177 = arith.constant 100 : i32
      %lt3A_178 = arith.cmpi slt, %add3A_169, %lt3A_177 : i32
      %convert_element_type3A_179 = arith.extui %lt3A_178 : i1 to i32
      %cond3A_180 = arith.constant 0 : i32
      %cond3A_181 = arith.cmpi ne, %convert_element_type3A_179, %cond3A_180 : i32
      scf.if %cond3A_181 {
        %dma_start3A_212 = arith.constant 0 : i32
        %dma_start3A_213 = tpu.memref_slice %arg7[%add3A_169, %dma_start3A_212] : memref<100x100xi32, #tpu.memory_space<vmem>> -> memref<1x100xi32, #tpu.memory_space<vmem>>
        %dma_start3A_214 = tpu.memref_squeeze %dma_start3A_213 : memref<1x100xi32, #tpu.memory_space<vmem>> -> memref<100xi32, #tpu.memory_space<vmem>>
        %dma_start3A_215 = arith.constant 0 : i32
        %dma_start3A_216 = arith.constant 0 : i32
        %dma_start3A_217 = tpu.memref_slice %arg13[%dma_start3A_215, %dma_start3A_216] : memref<10240x64xf32, #tpu.memory_space<vmem_shared>> -> memref<10240x64xf32, #tpu.memory_space<vmem_shared>>
        tpu.enqueue_indirect_dma source(%dma_start3A_217 : memref<10240x64xf32, #tpu.memory_space<vmem_shared>>) target(%arg10 : memref<100x64xf32, #tpu.memory_space<vmem>>) offsets(%dma_start3A_214 : memref<100xi32, #tpu.memory_space<vmem>>) semaphore(%arg16 : memref<!tpu.dma_semaphore, #tpu.memory_space<semaphore_mem>>)
      } else {
      }
      %mul3A_182 = arith.constant 4 : i32
      %mul3A_183 = arith.muli %scan3A_96, %mul3A_182 : i32
      %add3A_184 = arith.constant 3 : i32
      %add3A_185 = arith.addi %mul3A_183, %add3A_184 : i32
      %dma_wait3A_186 = arith.constant 0 : i32
      %dma_wait3A_187 = tpu.memref_slice %arg7[%add3A_185, %dma_wait3A_186] : memref<100x100xi32, #tpu.memory_space<vmem>> -> memref<1x100xi32, #tpu.memory_space<vmem>>
      %dma_wait3A_188 = tpu.memref_squeeze %dma_wait3A_187 : memref<1x100xi32, #tpu.memory_space<vmem>> -> memref<100xi32, #tpu.memory_space<vmem>>
      %dma_wait3A_189 = arith.constant 0 : i32
      %dma_wait3A_190 = arith.constant 0 : i32
      %dma_wait3A_191 = tpu.memref_slice %arg13[%dma_wait3A_189, %dma_wait3A_190] : memref<10240x64xf32, #tpu.memory_space<vmem_shared>> -> memref<10240x64xf32, #tpu.memory_space<vmem_shared>>
      tpu.wait_indirect_dma semaphore(%arg18 : memref<!tpu.dma_semaphore, #tpu.memory_space<semaphore_mem>>) src(%dma_wait3A_191 : memref<10240x64xf32, #tpu.memory_space<vmem_shared>>) dst(%arg12 : memref<100x64xf32, #tpu.memory_space<vmem>>)
      %dma_start3A_192 = arith.constant 0 : i32
      %dma_start3A_193 = tpu.memref_slice %arg8[%add3A_185, %dma_start3A_192] : memref<100x100xi32, #tpu.memory_space<vmem>> -> memref<1x100xi32, #tpu.memory_space<vmem>>
      %dma_start3A_194 = tpu.memref_squeeze %dma_start3A_193 : memref<1x100xi32, #tpu.memory_space<vmem>> -> memref<100xi32, #tpu.memory_space<vmem>>
      %dma_start3A_195 = arith.constant 0 : i32
      %dma_start3A_196 = arith.constant 0 : i32
      %dma_start3A_197 = tpu.memref_slice %arg14[%dma_start3A_195, %dma_start3A_196] : memref<10240x64xf32, #tpu.memory_space<vmem_shared>> -> memref<10240x64xf32, #tpu.memory_space<vmem_shared>>
      tpu.enqueue_indirect_dma source(%arg12 : memref<100x64xf32, #tpu.memory_space<vmem>>) target(%dma_start3A_197 : memref<10240x64xf32, #tpu.memory_space<vmem_shared>>) offsets(%dma_start3A_194 : memref<100xi32, #tpu.memory_space<vmem>>) semaphore(%arg22 : memref<!tpu.dma_semaphore, #tpu.memory_space<semaphore_mem>>) {add = true}
      %add3A_198 = arith.constant 3 : i32
      %add3A_199 = arith.addi %add3A_185, %add3A_198 : i32
      %sub3A_200 = arith.constant 4 : i32
      %sub3A_201 = arith.subi %add3A_199, %sub3A_200 : i32
      %ge3A_202 = arith.constant 0 : i32
      %ge3A_203 = arith.cmpi sge, %sub3A_201, %ge3A_202 : i32
      %convert_element_type3A_204 = arith.extui %ge3A_203 : i1 to i32
      %cond3A_205 = arith.constant 0 : i32
      %cond3A_206 = arith.cmpi ne, %convert_element_type3A_204, %cond3A_205 : i32
      scf.if %cond3A_206 {
        %dma_wait3A_212 = arith.constant 0 : i32
        %dma_wait3A_213 = tpu.memref_slice %arg8[%sub3A_201, %dma_wait3A_212] : memref<100x100xi32, #tpu.memory_space<vmem>> -> memref<1x100xi32, #tpu.memory_space<vmem>>
        %dma_wait3A_214 = tpu.memref_squeeze %dma_wait3A_213 : memref<1x100xi32, #tpu.memory_space<vmem>> -> memref<100xi32, #tpu.memory_space<vmem>>
        %dma_wait3A_215 = arith.constant 0 : i32
        %dma_wait3A_216 = arith.constant 0 : i32
        %dma_wait3A_217 = tpu.memref_slice %arg14[%dma_wait3A_215, %dma_wait3A_216] : memref<10240x64xf32, #tpu.memory_space<vmem_shared>> -> memref<10240x64xf32, #tpu.memory_space<vmem_shared>>
        tpu.wait_indirect_dma semaphore(%arg21 : memref<!tpu.dma_semaphore, #tpu.memory_space<semaphore_mem>>) src(%arg11 : memref<100x64xf32, #tpu.memory_space<vmem>>) dst(%dma_wait3A_217 : memref<10240x64xf32, #tpu.memory_space<vmem_shared>>)
      } else {
      }
      %lt3A_207 = arith.constant 100 : i32
      %lt3A_208 = arith.cmpi slt, %add3A_199, %lt3A_207 : i32
      %convert_element_type3A_209 = arith.extui %lt3A_208 : i1 to i32
      %cond3A_210 = arith.constant 0 : i32
      %cond3A_211 = arith.cmpi ne, %convert_element_type3A_209, %cond3A_210 : i32
      scf.if %cond3A_211 {
        %dma_start3A_212 = arith.constant 0 : i32
        %dma_start3A_213 = tpu.memref_slice %arg7[%add3A_199, %dma_start3A_212] : memref<100x100xi32, #tpu.memory_space<vmem>> -> memref<1x100xi32, #tpu.memory_space<vmem>>
        %dma_start3A_214 = tpu.memref_squeeze %dma_start3A_213 : memref<1x100xi32, #tpu.memory_space<vmem>> -> memref<100xi32, #tpu.memory_space<vmem>>
        %dma_start3A_215 = arith.constant 0 : i32
        %dma_start3A_216 = arith.constant 0 : i32
        %dma_start3A_217 = tpu.memref_slice %arg13[%dma_start3A_215, %dma_start3A_216] : memref<10240x64xf32, #tpu.memory_space<vmem_shared>> -> memref<10240x64xf32, #tpu.memory_space<vmem_shared>>
        tpu.enqueue_indirect_dma source(%dma_start3A_217 : memref<10240x64xf32, #tpu.memory_space<vmem_shared>>) target(%arg11 : memref<100x64xf32, #tpu.memory_space<vmem>>) offsets(%dma_start3A_214 : memref<100xi32, #tpu.memory_space<vmem>>) semaphore(%arg17 : memref<!tpu.dma_semaphore, #tpu.memory_space<semaphore_mem>>)
      } else {
      }
    }
    %scan3A_82 = arith.constant 25 : i32
    %dma_wait3A_83 = arith.constant 99 : i32
    %dma_wait3A_84 = arith.constant 0 : i32
    %dma_wait3A_85 = tpu.memref_slice %arg8[%dma_wait3A_83, %dma_wait3A_84] : memref<100x100xi32, #tpu.memory_space<vmem>> -> memref<1x100xi32, #tpu.memory_space<vmem>>
    %dma_wait3A_86 = tpu.memref_squeeze %dma_wait3A_85 : memref<1x100xi32, #tpu.memory_space<vmem>> -> memref<100xi32, #tpu.memory_space<vmem>>
    %dma_wait3A_87 = arith.constant 0 : i32
    %dma_wait3A_88 = arith.constant 0 : i32
    %dma_wait3A_89 = tpu.memref_slice %arg14[%dma_wait3A_87, %dma_wait3A_88] : memref<10240x64xf32, #tpu.memory_space<vmem_shared>> -> memref<10240x64xf32, #tpu.memory_space<vmem_shared>>
    tpu.wait_indirect_dma semaphore(%arg22 : memref<!tpu.dma_semaphore, #tpu.memory_space<semaphore_mem>>) src(%arg12 : memref<100x64xf32, #tpu.memory_space<vmem>>) dst(%dma_wait3A_89 : memref<10240x64xf32, #tpu.memory_space<vmem_shared>>)
    %barrier3A_90 = arith.constant 0 : index
    tpu.barrier barrier_id(%barrier3A_90)
    %mul3A_91 = arith.constant 640 : i32
    %mul3A_92 = arith.muli %arg1, %mul3A_91 : i32
    %mul3A_93 = arith.constant 640 : i32
    %mul3A_94 = arith.muli %arg1, %mul3A_93 : i32
    %run_scoped3A_95 = arith.constant 1 : i32
    "tpu.region"() ({
      %run_scoped3A_96 = tpu.sem_alloc : memref<!tpu.dma_semaphore, #tpu.memory_space<semaphore_mem>>
      %dma_start3A_97 = arith.constant 0 : i32
      %dma_start3A_98 = tpu.memref_slice %arg6[%run_scoped3A_95, %arg0, %mul3A_94, %dma_start3A_97] : memref<2x2x10240x64xf32, #tpu.memory_space<hbm>> -> memref<1x1x640x64xf32, #tpu.memory_space<hbm>>
      %dma_start3A_99 = tpu.memref_squeeze %dma_start3A_98 : memref<1x1x640x64xf32, #tpu.memory_space<hbm>> -> memref<640x64xf32, #tpu.memory_space<hbm>>
      %dma_start3A_100 = arith.constant 0 : i32
      %dma_start3A_101 = tpu.memref_slice %arg14[%mul3A_92, %dma_start3A_100] : memref<10240x64xf32, #tpu.memory_space<vmem_shared>> -> memref<640x64xf32, #tpu.memory_space<vmem_shared>>
      tpu.enqueue_dma source(%dma_start3A_101 : memref<640x64xf32, #tpu.memory_space<vmem_shared>>) target(%dma_start3A_99 : memref<640x64xf32, #tpu.memory_space<hbm>>) target_semaphore(%run_scoped3A_96 : memref<!tpu.dma_semaphore, #tpu.memory_space<semaphore_mem>>)
      %dma_wait3A_102 = arith.constant 0 : i32
      %dma_wait3A_103 = tpu.memref_slice %arg6[%run_scoped3A_95, %arg0, %mul3A_94, %dma_wait3A_102] : memref<2x2x10240x64xf32, #tpu.memory_space<hbm>> -> memref<1x1x640x64xf32, #tpu.memory_space<hbm>>
      %dma_wait3A_104 = tpu.memref_squeeze %dma_wait3A_103 : memref<1x1x640x64xf32, #tpu.memory_space<hbm>> -> memref<640x64xf32, #tpu.memory_space<hbm>>
      %dma_wait3A_105 = arith.constant 0 : i32
      %dma_wait3A_106 = tpu.memref_slice %arg14[%mul3A_92, %dma_wait3A_105] : memref<10240x64xf32, #tpu.memory_space<vmem_shared>> -> memref<640x64xf32, #tpu.memory_space<vmem_shared>>
      tpu.wait_dma2 semaphore(%run_scoped3A_96 : memref<!tpu.dma_semaphore, #tpu.memory_space<semaphore_mem>>) src(%dma_wait3A_106 : memref<640x64xf32, #tpu.memory_space<vmem_shared>>) dst(%dma_wait3A_104 : memref<640x64xf32, #tpu.memory_space<hbm>>)
      tpu.yield
    }) : () -> ()
    return
  }
}

module attributes {stable_mosaic.version = 14 : i64} {
  func.func @_h1_body(%arg0: i32, %arg1: memref<2560x128xf32, #tpu.memory_space<vmem>>, %arg2: memref<128x128xf32, #tpu.memory_space<vmem>>, %arg3: memref<2560x128xf32, #tpu.memory_space<vmem>>) attributes {dimension_semantics = [#tpu.dimension_semantics<arbitrary>], iteration_bounds = array<i64: 4>, scalar_prefetch = 0 : i64, scratch_operands = 0 : i64, tpu.core_type = #tpu.core_type<tc>, window_params = [{transform_indices = @transform_0, window_bounds = array<i64: 2560, 128>}, {pipeline_mode = #tpu.pipeline_mode<synchronous>, transform_indices = @transform_1, window_bounds = array<i64: 128, 128>}, {transform_indices = @transform_2, window_bounds = array<i64: 2560, 128>}]} {
    %get3A = arith.constant 0 : index
    %get3A_0 = arith.constant 0 : index
    %get3A_1 = vector.load %arg1[%get3A, %get3A_0] : memref<2560x128xf32, #tpu.memory_space<vmem>>, vector<2560x128xf32>
    %get3A_2 = arith.constant 0 : index
    %get3A_3 = arith.constant 0 : index
    %get3A_4 = vector.load %arg2[%get3A_2, %get3A_3] : memref<128x128xf32, #tpu.memory_space<vmem>>, vector<128x128xf32>
    %dot_general3A = arith.constant dense<0.000000e+00> : vector<2560x128xf32>
    %dot_general3A_5 = tpu.matmul %get3A_1, %get3A_4, %dot_general3A {dimension_numbers = #tpu.dot_dimension_numbers<[1], [0], [0], [1], [0, 0, 1, 1], [], []>, transpose_lhs_hint = false} : vector<2560x128xf32>, vector<128x128xf32>, vector<2560x128xf32> -> vector<2560x128xf32>
    %swap3A = arith.constant 0 : index
    %swap3A_6 = arith.constant 0 : index
    %swap3A_7 = vector.load %arg3[%swap3A, %swap3A_6] : memref<2560x128xf32, #tpu.memory_space<vmem>>, vector<2560x128xf32>
    tpu.vector_store %arg3[%swap3A, %swap3A_6], %dot_general3A_5 {strides = array<i32>} : memref<2560x128xf32, #tpu.memory_space<vmem>>, vector<2560x128xf32>,
    return
  }
  func.func @transform_0(%arg0: i32) -> (i32, i32) {
    %c0_i32 = arith.constant 0 : i32
    %c0_i32_0 = arith.constant 0 : i32
    return %arg0, %c0_i32 : i32, i32
  }
  func.func @transform_1(%arg0: i32) -> (i32, i32) {
    %c0_i32 = arith.constant 0 : i32
    %c0_i32_0 = arith.constant 0 : i32
    %c0_i32_1 = arith.constant 0 : i32
    return %c0_i32, %c0_i32_0 : i32, i32
  }
  func.func @transform_2(%arg0: i32) -> (i32, i32) {
    %c0_i32 = arith.constant 0 : i32
    %c0_i32_0 = arith.constant 0 : i32
    return %arg0, %c0_i32 : i32, i32
  }
}

module attributes {stable_mosaic.version = 14 : i64} {
  func.func @_g1_body(%arg0: i32, %arg1: memref<2560x128xf32, #tpu.memory_space<vmem>>, %arg2: memref<2x2560xf32, #tpu.memory_space<vmem>>, %arg3: memref<2x2560x64xf32, #tpu.memory_space<vmem>>) attributes {dimension_semantics = [#tpu.dimension_semantics<arbitrary>], iteration_bounds = array<i64: 4>, scalar_prefetch = 0 : i64, scratch_operands = 0 : i64, tpu.core_type = #tpu.core_type<tc>, window_params = [{transform_indices = @transform_0, window_bounds = array<i64: 2560, 128>}, {transform_indices = @transform_1, window_bounds = array<i64: 2, 2560>}, {transform_indices = @transform_2, window_bounds = array<i64: 2, 2560, 64>}]} {
    %get3A = arith.constant 0 : index
    %get3A_0 = arith.constant 0 : index
    %get3A_1 = vector.load %arg2[%get3A, %get3A_0] : memref<2x2560xf32, #tpu.memory_space<vmem>>, vector<1x2560xf32>
    %get3A_2 = vector.shape_cast %get3A_1 : vector<1x2560xf32> to vector<2560xf32>
    %get3A_3 = arith.constant 1 : index
    %get3A_4 = arith.constant 0 : index
    %get3A_5 = vector.load %arg2[%get3A_3, %get3A_4] : memref<2x2560xf32, #tpu.memory_space<vmem>>, vector<1x2560xf32>
    %get3A_6 = vector.shape_cast %get3A_5 : vector<1x2560xf32> to vector<2560xf32>
    %add3A = arith.addf %get3A_2, %get3A_6 : vector<2560xf32>
    %add3A_7 = arith.constant 1.000000e+00 : f32
    %add3A_8 = vector.broadcast %add3A_7 : f32 to vector<2560xf32>
    %add3A_9 = arith.addf %add3A, %add3A_8 : vector<2560xf32>
    %rsqrt3A = math.rsqrt %add3A_9 : vector<2560xf32>
    %get3A_10 = arith.constant 0 : index
    %get3A_11 = arith.constant 0 : index
    %get3A_12 = vector.load %arg1[%get3A_10, %get3A_11] : memref<2560x128xf32, #tpu.memory_space<vmem>>, vector<2560x128xf32>
    %broadcast_in_dim3A = vector.shape_cast %rsqrt3A : vector<2560xf32> to vector<2560x1xf32>
    %mul3A = vector.broadcast %broadcast_in_dim3A : vector<2560x1xf32> to vector<2560x128xf32>
    %mul3A_13 = arith.mulf %get3A_12, %mul3A : vector<2560x128xf32>
    %slice3A = vector.extract_strided_slice %mul3A_13 {offsets = [0, 0], sizes = [2560, 64], strides = [1, 1]} : vector<2560x128xf32> to vector<2560x64xf32>
    %swap3A = arith.constant 0 : index
    %swap3A_14 = arith.constant 0 : index
    %swap3A_15 = arith.constant 0 : index
    %swap3A_16 = vector.load %arg3[%swap3A, %swap3A_14, %swap3A_15] : memref<2x2560x64xf32, #tpu.memory_space<vmem>>, vector<1x2560x64xf32>
    %swap3A_17 = vector.shape_cast %swap3A_16 : vector<1x2560x64xf32> to vector<2560x64xf32>
    %swap3A_18 = vector.shape_cast %slice3A : vector<2560x64xf32> to vector<1x2560x64xf32>
    tpu.vector_store %arg3[%swap3A, %swap3A_14, %swap3A_15], %swap3A_18 {strides = array<i32>} : memref<2x2560x64xf32, #tpu.memory_space<vmem>>, vector<1x2560x64xf32>,
    %slice3A_19 = vector.extract_strided_slice %mul3A_13 {offsets = [0, 64], sizes = [2560, 64], strides = [1, 1]} : vector<2560x128xf32> to vector<2560x64xf32>
    %swap3A_20 = arith.constant 1 : index
    %swap3A_21 = arith.constant 0 : index
    %swap3A_22 = arith.constant 0 : index
    %swap3A_23 = vector.load %arg3[%swap3A_20, %swap3A_21, %swap3A_22] : memref<2x2560x64xf32, #tpu.memory_space<vmem>>, vector<1x2560x64xf32>
    %swap3A_24 = vector.shape_cast %swap3A_23 : vector<1x2560x64xf32> to vector<2560x64xf32>
    %swap3A_25 = vector.shape_cast %slice3A_19 : vector<2560x64xf32> to vector<1x2560x64xf32>
    tpu.vector_store %arg3[%swap3A_20, %swap3A_21, %swap3A_22], %swap3A_25 {strides = array<i32>} : memref<2x2560x64xf32, #tpu.memory_space<vmem>>, vector<1x2560x64xf32>,
    return
  }
  func.func @transform_0(%arg0: i32) -> (i32, i32) {
    %c0_i32 = arith.constant 0 : i32
    %c0_i32_0 = arith.constant 0 : i32
    return %arg0, %c0_i32 : i32, i32
  }
  func.func @transform_1(%arg0: i32) -> (i32, i32) {
    %c0_i32 = arith.constant 0 : i32
    %c0_i32_0 = arith.constant 0 : i32
    return %c0_i32, %arg0 : i32, i32
  }
  func.func @transform_2(%arg0: i32) -> (i32, i32, i32) {
    %c0_i32 = arith.constant 0 : i32
    %c0_i32_0 = arith.constant 0 : i32
    %c0_i32_1 = arith.constant 0 : i32
    return %c0_i32, %arg0, %c0_i32_0 : i32, i32, i32
  }
}

module attributes {stable_mosaic.version = 14 : i64} {
  func.func @_mid_body(%arg0: i32, %arg1: memref<2x2x2560x64xf32, #tpu.memory_space<vmem>>, %arg2: memref<2x2560x64xf32, #tpu.memory_space<vmem>>, %arg3: memref<2x2560xf32, #tpu.memory_space<vmem>>, %arg4: memref<1x128xf32, #tpu.memory_space<vmem>>, %arg5: memref<128x64xf32, #tpu.memory_space<vmem>>, %arg6: memref<2560x64xf32, #tpu.memory_space<vmem>>) attributes {dimension_semantics = [#tpu.dimension_semantics<arbitrary>], iteration_bounds = array<i64: 4>, scalar_prefetch = 0 : i64, scratch_operands = 0 : i64, tpu.core_type = #tpu.core_type<tc>, window_params = [{transform_indices = @transform_0, window_bounds = array<i64: 2, 2, 2560, 64>}, {transform_indices = @transform_1, window_bounds = array<i64: 2, 2560, 64>}, {transform_indices = @transform_2, window_bounds = array<i64: 2, 2560>}, {pipeline_mode = #tpu.pipeline_mode<synchronous>, transform_indices = @transform_3, window_bounds = array<i64: 1, 128>}, {pipeline_mode = #tpu.pipeline_mode<synchronous>, transform_indices = @transform_4, window_bounds = array<i64: 128, 64>}, {transform_indices = @transform_5, window_bounds = array<i64: 2560, 64>}]} {
    %get3A = arith.constant 0 : index
    %get3A_0 = arith.constant 0 : index
    %get3A_1 = vector.load %arg3[%get3A, %get3A_0] : memref<2x2560xf32, #tpu.memory_space<vmem>>, vector<1x2560xf32>
    %get3A_2 = vector.shape_cast %get3A_1 : vector<1x2560xf32> to vector<2560xf32>
    %get3A_3 = arith.constant 1 : index
    %get3A_4 = arith.constant 0 : index
    %get3A_5 = vector.load %arg3[%get3A_3, %get3A_4] : memref<2x2560xf32, #tpu.memory_space<vmem>>, vector<1x2560xf32>
    %get3A_6 = vector.shape_cast %get3A_5 : vector<1x2560xf32> to vector<2560xf32>
    %add3A = arith.addf %get3A_2, %get3A_6 : vector<2560xf32>
    %add3A_7 = arith.constant 1.000000e+00 : f32
    %add3A_8 = vector.broadcast %add3A_7 : f32 to vector<2560xf32>
    %add3A_9 = arith.addf %add3A, %add3A_8 : vector<2560xf32>
    %rsqrt3A = math.rsqrt %add3A_9 : vector<2560xf32>
    %get3A_10 = arith.constant 0 : index
    %get3A_11 = arith.constant 0 : index
    %get3A_12 = arith.constant 0 : index
    %get3A_13 = arith.constant 0 : index
    %get3A_14 = vector.load %arg1[%get3A_10, %get3A_11, %get3A_12, %get3A_13] : memref<2x2x2560x64xf32, #tpu.memory_space<vmem>>, vector<1x1x2560x64xf32>
    %get3A_15 = vector.shape_cast %get3A_14 : vector<1x1x2560x64xf32> to vector<2560x64xf32>
    %get3A_16 = arith.constant 0 : index
    %get3A_17 = arith.constant 1 : index
    %get3A_18 = arith.constant 0 : index
    %get3A_19 = arith.constant 0 : index
    %get3A_20 = vector.load %arg1[%get3A_16, %get3A_17, %get3A_18, %get3A_19] : memref<2x2x2560x64xf32, #tpu.memory_space<vmem>>, vector<1x1x2560x64xf32>
    %get3A_21 = vector.shape_cast %get3A_20 : vector<1x1x2560x64xf32> to vector<2560x64xf32>
    %add3A_22 = arith.addf %get3A_15, %get3A_21 : vector<2560x64xf32>
    %get3A_23 = arith.constant 0 : index
    %get3A_24 = arith.constant 0 : index
    %get3A_25 = arith.constant 0 : index
    %get3A_26 = vector.load %arg2[%get3A_23, %get3A_24, %get3A_25] : memref<2x2560x64xf32, #tpu.memory_space<vmem>>, vector<1x2560x64xf32>
    %get3A_27 = vector.shape_cast %get3A_26 : vector<1x2560x64xf32> to vector<2560x64xf32>
    %add3A_28 = arith.addf %add3A_22, %get3A_27 : vector<2560x64xf32>
    %get3A_29 = arith.constant 1 : index
    %get3A_30 = arith.constant 0 : index
    %get3A_31 = arith.constant 0 : index
    %get3A_32 = arith.constant 0 : index
    %get3A_33 = vector.load %arg1[%get3A_29, %get3A_30, %get3A_31, %get3A_32] : memref<2x2x2560x64xf32, #tpu.memory_space<vmem>>, vector<1x1x2560x64xf32>
    %get3A_34 = vector.shape_cast %get3A_33 : vector<1x1x2560x64xf32> to vector<2560x64xf32>
    %get3A_35 = arith.constant 1 : index
    %get3A_36 = arith.constant 1 : index
    %get3A_37 = arith.constant 0 : index
    %get3A_38 = arith.constant 0 : index
    %get3A_39 = vector.load %arg1[%get3A_35, %get3A_36, %get3A_37, %get3A_38] : memref<2x2x2560x64xf32, #tpu.memory_space<vmem>>, vector<1x1x2560x64xf32>
    %get3A_40 = vector.shape_cast %get3A_39 : vector<1x1x2560x64xf32> to vector<2560x64xf32>
    %add3A_41 = arith.addf %get3A_34, %get3A_40 : vector<2560x64xf32>
    %get3A_42 = arith.constant 1 : index
    %get3A_43 = arith.constant 0 : index
    %get3A_44 = arith.constant 0 : index
    %get3A_45 = vector.load %arg2[%get3A_42, %get3A_43, %get3A_44] : memref<2x2560x64xf32, #tpu.memory_space<vmem>>, vector<1x2560x64xf32>
    %get3A_46 = vector.shape_cast %get3A_45 : vector<1x2560x64xf32> to vector<2560x64xf32>
    %add3A_47 = arith.addf %add3A_41, %get3A_46 : vector<2560x64xf32>
    %concatenate3A = tpu.concatenate %add3A_28, %add3A_47 in 1 : vector<2560x64xf32>, vector<2560x64xf32> -> vector<2560x128xf32>
    %broadcast_in_dim3A = vector.shape_cast %rsqrt3A : vector<2560xf32> to vector<2560x1xf32>
    %mul3A = vector.broadcast %broadcast_in_dim3A : vector<2560x1xf32> to vector<2560x128xf32>
    %mul3A_48 = arith.mulf %concatenate3A, %mul3A : vector<2560x128xf32>
    %get3A_49 = arith.constant 0 : index
    %get3A_50 = arith.constant 0 : index
    %get3A_51 = vector.load %arg4[%get3A_49, %get3A_50] : memref<1x128xf32, #tpu.memory_space<vmem>>, vector<1x128xf32>
    %add3A_52 = vector.broadcast %get3A_51 : vector<1x128xf32> to vector<2560x128xf32>
    %add3A_53 = arith.addf %mul3A_48, %add3A_52 : vector<2560x128xf32>
    %max3A = arith.constant 0.000000e+00 : f32
    %max3A_54 = vector.broadcast %max3A : f32 to vector<2560x128xf32>
    %max3A_55 = arith.maximumf %add3A_53, %max3A_54 : vector<2560x128xf32>
    %get3A_56 = arith.constant 0 : index
    %get3A_57 = arith.constant 0 : index
    %get3A_58 = vector.load %arg5[%get3A_56, %get3A_57] : memref<128x64xf32, #tpu.memory_space<vmem>>, vector<128x64xf32>
    %dot_general3A = arith.constant dense<0.000000e+00> : vector<2560x64xf32>
    %dot_general3A_59 = tpu.matmul %max3A_55, %get3A_58, %dot_general3A {dimension_numbers = #tpu.dot_dimension_numbers<[1], [0], [0], [1], [0, 0, 1, 1], [], []>, transpose_lhs_hint = false} : vector<2560x128xf32>, vector<128x64xf32>, vector<2560x64xf32> -> vector<2560x64xf32>
    %broadcast_in_dim3A_60 = vector.shape_cast %rsqrt3A : vector<2560xf32> to vector<2560x1xf32>
    %mul3A_61 = vector.broadcast %broadcast_in_dim3A_60 : vector<2560x1xf32> to vector<2560x64xf32>
    %mul3A_62 = arith.mulf %dot_general3A_59, %mul3A_61 : vector<2560x64xf32>
    %swap3A = arith.constant 0 : index
    %swap3A_63 = arith.constant 0 : index
    %swap3A_64 = vector.load %arg6[%swap3A, %swap3A_63] : memref<2560x64xf32, #tpu.memory_space<vmem>>, vector<2560x64xf32>
    tpu.vector_store %arg6[%swap3A, %swap3A_63], %mul3A_62 {strides = array<i32>} : memref<2560x64xf32, #tpu.memory_space<vmem>>, vector<2560x64xf32>,
    return
  }
  func.func @transform_0(%arg0: i32) -> (i32, i32, i32, i32) {
    %c0_i32 = arith.constant 0 : i32
    %c0_i32_0 = arith.constant 0 : i32
    %c0_i32_1 = arith.constant 0 : i32
    %c0_i32_2 = arith.constant 0 : i32
    return %c0_i32, %c0_i32_0, %arg0, %c0_i32_1 : i32, i32, i32, i32
  }
  func.func @transform_1(%arg0: i32) -> (i32, i32, i32) {
    %c0_i32 = arith.constant 0 : i32
    %c0_i32_0 = arith.constant 0 : i32
    %c0_i32_1 = arith.constant 0 : i32
    return %c0_i32, %arg0, %c0_i32_0 : i32, i32, i32
  }
  func.func @transform_2(%arg0: i32) -> (i32, i32) {
    %c0_i32 = arith.constant 0 : i32
    %c0_i32_0 = arith.constant 0 : i32
    return %c0_i32, %arg0 : i32, i32
  }
  func.func @transform_3(%arg0: i32) -> (i32, i32) {
    %c0_i32 = arith.constant 0 : i32
    %c0_i32_0 = arith.constant 0 : i32
    %c0_i32_1 = arith.constant 0 : i32
    return %c0_i32, %c0_i32_0 : i32, i32
  }
  func.func @transform_4(%arg0: i32) -> (i32, i32) {
    %c0_i32 = arith.constant 0 : i32
    %c0_i32_0 = arith.constant 0 : i32
    %c0_i32_1 = arith.constant 0 : i32
    return %c0_i32, %c0_i32_0 : i32, i32
  }
  func.func @transform_5(%arg0: i32) -> (i32, i32) {
    %c0_i32 = arith.constant 0 : i32
    %c0_i32_0 = arith.constant 0 : i32
    return %arg0, %c0_i32 : i32, i32
  }
}

module attributes {stable_mosaic.version = 14 : i64} {
  func.func @_fin_body(%arg0: i32, %arg1: memref<1x2x2560x64xf32, #tpu.memory_space<vmem>>, %arg2: memref<2560x64xf32, #tpu.memory_space<vmem>>, %arg3: memref<2x2560xf32, #tpu.memory_space<vmem>>, %arg4: memref<1x64xf32, #tpu.memory_space<vmem>>, %arg5: memref<2560x64xf32, #tpu.memory_space<vmem>>) attributes {dimension_semantics = [#tpu.dimension_semantics<arbitrary>], iteration_bounds = array<i64: 4>, scalar_prefetch = 0 : i64, scratch_operands = 0 : i64, tpu.core_type = #tpu.core_type<tc>, window_params = [{transform_indices = @transform_0, window_bounds = array<i64: 1, 2, 2560, 64>}, {transform_indices = @transform_1, window_bounds = array<i64: 2560, 64>}, {transform_indices = @transform_2, window_bounds = array<i64: 2, 2560>}, {pipeline_mode = #tpu.pipeline_mode<synchronous>, transform_indices = @transform_3, window_bounds = array<i64: 1, 64>}, {transform_indices = @transform_4, window_bounds = array<i64: 2560, 64>}]} {
    %get3A = arith.constant 0 : index
    %get3A_0 = arith.constant 0 : index
    %get3A_1 = vector.load %arg3[%get3A, %get3A_0] : memref<2x2560xf32, #tpu.memory_space<vmem>>, vector<1x2560xf32>
    %get3A_2 = vector.shape_cast %get3A_1 : vector<1x2560xf32> to vector<2560xf32>
    %get3A_3 = arith.constant 1 : index
    %get3A_4 = arith.constant 0 : index
    %get3A_5 = vector.load %arg3[%get3A_3, %get3A_4] : memref<2x2560xf32, #tpu.memory_space<vmem>>, vector<1x2560xf32>
    %get3A_6 = vector.shape_cast %get3A_5 : vector<1x2560xf32> to vector<2560xf32>
    %add3A = arith.addf %get3A_2, %get3A_6 : vector<2560xf32>
    %add3A_7 = arith.constant 1.000000e+00 : f32
    %add3A_8 = vector.broadcast %add3A_7 : f32 to vector<2560xf32>
    %add3A_9 = arith.addf %add3A, %add3A_8 : vector<2560xf32>
    %rsqrt3A = math.rsqrt %add3A_9 : vector<2560xf32>
    %get3A_10 = arith.constant 0 : index
    %get3A_11 = arith.constant 0 : index
    %get3A_12 = arith.constant 0 : index
    %get3A_13 = arith.constant 0 : index
    %get3A_14 = vector.load %arg1[%get3A_10, %get3A_11, %get3A_12, %get3A_13] : memref<1x2x2560x64xf32, #tpu.memory_space<vmem>>, vector<1x1x2560x64xf32>
    %get3A_15 = vector.shape_cast %get3A_14 : vector<1x1x2560x64xf32> to vector<2560x64xf32>
    %get3A_16 = arith.constant 0 : index
    %get3A_17 = arith.constant 1 : index
    %get3A_18 = arith.constant 0 : index
    %get3A_19 = arith.constant 0 : index
    %get3A_20 = vector.load %arg1[%get3A_16, %get3A_17, %get3A_18, %get3A_19] : memref<1x2x2560x64xf32, #tpu.memory_space<vmem>>, vector<1x1x2560x64xf32>
    %get3A_21 = vector.shape_cast %get3A_20 : vector<1x1x2560x64xf32> to vector<2560x64xf32>
    %add3A_22 = arith.addf %get3A_15, %get3A_21 : vector<2560x64xf32>
    %get3A_23 = arith.constant 0 : index
    %get3A_24 = arith.constant 0 : index
    %get3A_25 = vector.load %arg2[%get3A_23, %get3A_24] : memref<2560x64xf32, #tpu.memory_space<vmem>>, vector<2560x64xf32>
    %add3A_26 = arith.addf %add3A_22, %get3A_25 : vector<2560x64xf32>
    %broadcast_in_dim3A = vector.shape_cast %rsqrt3A : vector<2560xf32> to vector<2560x1xf32>
    %mul3A = vector.broadcast %broadcast_in_dim3A : vector<2560x1xf32> to vector<2560x64xf32>
    %mul3A_27 = arith.mulf %add3A_26, %mul3A : vector<2560x64xf32>
    %get3A_28 = arith.constant 0 : index
    %get3A_29 = arith.constant 0 : index
    %get3A_30 = vector.load %arg4[%get3A_28, %get3A_29] : memref<1x64xf32, #tpu.memory_space<vmem>>, vector<1x64xf32>
    %add3A_31 = vector.broadcast %get3A_30 : vector<1x64xf32> to vector<2560x64xf32>
    %add3A_32 = arith.addf %mul3A_27, %add3A_31 : vector<2560x64xf32>
    %max3A = arith.constant 0.000000e+00 : f32
    %max3A_33 = vector.broadcast %max3A : f32 to vector<2560x64xf32>
    %max3A_34 = arith.maximumf %add3A_32, %max3A_33 : vector<2560x64xf32>
    %swap3A = arith.constant 0 : index
    %swap3A_35 = arith.constant 0 : index
    %swap3A_36 = vector.load %arg5[%swap3A, %swap3A_35] : memref<2560x64xf32, #tpu.memory_space<vmem>>, vector<2560x64xf32>
    tpu.vector_store %arg5[%swap3A, %swap3A_35], %max3A_34 {strides = array<i32>} : memref<2560x64xf32, #tpu.memory_space<vmem>>, vector<2560x64xf32>,
    return
  }
  func.func @transform_0(%arg0: i32) -> (i32, i32, i32, i32) {
    %c0_i32 = arith.constant 0 : i32
    %c0_i32_0 = arith.constant 0 : i32
    %c0_i32_1 = arith.constant 0 : i32
    %c0_i32_2 = arith.constant 0 : i32
    return %c0_i32, %c0_i32_0, %arg0, %c0_i32_1 : i32, i32, i32, i32
  }
  func.func @transform_1(%arg0: i32) -> (i32, i32) {
    %c0_i32 = arith.constant 0 : i32
    %c0_i32_0 = arith.constant 0 : i32
    return %arg0, %c0_i32 : i32, i32
  }
  func.func @transform_2(%arg0: i32) -> (i32, i32) {
    %c0_i32 = arith.constant 0 : i32
    %c0_i32_0 = arith.constant 0 : i32
    return %c0_i32, %arg0 : i32, i32
  }
  func.func @transform_3(%arg0: i32) -> (i32, i32) {
    %c0_i32 = arith.constant 0 : i32
    %c0_i32_0 = arith.constant 0 : i32
    %c0_i32_1 = arith.constant 0 : i32
    return %c0_i32, %c0_i32_0 : i32, i32
  }
  func.func @transform_4(%arg0: i32) -> (i32, i32) {
    %c0_i32 = arith.constant 0 : i32
    %c0_i32_0 = arith.constant 0 : i32
    return %arg0, %c0_i32 : i32, i32
  }
}

</mosaic_0001>

<sc_bundles>
// kernel: kernel.12.cloned.1.call-start
scs
__scs_entry_jumppad:
0x0: {  	(pc) =	sbr.rel $0x88, $3  }
0x1: {  	(tag) =	ssettag $0x0;
	lr =	simm.s32 $0x1  }
0x2: {  	[smem:$0x3F9B] =	sst lr;
	_ =	strace $0xD0000000  }
0x3: {  	_ = 	snop  }
0x4: {  	_ = 	snop  }
0x5: {  	_ = 	snop  }
0x6: {  	_ = 	snop  }
0x7: {  	_ = 	snop  }
__scs_overlays_trampoline_lowered:
0x8: {  	[smem:$0x3FAA] =	sst s0  }
0x9: {  	[smem:$0x3FAB] =	sst s1  }
0xa: {  	[smem:$0x3FAC] =	sst s2  }
0xb: {  	[smem:$0x3FAD] =	sst s3  }
0xc: {  	[smem:$0x3FAE] =	sst s4  }
0xd: {  	[smem:$0x3FAF] =	sst s5  }
0xe: {  	[smem:$0x3FB0] =	sst s6  }
0xf: {  	[smem:$0x3FB1] =	sst s7  }
0x10: {  	[smem:$0x3FB2] =	sst s8  }
0x11: {  	[smem:$0x3FB3] =	sst s9;
	s0 =	simm.s32 @!p0 $0x0  }
0x12: {  	s1 =	sld [smem:$0x3F99];
	s0 =	simm.s32 @p0 $0x1  }
0x13: {  	[smem:$0x3FB4] =	sst s0;
	s0 =	simm.s32 @!p1 $0x0  }
0x14: {  	s2 =	sld [smem:$0x3F98];
	s0 =	simm.s32 @p1 $0x1  }
0x15: {  	[smem:$0x3FB5] =	sst s0;
	s0 =	simm.s32 @!p2 $0x0  }
0x16: {  	s3 =	sld [smem:$0x3FDB];
	s0 =	simm.s32 @p2 $0x1  }
0x17: {  	s4 =	simm.s32 $0x1BF5;
	[smem:$0x3FB7] =	sst s0  }
0x18: {  	s0 =	sld [smem:$0x3F9A];
	_ =	swait.ge [sflag:s4], $0x0  }
0x19: {  	s7 =	sld [smem:$0x3F9B]  }
0x1a: {  	s8 =	sadd.s32 $0xFFFFE003, lr  }
0x1b: {  	s9 =	sadd.s32 $0xFFFFFEF7, lr;
	s5 =	simm.s32 $0xFFFFFFFF;
	p2 =	slt.u32 s8, $0xFFFFF086  }
0x1c: {  	p1 =	slt.u32 s9, $0xF7A;
	s5 =	simm.s32 @!p2 $0x0  }
0x1d: {  	s5 =	simm.s32 @p1 $0x1;
	p0 =	seq.s32 s7, s2  }
0x1e: {  	s7 =	smul.u32 @!p0 $0xF7A, s2;
	p2 =	seq.s32 @!p0 s5, $0x0  }
0x1f: {  	s9 =	smul.u32 $0xF7A, s1;
	s8 =	simm.s32 @!p0 $0x1BF5;
	p2 =	por !p2, p0  }
0x20: {  	[sflag:s8] =	ssyncset.s32 @!p0 $0xFFFFF086;
	s6 =	sadd.s32 @!p0 s3, s7;
	s7 =	simm.s32 @!p0 $0x108  }
0x21: {  	s3 =	sadd.s32 s3, s9;
	s6 =	sadd.s32 @!p0 $0x88, s6;
	s7 =	simm.s32 @p2 $0x1082  }
0x22: {  	[simem:s7], [sflag:s8] =	dma.local @!p0 [hbm:s6], $0xF7A  }
0x23: {  	s9 =	sor.u32 $0xD0000000, s2;
	s6 =	simm.s32 $0x108;
	_ =	swait.ge @!p0 [sflag:s8], $0x0  }
0x24: {  	s3 =	sadd.s32 $0x88, s3;
	s6 =	simm.s32 @!p1 $0x1082;
	[sflag:s4] =	ssyncset.s32 $0xFFFFF086  }
0x25: {  	[simem:s6], [sflag:s4] =	dma.local [hbm:s3], $0xF7A  }
0x26: {  	[smem:$0x3F9B] =	sst s1;
	(tag) =	ssettag s2;
	_ =	strace s9  }
0x27: {  	s1 =	sld [smem:$0x3FAB]  }
0x28: {  	s2 =	sld [smem:$0x3FAC]  }
0x29: {  	s4 =	sld [smem:$0x3FAE]  }
0x2a: {  	p0 =	seq.s32 s5, $0x0;
	s5 =	sld [smem:$0x3FAF]  }
0x2b: {  	s6 =	sld [smem:$0x3FB0]  }
0x2c: {  	s7 =	sld [smem:$0x3FB1]  }
0x2d: {  	s3 =	simm.s32 $0x108;
	s8 =	sld [smem:$0x3FB2]  }
0x2e: {  	s3 =	simm.s32 @!p0 $0x1082;
	s9 =	sld [smem:$0x3FB3]  }
0x2f: {  	lr =	sadd.s32 s0, s3;
	s0 =	sld [smem:$0x3FAA]  }
0x30: {  	s3 =	sld [smem:$0x3FAD]  }
0x31: {  	[smem:$0x3FB6] =	sst s10  }
0x32: {  	s10 =	sld [smem:$0x3FB4];
	_ =	sdelay $0x3  }
0x33: {  	p0 =	seq.s32 s10, $0x1;
	s10 =	sld [smem:$0x3FB6];
	_ =	sdelay $0x3  }
0x34: {  	[smem:$0x3FB6] =	sst s10  }
0x35: {  	s10 =	sld [smem:$0x3FB5];
	_ =	sdelay $0x3  }
0x36: {  	p1 =	seq.s32 s10, $0x1;
	s10 =	sld [smem:$0x3FB6];
	_ =	sdelay $0x3  }
0x37: {  	[smem:$0x3FB6] =	sst s10  }
0x38: {  	s10 =	sld [smem:$0x3FB7]  }
0x39: {  	_ = 	snop;
	(pc) =	sbr.ind lr, $3  }
0x3a: {  	_ = 	snop  }
0x3b: {  	_ = 	snop  }
0x3c: {  	p2 =	seq.s32 s10, $0x1;
	s10 =	sld [smem:$0x3FB6]  }
0x3d: {  	_ =	shalt  }
0x3e: {  	_ =	shalt  }
0x3f: {  	_ =	shalt  }
0x40: {  	_ =	shalt  }
0x41: {  	_ =	shalt  }
0x42: {  	_ =	shalt  }
0x43: {  	_ =	shalt  }
0x44: {  	_ =	shalt  }
0x45: {  	_ =	shalt  }
0x46: {  	_ =	shalt  }
0x47: {  	_ =	shalt  }
0x48: {  	_ =	shalt  }
0x49: {  	_ =	shalt  }
0x4a: {  	_ =	shalt  }
0x4b: {  	_ =	shalt  }
0x4c: {  	_ =	shalt  }
0x4d: {  	_ =	shalt  }
0x4e: {  	_ =	shalt  }
0x4f: {  	_ =	shalt  }
0x50: {  	_ =	shalt  }
0x51: {  	_ =	shalt  }
0x52: {  	_ =	shalt  }
0x53: {  	_ =	shalt  }
0x54: {  	_ =	shalt  }
0x55: {  	_ =	shalt  }
0x56: {  	_ =	shalt  }
0x57: {  	_ =	shalt  }
0x58: {  	_ =	shalt  }
0x59: {  	_ =	shalt  }
0x5a: {  	_ =	shalt  }
0x5b: {  	_ =	shalt  }
0x5c: {  	_ =	shalt  }
0x5d: {  	_ =	shalt  }
0x5e: {  	_ =	shalt  }
0x5f: {  	_ =	shalt  }
0x60: {  	_ =	shalt  }
0x61: {  	_ =	shalt  }
0x62: {  	_ =	shalt  }
0x63: {  	_ =	shalt  }
0x64: {  	_ =	shalt  }
0x65: {  	_ =	shalt  }
0x66: {  	_ =	shalt  }
0x67: {  	_ =	shalt  }
0x68: {  	_ =	shalt  }
0x69: {  	_ =	shalt  }
0x6a: {  	_ =	shalt  }
0x6b: {  	_ =	shalt  }
0x6c: {  	_ =	shalt  }
0x6d: {  	_ =	shalt  }
0x6e: {  	_ =	shalt  }
0x6f: {  	_ =	shalt  }
0x70: {  	_ =	shalt  }
0x71: {  	_ =	shalt  }
0x72: {  	_ =	shalt  }
0x73: {  	_ =	shalt  }
0x74: {  	_ =	shalt  }
0x75: {  	_ =	shalt  }
0x76: {  	_ =	shalt  }
0x77: {  	_ =	shalt  }
0x78: {  	_ =	shalt  }
0x79: {  	_ =	shalt  }
0x7a: {  	_ =	shalt  }
0x7b: {  	_ =	shalt  }
0x7c: {  	_ =	shalt  }
0x7d: {  	_ =	shalt  }
0x7e: {  	_ =	shalt  }
0x7f: {  	_ =	shalt  }
0x80: {  	_ =	shalt  }
0x81: {  	_ =	shalt  }
0x82: {  	_ =	shalt  }
0x83: {  	_ =	shalt  }
0x84: {  	_ =	shalt  }
0x85: {  	_ =	shalt  }
0x86: {  	_ =	shalt  }
0x87: {  	_ =	shalt  }
.Lfunc_end0:
.L_simem_size_0:
called_computation.1_lowered:
.L_overlay_start_0:
0x88: {  	s2 =	sld [smem:$0x3FD9]  }
0x89: {  	s3 =	sld [smem:$0x3FFE];
	_ =	sdelay $0x1  }
0x8a: {  	s1 =	srdreg.scid  }
0x8b: {  	s0 =	sand.u32 $0x1, s1  }
0x8c: {  	s16 =	sshll.u32 s0, $0xA;
	s2 =	sadd.s32 s3, s2  }
0x8d: {  	s2 =	sadd.s32 s2, s16  }
0x8e: {  	[smem:$0x3FC2] =	sst s2  }
0x8f: {  	_ = 	snop  }
0x90: {  	(tm) =	ssettm $0x1  }
0x91: {  	s17 =	sld [smem:$0x3FFB];
	_ =	sdelay $0x3  }
0x92: {  	_ =	strace s17  }
0x93: {  	s2 =	sld [smem:$0x3FFC];
	_ =	sdelay $0x3  }
0x94: {  	_ =	strace s2  }
0x95: {  	s2 =	sld [smem:$0x3FFD];
	_ =	sdelay $0x3  }
0x96: {  	_ =	strace s2  }
0x97: {  	_ =	strace $0x8FFFFFFF  }
0x98: {  	s18 =	sld [smem:$0x3FDB];
	_ =	sdelay $0x1  }
0x99: {  	s19 =	simm.s32 $_scs_section_size  }
0x9a: {  	s4 =	simm.s32 $_size__tile_overlayer_lowered;
	s5 =	simm.s32 $_tile_overlayer_lowered  }
0x9b: {  	s22 =	simm.s32 $0x1BFF;
	s21 =	sshll.u32 s5, $0x1;
	s2 =	sadd.s32 s19, s18  }
0x9c: {  	s6 =	simm.s32 $0x0;
	s20 =	sshll.u32 s4, $0x1;
	s4 =	sadd.s32 s21, s2  }
0x9d: {  	[timem:s6], [sflag:s22] =	dma.local [hbm:s4], s20  }
0x9e: {  	_ =	swait.ge [sflag:s22], s20  }
0x9f: {  	s3 =	ssub.s32 $0x0, s20;
	[sflag:s22] =	ssyncset.done $0x0  }
0xa0: {  	[sflag:s22] =	ssyncadd.s32 s3;
	_ =	sdelay $0x1  }
0xa1: {  	s23 =	simm.s32 $0x1B8B  }
0xa2: {  	_ =	swait.ge [sflag:s23], $0x1  }
0xa3: {  	[sflag:s23] =	ssyncset.done $0x0  }
0xa4: {  	s25 =	simm.s32 $0x1B8E;
	s24 =	sld [smem:$0x3FFE];
	[sflag:s23] =	ssyncadd.s32 $0xFFFFFFFF  }
0xa5: {  	s26 =	simm.s32 $execute0_lowered;
	[smem:$0x3FD2] =	sst s25  }
0xa6: {  	s4 =	sshll.u32 s26, $0x1;
	_ =	strace $0x80000049;
	[dreg:$0x1] =	wrdreg $0xFFFFFFFF  }
0xa7: {  	s28 =	simm.s32 $_size_execute0_lowered;
	s2 =	sadd.s32 s2, s4;
	[dreg:$0x0] =	wrdreg $0x0  }
0xa8: {  	s4 =	sshll.u32 s28, $0x1;
	[dreg:$0x2] =	wrdreg s2  }
0xa9: {  	[dreg:$0x3] =	wrdreg s4  }
0xaa: {  	[dreg:$0x4] =	wrdreg $0xC0  }
0xab: {  	_ =	task [dreg:s6], $0x5FFFF  }
0xac: {  	[dreg:$0x1] =	wrdreg $0xFFFFFFFF  }
0xad: {  	[dreg:$0x0] =	wrdreg $0x60  }
0xae: {  	[dreg:$0x2] =	wrdreg s24  }
0xaf: {  	[dreg:$0x3] =	wrdreg $0xB5400  }
0xb0: {  	[dreg:$0x4] =	wrdreg $0x155400  }
0xb1: {  	[dreg:$0x5] =	wrdreg $0x9  }
0xb2: {  	_ =	task.clear_ibuf [dreg:s6], $0x6FFFF;
	_ =	strace $0x90000049  }
0xb3: {  	s29 =	simm.s32 $0x9;
	_ =	strace $0x8000004B  }
0xb4: {  	_ =	swait.ge [sflag:s29], $0x1  }
0xb5: {  	[sflag:s29] =	ssyncadd.s32 $0xFFFFFFFF  }
0xb6: {  	_ =	strace $0x9000004B  }
0xb7: {  	_ =	sfence  }
0xb8: {  	s30 =	sld [smem:$0x0];
	_ =	sdelay $0x2  }
0xb9: {  	s31 =	sshll.u32 s1, $0xD;
	s1 =	sshrl.u32 s1, $0x2  }
0xba: {  	s3 =	sand.u32 $0x4000, s31;
	s1 =	sadd.s32 s1, s30  }
0xbb: {  	s0 =	sor.u32 s3, s0;
	s1 =	sshll.u32 s1, $0x11  }
0xbc: {  	s0 =	sor.u32 s1, s0  }
0xbd: {  	s0 =	sadd.s32 $0x8F2B, s0  }
0xbe: {  	[sflag:s0] =	ssyncadd.remote.s32 $0x1  }
0xbf: {  	_ =	sfence.sel $0xFFFF  }
0xc0: {  	[dreg:$0x0] =	wrdreg $0xFFFFFFFF;
	(pc) =	sbr.abs _section_cstart, $3  }
0xc1: {  	[dreg:$0x1] =	wrdreg $0xFFFFFFFF  }
0xc2: {  	_ =	task.clear_ibuf [dreg:s6], $0x2FFFF;
	_ =	strace $0x9FFFFFFF  }
0xc3: {  	(tm) =	ssettm $0x7FFFFFFF  }
tec
execute0_lowered:
.L_overlay_start_1:
0x0: {  	(tag) =	ssettag $0x1  }
0x1: {  	s0 =	srdreg.scid  }
0x2: {  	s11 =	stileid.u32;
	s1 =	rddreg [dreg:$0x0]  }
0x3: {  	s2 =	rddreg [dreg:$0x1];
	s13 =	simm.s32 $0x9;
	s14 =	simm.s32 $0x28A0  }
0x4: {  	s18 =	simm.s32 $0x64;
	s19 =	simm.s32 $0x5140;
	s21 =	simm.s32 $0x6A40  }
0x5: {  	s28 =	simm.s32 $0x2;
	s30 =	simm.s32 $0x5;
	s12 =	simm.s32 $0x8  }
0x6: {  	s20 =	simm.s32 $0x0;
	s0 =	sand.u32 $0x1, s0;
	s3 =	sshll.u32 s11, $0x1  }
0x7: {  	s6 =	smul.u32 $0xA000, s11;
	s31 =	sshll.u32 s11, $0x6;
	s11 =	simm.s32 $0x270  }
0x8: {  	s4 =	sor.u32 s0, s3;
	s3 =	rddreg [dreg:$0x2];
	s7 =	smul.u32 $0xA0000, s0  }
0x9: {  	s0 =	ssub.s32 $0x2, s0;
	s15 =	sor.u32 $0x1C09, s31;
	s5 =	smul.u32 $0x514, s4  }
0xa: {  	s4 =	simm.s32 $0x0;
	s8 =	sshrl.u32 s6, $0x3;
	s9 =	sshrl.u32 s0, $0x1  }
0xb: {  	s24 =	sadd.s32 s6, s2;
	[smem:$0x7FF] =	sst s4;
	s7 =	sadd.s32 s6, s7  }
0xc: {  	s10 =	sadd.s32 s8, s1;
	s0 =	ssub.s32 s0, s9;
	s6 =	sadd.s32 s6, s3  }
0xd: {  	s16 =	sshrl.u32 s24, $0x3;
	s24 =	simm.s32 $0x1;
	s9 =	simm.s32 $0x29D8  }
0xe: {  	_ =	strace $0x8000004A;
	s5 =	sadd.s32 s5, s1;
	s7 =	sshrl.u32 s7, $0x3  }
0xf: {  	s25 =	sadd.s32 $0x17000, s10;
	s8 =	sadd.s32 $0x3F000, s10;
	s29 =	sadd.s32 $0x2B000, s10  }
0x10: {  	s0 =	smax.u32 s0, $0x1;
	s17 =	sshrl.u32 s6, $0x3;
	[dreg:$0x6] =	wrdreg s25  }
0x11: {  	s10 =	simm.s32 $0x7;
	s1 =	sadd.s32 s7, s1;
	[dreg:$0x8] =	wrdreg s29  }
.Ltmp0:
0x12: {  	s23 =	sadd.s32 $0xCC00, s5;
	[dreg:$0xa] =	wrdreg s0;
	(pc) =	sbr.rel .LBB2_1-.Ltmp0, $4  }
0x13: {  	s5 =	sadd.s32 $0x2800, s5;
	s7 =	simm.s32 $0x4;
	[dreg:$0x4] =	wrdreg s23  }
0x14: {  	[dreg:$0x5] =	wrdreg s5;
	s26 =	sadd.s32 $0x53000, s1;
	s1 =	sadd.s32 $0x7B000, s1  }
0x15: {  	s23 =	simm.s32 $0x8340;
	s5 =	simm.s32 $0x6;
	[dreg:$0x7] =	wrdreg s26  }
0x16: {  	[dreg:$0x9] =	wrdreg s1;
	s26 =	simm.s32 $0x9C40;
	s1 =	simm.s32 $0x3  }
.LBB2_7:
0x17: {  	_ =	swait.ge [sflag:s12], $0x1900  }
0x18: {  	[sflag:s12] =	ssyncset.done $0x0  }
0x19: {  	[sflag:s12] =	ssyncadd.s32 $0xFFFFE700  }
0x1a: {  	[bflag:$0x0] =	sbarrier.arrive $0xFFFF  }
0x1b: {  	s0 =	rddreg [dreg:$0x9]  }
0x1c: {  	[hbm:s0], [sflag:s15] =	dma.local [spmem:s17], $0x1400  }
0x1d: {  	_ =	swait.ge [sflag:s13], $0x1400  }
0x1e: {  	s20 =	sadd.s32 $0x1, s20;
	s31 =	rddreg [dreg:$0xa]  }
0x1f: {  	p0 =	sne.s32 s20, s31  }
.Ltmp1:
0x20: {  	_ = 	snop;
	(pc) =	sbr.rel @!p0 .LBB2_8-.Ltmp1, $3  }
0x21: {  	_ =	sdelay $0x1  }
0x22: {  	[sflag:s13] =	ssyncset.done $0x0  }
0x23: {  	[sflag:s13] =	ssyncadd.s32 $0xFFFFEC00  }
.LBB2_1:
0x24: {  	s0 =	rddreg [dreg:$0x4]  }
0x25: {  	[tilespmem:s4], [sflag:$0x9] =	stream.linear.gather [hbm4b:s0+s4], $0x28A0, $0x38;
	[tilespmem:$0x1F540] =	vst v63  }
0x26: {  	_ =	swait.ge [sflag:s13], $0x28A0  }
0x27: {  	[sflag:s13] =	ssyncset.done $0x0  }
0x28: {  	s22 =	rddreg [dreg:$0x5];
	[sflag:s13] =	ssyncadd.s32 $0xFFFFD760  }
0x29: {  	[tilespmem:s14], [sflag:$0x9] =	stream.linear.gather [hbm4b:s22+s4], $0x28A0, $0x38;
	[tilespmem:$0x1F540] =	vst v63  }
0x2a: {  	_ =	swait.ge [sflag:s13], $0x28A0  }
0x2b: {  	[sflag:s13] =	ssyncset.done $0x0  }
0x2c: {  	s25 =	rddreg [dreg:$0x6];
	[sflag:s13] =	ssyncadd.s32 $0xFFFFD760  }
0x2d: {  	[spmem:s16], [sflag:s15] =	dma.local [hbm:s25], $0x1400  }
0x2e: {  	_ =	swait.ge [sflag:s13], $0x1400  }
0x2f: {  	[sflag:s13] =	ssyncset.done $0x0  }
0x30: {  	[sflag:s13] =	ssyncadd.s32 $0xFFFFEC00  }
0x31: {  	[spmem:s17], [sflag:s15] =	dma.local [hbm:s8], $0x1400  }
0x32: {  	_ =	swait.ge [sflag:s13], $0x1400  }
0x33: {  	[sflag:s13] =	ssyncset.done $0x0  }
0x34: {  	[sflag:s13] =	ssyncadd.s32 $0xFFFFEC00  }
0x35: {  	[bflag:$0x0] =	sbarrier.arrive $0xFFFF  }
0x36: {  	[tilespmem:s19], [sflag:$0x1] =	stream.indirect.gather [spmem:s2], $0x40, s4, s18, $0xb8;
	[tilespmem:$0x1F540] =	vst v63  }
0x37: {  	s29 =	simm.s32 $0x68  }
0x38: {  	[tilespmem:s21], [sflag:$0x2] =	stream.indirect.gather [spmem:s2], $0x40, s29, s18, $0xb8;
	[tilespmem:$0x1F540] =	vst v63  }
0x39: {  	s31 =	simm.s32 $0xD0  }
0x3a: {  	[tilespmem:s23], [sflag:$0x3] =	stream.indirect.gather [spmem:s2], $0x40, s31, s18, $0xb8;
	[tilespmem:$0x1F540] =	vst v63  }
0x3b: {  	_ =	swait.ge [sflag:s24], $0x1900  }
0x3c: {  	[sflag:s24] =	ssyncset.done $0x0  }
0x3d: {  	[sflag:s24] =	ssyncadd.s32 $0xFFFFE700  }
0x3e: {  	[spmem:s3] =	stream.indirect.scatter.add.f32 [tilespmem:s19], [sflag:$0x5], $0x40, s14, s18, $0xb8;
	[tilespmem:$0x1F540] =	vst v63  }
0x3f: {  	s6 =	simm.s32 $0x138  }
0x40: {  	[tilespmem:s26], [sflag:$0x4] =	stream.indirect.gather [spmem:s2], $0x40, s6, s18, $0xb8;
	[tilespmem:$0x1F540] =	vst v63  }
0x41: {  	_ =	swait.ge [sflag:s28], $0x1900  }
0x42: {  	[sflag:s28] =	ssyncset.done $0x0  }
0x43: {  	s22 =	simm.s32 $0x2908;
	[sflag:s28] =	ssyncadd.s32 $0xFFFFE700  }
0x44: {  	[spmem:s3] =	stream.indirect.scatter.add.f32 [tilespmem:s21], [sflag:$0x6], $0x40, s22, s18, $0xb8;
	[tilespmem:$0x1F540] =	vst v63  }
0x45: {  	_ =	swait.ge [sflag:s30], $0x1900  }
0x46: {  	[sflag:s30] =	ssyncset.done $0x0  }
0x47: {  	s25 =	simm.s32 $0x1A0;
	[sflag:s30] =	ssyncadd.s32 $0xFFFFE700  }
0x48: {  	[tilespmem:s19], [sflag:$0x1] =	stream.indirect.gather [spmem:s2], $0x40, s25, s18, $0xb8;
	[tilespmem:$0x1F540] =	vst v63  }
0x49: {  	_ =	swait.ge [sflag:s1], $0x1900  }
0x4a: {  	[sflag:s1] =	ssyncset.done $0x0  }
0x4b: {  	s29 =	simm.s32 $0x2970;
	[sflag:s1] =	ssyncadd.s32 $0xFFFFE700  }
0x4c: {  	[spmem:s3] =	stream.indirect.scatter.add.f32 [tilespmem:s23], [sflag:$0x7], $0x40, s29, s18, $0xb8;
	[tilespmem:$0x1F540] =	vst v63  }
0x4d: {  	_ =	swait.ge [sflag:s5], $0x1900  }
0x4e: {  	[sflag:s5] =	ssyncset.done $0x0  }
0x4f: {  	s31 =	simm.s32 $0x208;
	[sflag:s5] =	ssyncadd.s32 $0xFFFFE700  }
0x50: {  	[tilespmem:s21], [sflag:$0x2] =	stream.indirect.gather [spmem:s2], $0x40, s31, s18, $0xb8;
	[tilespmem:$0x1F540] =	vst v63  }
0x51: {  	_ =	swait.ge [sflag:s7], $0x1900  }
0x52: {  	[sflag:s7] =	ssyncset.done $0x0  }
0x53: {  	[sflag:s7] =	ssyncadd.s32 $0xFFFFE700  }
0x54: {  	[spmem:s3] =	stream.indirect.scatter.add.f32 [tilespmem:s26], [sflag:$0x8], $0x40, s9, s18, $0xb8;
	[tilespmem:$0x1F540] =	vst v63  }
0x55: {  	_ =	swait.ge [sflag:s10], $0x1900  }
0x56: {  	[sflag:s10] =	ssyncset.done $0x0  }
0x57: {  	s22 =	simm.s32 $0x0;
	[sflag:s10] =	ssyncadd.s32 $0xFFFFE700  }
0x58: {  	[tilespmem:s23], [sflag:$0x3] =	stream.indirect.gather [spmem:s2], $0x40, s11, s18, $0xb8;
	[tilespmem:$0x1F540] =	vst v63  }
.LBB2_2:
0x59: {  	_ =	swait.ge [sflag:s24], $0x1900  }
0x5a: {  	s25 =	sshra.s32 s22, $0x2;
	[sflag:s24] =	ssyncset.done $0x0  }
0x5b: {  	s29 =	sadd.s32 $0x2A40, s25;
	[sflag:s24] =	ssyncadd.s32 $0xFFFFE700  }
0x5c: {  	[spmem:s3] =	stream.indirect.scatter.add.f32 [tilespmem:s19], [sflag:$0x5], $0x40, s29, s18, $0xb8;
	[tilespmem:$0x1F540] =	vst v63  }
0x5d: {  	_ =	swait.ge [sflag:s12], $0x1900  }
0x5e: {  	[sflag:s12] =	ssyncset.done $0x0  }
0x5f: {  	s0 =	sadd.s32 $0x2D8, s25;
	[sflag:s12] =	ssyncadd.s32 $0xFFFFE700  }
0x60: {  	[tilespmem:s26], [sflag:$0x4] =	stream.indirect.gather [spmem:s2], $0x40, s0, s18, $0xb8;
	[tilespmem:$0x1F540] =	vst v63  }
0x61: {  	_ =	swait.ge [sflag:s28], $0x1900  }
0x62: {  	[sflag:s28] =	ssyncset.done $0x0  }
0x63: {  	s6 =	sadd.s32 $0x2AA8, s25;
	[sflag:s28] =	ssyncadd.s32 $0xFFFFE700  }
0x64: {  	[spmem:s3] =	stream.indirect.scatter.add.f32 [tilespmem:s21], [sflag:$0x6], $0x40, s6, s18, $0xb8;
	[tilespmem:$0x1F540] =	vst v63  }
0x65: {  	_ =	swait.ge [sflag:s30], $0x1900  }
0x66: {  	p0 =	seq.s32 s22, $0x9580;
	[sflag:s30] =	ssyncset.done $0x0  }
0x67: {  	s29 =	simm.s32 @p0 $0x3;
	[sflag:s30] =	ssyncadd.s32 $0xFFFFE700  }
0x68: {  	_ =	swait.ge @p0 [sflag:s29], $0x1900  }
0x69: {  	[sflag:s29] =	ssyncset.done @p0 $0x0  }
0x6a: {  	[sflag:s29] =	ssyncadd.s32 @p0 $0xFFFFE700;
	s29 =	sshra.s32 @p0 s22, $0x2  }
0x6b: {  	s31 =	simm.s32 @p0 $0x64;
	s0 =	simm.s32 @p0 $0x8340;
	s29 =	sadd.s32 @p0 $0x2B10, s29  }
0x6c: {  	[spmem:s3] =	stream.indirect.scatter.add.f32 @p0 [tilespmem:s0], [sflag:$0x7], $0x40, s29, s31, $0xb8;
	[tilespmem:$0x1F540] =	vst v63  }
0x6d: {  	s0 =	simm.s32 @p0 $0x6  }
0x6e: {  	_ =	swait.ge @p0 [sflag:s0], $0x1900  }
0x6f: {  	[sflag:s0] =	ssyncset.done @p0 $0x0  }
0x70: {  	[sflag:s0] =	ssyncadd.s32 @p0 $0xFFFFE700;
	s0 =	sshra.s32 @!p0 s22, $0x2  }
0x71: {  	s6 =	simm.s32 @!p0 $0x5140;
	s31 =	simm.s32 @!p0 $0x64;
	s29 =	sadd.s32 @!p0 $0x340, s0  }
0x72: {  	[tilespmem:s6], [sflag:$0x1] =	stream.indirect.gather @!p0 [spmem:s2], $0x40, s29, s31, $0xb8;
	[tilespmem:$0x1F540] =	vst v63  }
0x73: {  	s6 =	simm.s32 @!p0 $0x3  }
0x74: {  	_ =	swait.ge @!p0 [sflag:s6], $0x1900  }
0x75: {  	[sflag:s6] =	ssyncset.done @!p0 $0x0  }
0x76: {  	s29 =	simm.s32 @!p0 $0x8340;
	[sflag:s6] =	ssyncadd.s32 @!p0 $0xFFFFE700;
	s6 =	sadd.s32 @!p0 $0x2B10, s0  }
0x77: {  	[spmem:s3] =	stream.indirect.scatter.add.f32 @!p0 [tilespmem:s29], [sflag:$0x7], $0x40, s6, s31, $0xb8;
	[tilespmem:$0x1F540] =	vst v63  }
0x78: {  	s6 =	simm.s32 @!p0 $0x6  }
0x79: {  	_ =	swait.ge @!p0 [sflag:s6], $0x1900  }
0x7a: {  	[sflag:s6] =	ssyncset.done @!p0 $0x0  }
0x7b: {  	s0 =	sadd.s32 @!p0 $0x3A8, s0;
	[sflag:s6] =	ssyncadd.s32 @!p0 $0xFFFFE700;
	s6 =	simm.s32 @!p0 $0x6A40  }
0x7c: {  	[tilespmem:s6], [sflag:$0x2] =	stream.indirect.gather @!p0 [spmem:s2], $0x40, s0, s31, $0xb8;
	[tilespmem:$0x1F540] =	vst v63  }
0x7d: {  	_ =	swait.ge [sflag:s7], $0x1900  }
0x7e: {  	[sflag:s7] =	ssyncset.done $0x0  }
.Ltmp2:
0x7f: {  	s31 =	sadd.s32 $0x2B78, s25;
	[sflag:s7] =	ssyncadd.s32 $0xFFFFE700;
	(pc) =	sbr.rel @p0 .LBB2_4-.Ltmp2, $4  }
0x80: {  	[spmem:s3] =	stream.indirect.scatter.add.f32 [tilespmem:s26], [sflag:$0x8], $0x40, s31, s18, $0xb8;
	[tilespmem:$0x1F540] =	vst v63  }
0x81: {  	_ =	swait.ge [sflag:s10], $0x1900  }
0x82: {  	[sflag:s10] =	ssyncset.done $0x0  }
0x83: {  	[sflag:s10] =	ssyncadd.s32 $0xFFFFE700  }
.Ltmp3:
0x84: {  	(pc) =	sbr.rel .LBB2_2-.Ltmp3, $3  }
0x85: {  	_ =	sdelay $0x1  }
0x86: {  	s0 =	sadd.s32 $0x410, s25;
	s22 =	sadd.s32 $0x680, s22  }
0x87: {  	[tilespmem:s23], [sflag:$0x3] =	stream.indirect.gather [spmem:s2], $0x40, s0, s18, $0xb8;
	[tilespmem:$0x1F540] =	vst v63  }
.LBB2_4:
0x88: {  	_ =	swait.ge [sflag:s12], $0x1900  }
0x89: {  	[sflag:s12] =	ssyncset.done $0x0  }
0x8a: {  	[sflag:s12] =	ssyncadd.s32 $0xFFFFE700  }
0x8b: {  	[bflag:$0x0] =	sbarrier.arrive $0xFFFF  }
0x8c: {  	s0 =	rddreg [dreg:$0x7]  }
0x8d: {  	[hbm:s0], [sflag:s15] =	dma.local [spmem:s17], $0x1400  }
0x8e: {  	_ =	swait.ge [sflag:s13], $0x1400  }
0x8f: {  	[sflag:s13] =	ssyncset.done $0x0  }
0x90: {  	s22 =	rddreg [dreg:$0x8];
	[sflag:s13] =	ssyncadd.s32 $0xFFFFEC00  }
0x91: {  	[spmem:s16], [sflag:s15] =	dma.local [hbm:s22], $0x1400  }
0x92: {  	_ =	swait.ge [sflag:s13], $0x1400  }
0x93: {  	[sflag:s13] =	ssyncset.done $0x0  }
0x94: {  	[sflag:s13] =	ssyncadd.s32 $0xFFFFEC00  }
0x95: {  	[spmem:s17], [sflag:s15] =	dma.local [hbm:s8], $0x1400  }
0x96: {  	_ =	swait.ge [sflag:s13], $0x1400  }
0x97: {  	[sflag:s13] =	ssyncset.done $0x0  }
0x98: {  	[sflag:s13] =	ssyncadd.s32 $0xFFFFEC00  }
0x99: {  	s22 =	simm.s32 $0x0;
	[bflag:$0x0] =	sbarrier.arrive $0xFFFF  }
0x9a: {  	[tilespmem:s19], [sflag:$0x1] =	stream.indirect.gather [spmem:s2], $0x40, s22, s18, $0xb8;
	[tilespmem:$0x1F540] =	vst v63  }
0x9b: {  	s25 =	simm.s32 $0x68  }
0x9c: {  	[tilespmem:s21], [sflag:$0x2] =	stream.indirect.gather [spmem:s2], $0x40, s25, s18, $0xb8;
	[tilespmem:$0x1F540] =	vst v63  }
0x9d: {  	s29 =	simm.s32 $0xD0  }
0x9e: {  	[tilespmem:s23], [sflag:$0x3] =	stream.indirect.gather [spmem:s2], $0x40, s29, s18, $0xb8;
	[tilespmem:$0x1F540] =	vst v63  }
0x9f: {  	_ =	swait.ge [sflag:s24], $0x1900  }
0xa0: {  	[sflag:s24] =	ssyncset.done $0x0  }
0xa1: {  	[sflag:s24] =	ssyncadd.s32 $0xFFFFE700  }
0xa2: {  	[spmem:s3] =	stream.indirect.scatter.add.f32 [tilespmem:s19], [sflag:$0x5], $0x40, s14, s18, $0xb8;
	[tilespmem:$0x1F540] =	vst v63  }
0xa3: {  	s31 =	simm.s32 $0x138  }
0xa4: {  	[tilespmem:s26], [sflag:$0x4] =	stream.indirect.gather [spmem:s2], $0x40, s31, s18, $0xb8;
	[tilespmem:$0x1F540] =	vst v63  }
0xa5: {  	_ =	swait.ge [sflag:s28], $0x1900  }
0xa6: {  	[sflag:s28] =	ssyncset.done $0x0  }
0xa7: {  	s6 =	simm.s32 $0x2908;
	[sflag:s28] =	ssyncadd.s32 $0xFFFFE700  }
0xa8: {  	[spmem:s3] =	stream.indirect.scatter.add.f32 [tilespmem:s21], [sflag:$0x6], $0x40, s6, s18, $0xb8;
	[tilespmem:$0x1F540] =	vst v63  }
0xa9: {  	_ =	swait.ge [sflag:s30], $0x1900  }
0xaa: {  	[sflag:s30] =	ssyncset.done $0x0  }
0xab: {  	s25 =	simm.s32 $0x1A0;
	[sflag:s30] =	ssyncadd.s32 $0xFFFFE700  }
0xac: {  	[tilespmem:s19], [sflag:$0x1] =	stream.indirect.gather [spmem:s2], $0x40, s25, s18, $0xb8;
	[tilespmem:$0x1F540] =	vst v63  }
0xad: {  	_ =	swait.ge [sflag:s1], $0x1900  }
0xae: {  	[sflag:s1] =	ssyncset.done $0x0  }
0xaf: {  	s29 =	simm.s32 $0x2970;
	[sflag:s1] =	ssyncadd.s32 $0xFFFFE700  }
0xb0: {  	[spmem:s3] =	stream.indirect.scatter.add.f32 [tilespmem:s23], [sflag:$0x7], $0x40, s29, s18, $0xb8;
	[tilespmem:$0x1F540] =	vst v63  }
0xb1: {  	_ =	swait.ge [sflag:s5], $0x1900  }
0xb2: {  	[sflag:s5] =	ssyncset.done $0x0  }
0xb3: {  	s31 =	simm.s32 $0x208;
	[sflag:s5] =	ssyncadd.s32 $0xFFFFE700  }
0xb4: {  	[tilespmem:s21], [sflag:$0x2] =	stream.indirect.gather [spmem:s2], $0x40, s31, s18, $0xb8;
	[tilespmem:$0x1F540] =	vst v63  }
0xb5: {  	_ =	swait.ge [sflag:s7], $0x1900  }
0xb6: {  	[sflag:s7] =	ssyncset.done $0x0  }
0xb7: {  	[sflag:s7] =	ssyncadd.s32 $0xFFFFE700  }
0xb8: {  	[spmem:s3] =	stream.indirect.scatter.add.f32 [tilespmem:s26], [sflag:$0x8], $0x40, s9, s18, $0xb8;
	[tilespmem:$0x1F540] =	vst v63  }
0xb9: {  	_ =	swait.ge [sflag:s10], $0x1900  }
0xba: {  	[sflag:s10] =	ssyncset.done $0x0  }
0xbb: {  	[sflag:s10] =	ssyncadd.s32 $0xFFFFE700  }
0xbc: {  	[tilespmem:s23], [sflag:$0x3] =	stream.indirect.gather [spmem:s2], $0x40, s11, s18, $0xb8;
	[tilespmem:$0x1F540] =	vst v63  }
.LBB2_5:
0xbd: {  	_ =	swait.ge [sflag:s24], $0x1900  }
0xbe: {  	s25 =	sshra.s32 s22, $0x2;
	[sflag:s24] =	ssyncset.done $0x0  }
0xbf: {  	s0 =	sadd.s32 $0x2A40, s25;
	[sflag:s24] =	ssyncadd.s32 $0xFFFFE700  }
0xc0: {  	[spmem:s3] =	stream.indirect.scatter.add.f32 [tilespmem:s19], [sflag:$0x5], $0x40, s0, s18, $0xb8;
	[tilespmem:$0x1F540] =	vst v63  }
0xc1: {  	_ =	swait.ge [sflag:s12], $0x1900  }
0xc2: {  	[sflag:s12] =	ssyncset.done $0x0  }
0xc3: {  	s6 =	sadd.s32 $0x2D8, s25;
	[sflag:s12] =	ssyncadd.s32 $0xFFFFE700  }
0xc4: {  	[tilespmem:s26], [sflag:$0x4] =	stream.indirect.gather [spmem:s2], $0x40, s6, s18, $0xb8;
	[tilespmem:$0x1F540] =	vst v63  }
0xc5: {  	_ =	swait.ge [sflag:s28], $0x1900  }
0xc6: {  	[sflag:s28] =	ssyncset.done $0x0  }
0xc7: {  	s29 =	sadd.s32 $0x2AA8, s25;
	[sflag:s28] =	ssyncadd.s32 $0xFFFFE700  }
0xc8: {  	[spmem:s3] =	stream.indirect.scatter.add.f32 [tilespmem:s21], [sflag:$0x6], $0x40, s29, s18, $0xb8;
	[tilespmem:$0x1F540] =	vst v63  }
0xc9: {  	_ =	swait.ge [sflag:s30], $0x1900  }
0xca: {  	p0 =	seq.s32 s22, $0x9580;
	[sflag:s30] =	ssyncset.done $0x0  }
0xcb: {  	s0 =	simm.s32 @p0 $0x3;
	[sflag:s30] =	ssyncadd.s32 $0xFFFFE700  }
0xcc: {  	_ =	swait.ge @p0 [sflag:s0], $0x1900  }
0xcd: {  	[sflag:s0] =	ssyncset.done @p0 $0x0  }
0xce: {  	[sflag:s0] =	ssyncadd.s32 @p0 $0xFFFFE700;
	s0 =	sshra.s32 @p0 s22, $0x2  }
0xcf: {  	s6 =	simm.s32 @p0 $0x64;
	s29 =	simm.s32 @p0 $0x8340;
	s0 =	sadd.s32 @p0 $0x2B10, s0  }
0xd0: {  	[spmem:s3] =	stream.indirect.scatter.add.f32 @p0 [tilespmem:s29], [sflag:$0x7], $0x40, s0, s6, $0xb8;
	[tilespmem:$0x1F540] =	vst v63  }
0xd1: {  	s0 =	simm.s32 @p0 $0x6  }
0xd2: {  	_ =	swait.ge @p0 [sflag:s0], $0x1900  }
0xd3: {  	[sflag:s0] =	ssyncset.done @p0 $0x0  }
0xd4: {  	[sflag:s0] =	ssyncadd.s32 @p0 $0xFFFFE700;
	s0 =	sshra.s32 @!p0 s22, $0x2  }
0xd5: {  	s31 =	simm.s32 @!p0 $0x5140;
	s29 =	simm.s32 @!p0 $0x64;
	s6 =	sadd.s32 @!p0 $0x340, s0  }
0xd6: {  	[tilespmem:s31], [sflag:$0x1] =	stream.indirect.gather @!p0 [spmem:s2], $0x40, s6, s29, $0xb8;
	[tilespmem:$0x1F540] =	vst v63  }
0xd7: {  	s6 =	simm.s32 @!p0 $0x3  }
0xd8: {  	_ =	swait.ge @!p0 [sflag:s6], $0x1900  }
0xd9: {  	[sflag:s6] =	ssyncset.done @!p0 $0x0  }
0xda: {  	s31 =	simm.s32 @!p0 $0x8340;
	[sflag:s6] =	ssyncadd.s32 @!p0 $0xFFFFE700;
	s6 =	sadd.s32 @!p0 $0x2B10, s0  }
0xdb: {  	[spmem:s3] =	stream.indirect.scatter.add.f32 @!p0 [tilespmem:s31], [sflag:$0x7], $0x40, s6, s29, $0xb8;
	[tilespmem:$0x1F540] =	vst v63  }
0xdc: {  	s6 =	simm.s32 @!p0 $0x6  }
0xdd: {  	_ =	swait.ge @!p0 [sflag:s6], $0x1900  }
0xde: {  	[sflag:s6] =	ssyncset.done @!p0 $0x0  }
0xdf: {  	s0 =	sadd.s32 @!p0 $0x3A8, s0;
	[sflag:s6] =	ssyncadd.s32 @!p0 $0xFFFFE700;
	s6 =	simm.s32 @!p0 $0x6A40  }
0xe0: {  	[tilespmem:s6], [sflag:$0x2] =	stream.indirect.gather @!p0 [spmem:s2], $0x40, s0, s29, $0xb8;
	[tilespmem:$0x1F540] =	vst v63  }
0xe1: {  	_ =	swait.ge [sflag:s7], $0x1900  }
0xe2: {  	[sflag:s7] =	ssyncset.done $0x0  }
.Ltmp4:
0xe3: {  	s31 =	sadd.s32 $0x2B78, s25;
	[sflag:s7] =	ssyncadd.s32 $0xFFFFE700;
	(pc) =	sbr.rel @p0 .LBB2_7-.Ltmp4, $4  }
0xe4: {  	[spmem:s3] =	stream.indirect.scatter.add.f32 [tilespmem:s26], [sflag:$0x8], $0x40, s31, s18, $0xb8;
	[tilespmem:$0x1F540] =	vst v63  }
0xe5: {  	_ =	swait.ge [sflag:s10], $0x1900  }
0xe6: {  	[sflag:s10] =	ssyncset.done $0x0  }
0xe7: {  	[sflag:s10] =	ssyncadd.s32 $0xFFFFE700  }
.Ltmp5:
0xe8: {  	(pc) =	sbr.rel .LBB2_5-.Ltmp5, $3  }
0xe9: {  	_ =	sdelay $0x1  }
0xea: {  	s0 =	sadd.s32 $0x410, s25;
	s22 =	sadd.s32 $0x680, s22  }
0xeb: {  	[tilespmem:s23], [sflag:$0x3] =	stream.indirect.gather [spmem:s2], $0x40, s0, s18, $0xb8;
	[tilespmem:$0x1F540] =	vst v63  }
.LBB2_8:
0xec: {  	_ =	sfence.sel $0x180000  }
0xed: {  	[bflag:$0x0] =	sbarrier.arrive $0xFFFF  }
0xee: {  	_ =	strace $0x9000004A  }
0xef: {  	s0 =	stileid.u32;
	[bflag:$0x2] =	sbarrier.arrive $0xFFFF  }
0xf0: {  	p0 =	sne.s32 s0, $0x0;
	s0 =	rddreg [dreg:$0x3]  }
0xf1: {  	s0 =	sadd.s32 @!p0 $0x100000, s0  }
0xf2: {  	[sflag:s0] =	ssyncadd.tile.s32 @!p0 $0x1;
	_ =	shalt  }
.Lfunc_end2:
_tile_overlayer_lowered:
.L_overlay_start_2:
0xf3: {  	(tag) =	ssettag $0x2  }
0xf4: {  	s0 =	rddreg [dreg:$0x0];
	s2 =	stileid.u32  }
0xf5: {  	s1 =	rddreg [dreg:$0x1];
	p0 =	sne.s32 s2, $0x0  }
0xf6: {  	s3 =	rddreg [dreg:$0x2];
	[bflag:$0x3] =	sbarrier.arrive $0xFFFF;
	s2 =	simm.s32 @!p0 $0x1C09  }
0xf7: {  	[timem:s3], [sflag:s2] =	dma.local @!p0 [hbm:s0], s1  }
0xf8: {  	s0 =	simm.s32 @!p0 $0x9  }
0xf9: {  	_ =	swait.ge @!p0 [sflag:s0], s1  }
0xfa: {  	s1 =	ssub.s32 @!p0 $0x0, s1;
	[sflag:s0] =	ssyncset.done @!p0 $0x0  }
0xfb: {  	[sflag:s0] =	ssyncadd.s32 @!p0 s1  }
0xfc: {  	[bflag:$0x3] =	sbarrier.arrive $0xFFFF  }
0xfd: {  	_ =	shalt  }

// kernel: kernel.15.cloned.1.call-start
scs
__scs_entry_jumppad:
0x0: {  	(pc) =	sbr.rel $0x88, $3  }
0x1: {  	(tag) =	ssettag $0x0;
	lr =	simm.s32 $0x1  }
0x2: {  	[smem:$0x3F9B] =	sst lr;
	_ =	strace $0xD0000000  }
0x3: {  	_ = 	snop  }
0x4: {  	_ = 	snop  }
0x5: {  	_ = 	snop  }
0x6: {  	_ = 	snop  }
0x7: {  	_ = 	snop  }
__scs_overlays_trampoline_lowered:
0x8: {  	[smem:$0x3FAA] =	sst s0  }
0x9: {  	[smem:$0x3FAB] =	sst s1  }
0xa: {  	[smem:$0x3FAC] =	sst s2  }
0xb: {  	[smem:$0x3FAD] =	sst s3  }
0xc: {  	[smem:$0x3FAE] =	sst s4  }
0xd: {  	[smem:$0x3FAF] =	sst s5  }
0xe: {  	[smem:$0x3FB0] =	sst s6  }
0xf: {  	[smem:$0x3FB1] =	sst s7  }
0x10: {  	[smem:$0x3FB2] =	sst s8  }
0x11: {  	[smem:$0x3FB3] =	sst s9;
	s0 =	simm.s32 @!p0 $0x0  }
0x12: {  	s1 =	sld [smem:$0x3F99];
	s0 =	simm.s32 @p0 $0x1  }
0x13: {  	[smem:$0x3FB4] =	sst s0;
	s0 =	simm.s32 @!p1 $0x0  }
0x14: {  	s2 =	sld [smem:$0x3F98];
	s0 =	simm.s32 @p1 $0x1  }
0x15: {  	[smem:$0x3FB5] =	sst s0;
	s0 =	simm.s32 @!p2 $0x0  }
0x16: {  	s3 =	sld [smem:$0x3FDB];
	s0 =	simm.s32 @p2 $0x1  }
0x17: {  	s4 =	simm.s32 $0x1BF5;
	[smem:$0x3FB7] =	sst s0  }
0x18: {  	s0 =	sld [smem:$0x3F9A];
	_ =	swait.ge [sflag:s4], $0x0  }
0x19: {  	s7 =	sld [smem:$0x3F9B]  }
0x1a: {  	s8 =	sadd.s32 $0xFFFFE003, lr  }
0x1b: {  	s9 =	sadd.s32 $0xFFFFFEF7, lr;
	s5 =	simm.s32 $0xFFFFFFFF;
	p2 =	slt.u32 s8, $0xFFFFF086  }
0x1c: {  	p1 =	slt.u32 s9, $0xF7A;
	s5 =	simm.s32 @!p2 $0x0  }
0x1d: {  	s5 =	simm.s32 @p1 $0x1;
	p0 =	seq.s32 s7, s2  }
0x1e: {  	s7 =	smul.u32 @!p0 $0xF7A, s2;
	p2 =	seq.s32 @!p0 s5, $0x0  }
0x1f: {  	s9 =	smul.u32 $0xF7A, s1;
	s8 =	simm.s32 @!p0 $0x1BF5;
	p2 =	por !p2, p0  }
0x20: {  	[sflag:s8] =	ssyncset.s32 @!p0 $0xFFFFF086;
	s6 =	sadd.s32 @!p0 s3, s7;
	s7 =	simm.s32 @!p0 $0x108  }
0x21: {  	s3 =	sadd.s32 s3, s9;
	s6 =	sadd.s32 @!p0 $0x88, s6;
	s7 =	simm.s32 @p2 $0x1082  }
0x22: {  	[simem:s7], [sflag:s8] =	dma.local @!p0 [hbm:s6], $0xF7A  }
0x23: {  	s9 =	sor.u32 $0xD0000000, s2;
	s6 =	simm.s32 $0x108;
	_ =	swait.ge @!p0 [sflag:s8], $0x0  }
0x24: {  	s3 =	sadd.s32 $0x88, s3;
	s6 =	simm.s32 @!p1 $0x1082;
	[sflag:s4] =	ssyncset.s32 $0xFFFFF086  }
0x25: {  	[simem:s6], [sflag:s4] =	dma.local [hbm:s3], $0xF7A  }
0x26: {  	[smem:$0x3F9B] =	sst s1;
	(tag) =	ssettag s2;
	_ =	strace s9  }
0x27: {  	s1 =	sld [smem:$0x3FAB]  }
0x28: {  	s2 =	sld [smem:$0x3FAC]  }
0x29: {  	s4 =	sld [smem:$0x3FAE]  }
0x2a: {  	p0 =	seq.s32 s5, $0x0;
	s5 =	sld [smem:$0x3FAF]  }
0x2b: {  	s6 =	sld [smem:$0x3FB0]  }
0x2c: {  	s7 =	sld [smem:$0x3FB1]  }
0x2d: {  	s3 =	simm.s32 $0x108;
	s8 =	sld [smem:$0x3FB2]  }
0x2e: {  	s3 =	simm.s32 @!p0 $0x1082;
	s9 =	sld [smem:$0x3FB3]  }
0x2f: {  	lr =	sadd.s32 s0, s3;
	s0 =	sld [smem:$0x3FAA]  }
0x30: {  	s3 =	sld [smem:$0x3FAD]  }
0x31: {  	[smem:$0x3FB6] =	sst s10  }
0x32: {  	s10 =	sld [smem:$0x3FB4];
	_ =	sdelay $0x3  }
0x33: {  	p0 =	seq.s32 s10, $0x1;
	s10 =	sld [smem:$0x3FB6];
	_ =	sdelay $0x3  }
0x34: {  	[smem:$0x3FB6] =	sst s10  }
0x35: {  	s10 =	sld [smem:$0x3FB5];
	_ =	sdelay $0x3  }
0x36: {  	p1 =	seq.s32 s10, $0x1;
	s10 =	sld [smem:$0x3FB6];
	_ =	sdelay $0x3  }
0x37: {  	[smem:$0x3FB6] =	sst s10  }
0x38: {  	s10 =	sld [smem:$0x3FB7]  }
0x39: {  	_ = 	snop;
	(pc) =	sbr.ind lr, $3  }
0x3a: {  	_ = 	snop  }
0x3b: {  	_ = 	snop  }
0x3c: {  	p2 =	seq.s32 s10, $0x1;
	s10 =	sld [smem:$0x3FB6]  }
0x3d: {  	_ =	shalt  }
0x3e: {  	_ =	shalt  }
0x3f: {  	_ =	shalt  }
0x40: {  	_ =	shalt  }
0x41: {  	_ =	shalt  }
0x42: {  	_ =	shalt  }
0x43: {  	_ =	shalt  }
0x44: {  	_ =	shalt  }
0x45: {  	_ =	shalt  }
0x46: {  	_ =	shalt  }
0x47: {  	_ =	shalt  }
0x48: {  	_ =	shalt  }
0x49: {  	_ =	shalt  }
0x4a: {  	_ =	shalt  }
0x4b: {  	_ =	shalt  }
0x4c: {  	_ =	shalt  }
0x4d: {  	_ =	shalt  }
0x4e: {  	_ =	shalt  }
0x4f: {  	_ =	shalt  }
0x50: {  	_ =	shalt  }
0x51: {  	_ =	shalt  }
0x52: {  	_ =	shalt  }
0x53: {  	_ =	shalt  }
0x54: {  	_ =	shalt  }
0x55: {  	_ =	shalt  }
0x56: {  	_ =	shalt  }
0x57: {  	_ =	shalt  }
0x58: {  	_ =	shalt  }
0x59: {  	_ =	shalt  }
0x5a: {  	_ =	shalt  }
0x5b: {  	_ =	shalt  }
0x5c: {  	_ =	shalt  }
0x5d: {  	_ =	shalt  }
0x5e: {  	_ =	shalt  }
0x5f: {  	_ =	shalt  }
0x60: {  	_ =	shalt  }
0x61: {  	_ =	shalt  }
0x62: {  	_ =	shalt  }
0x63: {  	_ =	shalt  }
0x64: {  	_ =	shalt  }
0x65: {  	_ =	shalt  }
0x66: {  	_ =	shalt  }
0x67: {  	_ =	shalt  }
0x68: {  	_ =	shalt  }
0x69: {  	_ =	shalt  }
0x6a: {  	_ =	shalt  }
0x6b: {  	_ =	shalt  }
0x6c: {  	_ =	shalt  }
0x6d: {  	_ =	shalt  }
0x6e: {  	_ =	shalt  }
0x6f: {  	_ =	shalt  }
0x70: {  	_ =	shalt  }
0x71: {  	_ =	shalt  }
0x72: {  	_ =	shalt  }
0x73: {  	_ =	shalt  }
0x74: {  	_ =	shalt  }
0x75: {  	_ =	shalt  }
0x76: {  	_ =	shalt  }
0x77: {  	_ =	shalt  }
0x78: {  	_ =	shalt  }
0x79: {  	_ =	shalt  }
0x7a: {  	_ =	shalt  }
0x7b: {  	_ =	shalt  }
0x7c: {  	_ =	shalt  }
0x7d: {  	_ =	shalt  }
0x7e: {  	_ =	shalt  }
0x7f: {  	_ =	shalt  }
0x80: {  	_ =	shalt  }
0x81: {  	_ =	shalt  }
0x82: {  	_ =	shalt  }
0x83: {  	_ =	shalt  }
0x84: {  	_ =	shalt  }
0x85: {  	_ =	shalt  }
0x86: {  	_ =	shalt  }
0x87: {  	_ =	shalt  }
.Lfunc_end0:
.L_simem_size_0:
called_computation.2_lowered:
.L_overlay_start_0:
0x88: {  	s2 =	sld [smem:$0x3FD9]  }
0x89: {  	s3 =	sld [smem:$0x3FFE];
	_ =	sdelay $0x1  }
0x8a: {  	s1 =	srdreg.scid  }
0x8b: {  	s0 =	sand.u32 $0x1, s1  }
0x8c: {  	s16 =	sshll.u32 s0, $0xA;
	s2 =	sadd.s32 s3, s2  }
0x8d: {  	s2 =	sadd.s32 s2, s16  }
0x8e: {  	[smem:$0x3FC2] =	sst s2  }
0x8f: {  	_ = 	snop  }
0x90: {  	(tm) =	ssettm $0x1  }
0x91: {  	s17 =	sld [smem:$0x3FFB];
	_ =	sdelay $0x3  }
0x92: {  	_ =	strace s17  }
0x93: {  	s2 =	sld [smem:$0x3FFC];
	_ =	sdelay $0x3  }
0x94: {  	_ =	strace s2  }
0x95: {  	s2 =	sld [smem:$0x3FFD];
	_ =	sdelay $0x3  }
0x96: {  	_ =	strace s2  }
0x97: {  	_ =	strace $0x8FFFFFFF  }
0x98: {  	s18 =	sld [smem:$0x3FDB];
	_ =	sdelay $0x1  }
0x99: {  	s19 =	simm.s32 $_scs_section_size  }
0x9a: {  	s4 =	simm.s32 $_size__tile_overlayer_lowered;
	s5 =	simm.s32 $_tile_overlayer_lowered  }
0x9b: {  	s22 =	simm.s32 $0x1BFF;
	s21 =	sshll.u32 s5, $0x1;
	s2 =	sadd.s32 s19, s18  }
0x9c: {  	s6 =	simm.s32 $0x0;
	s20 =	sshll.u32 s4, $0x1;
	s4 =	sadd.s32 s21, s2  }
0x9d: {  	[timem:s6], [sflag:s22] =	dma.local [hbm:s4], s20  }
0x9e: {  	_ =	swait.ge [sflag:s22], s20  }
0x9f: {  	s3 =	ssub.s32 $0x0, s20;
	[sflag:s22] =	ssyncset.done $0x0  }
0xa0: {  	[sflag:s22] =	ssyncadd.s32 s3;
	_ =	sdelay $0x1  }
0xa1: {  	s23 =	simm.s32 $0x1B8B  }
0xa2: {  	_ =	swait.ge [sflag:s23], $0x1  }
0xa3: {  	[sflag:s23] =	ssyncset.done $0x0  }
0xa4: {  	s25 =	simm.s32 $0x1B8E;
	s24 =	sld [smem:$0x3FFE];
	[sflag:s23] =	ssyncadd.s32 $0xFFFFFFFF  }
0xa5: {  	s26 =	simm.s32 $execute0_lowered;
	[smem:$0x3FD2] =	sst s25  }
0xa6: {  	s4 =	sshll.u32 s26, $0x1;
	_ =	strace $0x8000004C;
	[dreg:$0x1] =	wrdreg $0xFFFFFFFF  }
0xa7: {  	s28 =	simm.s32 $_size_execute0_lowered;
	s2 =	sadd.s32 s2, s4;
	[dreg:$0x0] =	wrdreg $0x0  }
0xa8: {  	s4 =	sshll.u32 s28, $0x1;
	[dreg:$0x2] =	wrdreg s2  }
0xa9: {  	[dreg:$0x3] =	wrdreg s4  }
0xaa: {  	[dreg:$0x4] =	wrdreg $0xC0  }
0xab: {  	_ =	task [dreg:s6], $0x5FFFF  }
0xac: {  	[dreg:$0x1] =	wrdreg $0xFFFFFFFF  }
0xad: {  	[dreg:$0x0] =	wrdreg $0x60  }
0xae: {  	[dreg:$0x2] =	wrdreg s24  }
0xaf: {  	[dreg:$0x3] =	wrdreg $0xB5400  }
0xb0: {  	[dreg:$0x4] =	wrdreg $0x155400  }
0xb1: {  	[dreg:$0x5] =	wrdreg $0x9  }
0xb2: {  	_ =	task.clear_ibuf [dreg:s6], $0x6FFFF;
	_ =	strace $0x9000004C  }
0xb3: {  	s29 =	simm.s32 $0x9;
	_ =	strace $0x8000004E  }
0xb4: {  	_ =	swait.ge [sflag:s29], $0x1  }
0xb5: {  	[sflag:s29] =	ssyncadd.s32 $0xFFFFFFFF  }
0xb6: {  	_ =	strace $0x9000004E  }
0xb7: {  	_ =	sfence  }
0xb8: {  	s30 =	sld [smem:$0x0];
	_ =	sdelay $0x2  }
0xb9: {  	s31 =	sshll.u32 s1, $0xD;
	s1 =	sshrl.u32 s1, $0x2  }
0xba: {  	s3 =	sand.u32 $0x4000, s31;
	s1 =	sadd.s32 s1, s30  }
0xbb: {  	s0 =	sor.u32 s3, s0;
	s1 =	sshll.u32 s1, $0x11  }
0xbc: {  	s0 =	sor.u32 s1, s0  }
0xbd: {  	s0 =	sadd.s32 $0x8F2B, s0  }
0xbe: {  	[sflag:s0] =	ssyncadd.remote.s32 $0x1  }
0xbf: {  	_ =	sfence.sel $0xFFFF  }
0xc0: {  	[dreg:$0x0] =	wrdreg $0xFFFFFFFF;
	(pc) =	sbr.abs _section_cstart, $3  }
0xc1: {  	[dreg:$0x1] =	wrdreg $0xFFFFFFFF  }
0xc2: {  	_ =	task.clear_ibuf [dreg:s6], $0x2FFFF;
	_ =	strace $0x9FFFFFFF  }
0xc3: {  	(tm) =	ssettm $0x7FFFFFFF  }
tec
execute0_lowered:
.L_overlay_start_1:
0x0: {  	(tag) =	ssettag $0x1  }
0x1: {  	s0 =	srdreg.scid;
	s1 =	rddreg [dreg:$0x0]  }
0x2: {  	s12 =	stileid.u32;
	s2 =	rddreg [dreg:$0x1]  }
0x3: {  	s11 =	simm.s32 $0x9;
	s16 =	simm.s32 $0x64;
	s17 =	simm.s32 $0x5140  }
0x4: {  	s19 =	simm.s32 $0x6A40;
	s28 =	simm.s32 $0x5;
	s30 =	simm.s32 $0x3  }
0x5: {  	s18 =	simm.s32 $0x4;
	s29 =	simm.s32 $0x8;
	s31 =	simm.s32 $0x0  }
0x6: {  	s0 =	sand.u32 $0x1, s0;
	s3 =	sshll.u32 s12, $0x1;
	s8 =	smul.u32 $0xA000, s12  }
0x7: {  	s26 =	sshll.u32 s12, $0x6;
	s12 =	simm.s32 $0x28A0;
	s4 =	sor.u32 s0, s3  }
0x8: {  	s3 =	rddreg [dreg:$0x2];
	s6 =	smul.u32 $0xA0000, s0;
	s0 =	ssub.s32 $0x2, s0  }
0x9: {  	s13 =	sor.u32 $0x1C09, s26;
	s5 =	smul.u32 $0x514, s4;
	s4 =	simm.s32 $0x0  }
0xa: {  	s20 =	sshrl.u32 s8, $0x3;
	s22 =	sshrl.u32 s0, $0x1;
	s14 =	sadd.s32 s8, s2  }
0xb: {  	s15 =	sadd.s32 s8, s3;
	[smem:$0x7FF] =	sst s4;
	s6 =	sadd.s32 s8, s6  }
0xc: {  	s9 =	sadd.s32 s20, s1;
	s0 =	ssub.s32 s0, s22;
	s14 =	sshrl.u32 s14, $0x3  }
0xd: {  	s15 =	sshrl.u32 s15, $0x3;
	s22 =	simm.s32 $0x1;
	_ =	strace $0x8000004D  }
0xe: {  	s7 =	sadd.s32 s5, s1;
	s21 =	sshrl.u32 s6, $0x3;
	s25 =	sadd.s32 $0x17000, s9  }
.Ltmp0:
0xf: {  	s8 =	sadd.s32 $0x3F000, s9;
	s10 =	smax.u32 s0, $0x1;
	(pc) =	sbr.rel .LBB2_1-.Ltmp0, $4  }
0x10: {  	s1 =	sadd.s32 s21, s1;
	s23 =	sadd.s32 $0xCC00, s7;
	[dreg:$0x6] =	wrdreg s25  }
0x11: {  	s24 =	sadd.s32 $0x2800, s7;
	s21 =	simm.s32 $0x8340;
	[dreg:$0x4] =	wrdreg s23  }
0x12: {  	s25 =	simm.s32 $0x2;
	[dreg:$0x5] =	wrdreg s24;
	s9 =	sadd.s32 $0x53000, s1  }
0x13: {  	s24 =	simm.s32 $0x9C40;
	s1 =	simm.s32 $0x6;
	s23 =	simm.s32 $0x7  }
.LBB2_4:
0x14: {  	_ =	swait.ge [sflag:s29], $0x1900  }
0x15: {  	s31 =	sadd.s32 $0x1, s31;
	[sflag:s29] =	ssyncset.done $0x0  }
0x16: {  	p0 =	sne.s32 s31, s10;
	[sflag:s29] =	ssyncadd.s32 $0xFFFFE700  }
.Ltmp1:
0x17: {  	[bflag:$0x0] =	sbarrier.arrive $0xFFFF;
	(pc) =	sbr.rel @!p0 .LBB2_5-.Ltmp1, $4  }
0x18: {  	[hbm:s9], [sflag:s13] =	dma.local [spmem:s15], $0x1400  }
0x19: {  	_ =	swait.ge [sflag:s11], $0x1400  }
0x1a: {  	[sflag:s11] =	ssyncset.done $0x0  }
0x1b: {  	[sflag:s11] =	ssyncadd.s32 $0xFFFFEC00  }
.LBB2_1:
0x1c: {  	s0 =	rddreg [dreg:$0x4]  }
0x1d: {  	[tilespmem:s4], [sflag:$0x9] =	stream.linear.gather [hbm4b:s0+s4], $0x28A0, $0x38;
	[tilespmem:$0x1F540] =	vst v63  }
0x1e: {  	_ =	swait.ge [sflag:s11], $0x28A0  }
0x1f: {  	[sflag:s11] =	ssyncset.done $0x0  }
0x20: {  	s26 =	rddreg [dreg:$0x5];
	[sflag:s11] =	ssyncadd.s32 $0xFFFFD760  }
0x21: {  	[tilespmem:s12], [sflag:$0x9] =	stream.linear.gather [hbm4b:s26+s4], $0x28A0, $0x38;
	[tilespmem:$0x1F540] =	vst v63  }
0x22: {  	_ =	swait.ge [sflag:s11], $0x28A0  }
0x23: {  	[sflag:s11] =	ssyncset.done $0x0  }
0x24: {  	s5 =	rddreg [dreg:$0x6];
	[sflag:s11] =	ssyncadd.s32 $0xFFFFD760  }
0x25: {  	[spmem:s14], [sflag:s13] =	dma.local [hbm:s5], $0x1400  }
0x26: {  	_ =	swait.ge [sflag:s11], $0x1400  }
0x27: {  	[sflag:s11] =	ssyncset.done $0x0  }
0x28: {  	[sflag:s11] =	ssyncadd.s32 $0xFFFFEC00  }
0x29: {  	[spmem:s15], [sflag:s13] =	dma.local [hbm:s8], $0x1400  }
0x2a: {  	_ =	swait.ge [sflag:s11], $0x1400  }
0x2b: {  	[sflag:s11] =	ssyncset.done $0x0  }
0x2c: {  	[sflag:s11] =	ssyncadd.s32 $0xFFFFEC00  }
0x2d: {  	[bflag:$0x0] =	sbarrier.arrive $0xFFFF  }
0x2e: {  	[tilespmem:s17], [sflag:$0x1] =	stream.indirect.gather [spmem:s2], $0x40, s4, s16, $0xb8;
	[tilespmem:$0x1F540] =	vst v63  }
0x2f: {  	s6 =	simm.s32 $0x68  }
0x30: {  	[tilespmem:s19], [sflag:$0x2] =	stream.indirect.gather [spmem:s2], $0x40, s6, s16, $0xb8;
	[tilespmem:$0x1F540] =	vst v63  }
0x31: {  	s7 =	simm.s32 $0xD0  }
0x32: {  	[tilespmem:s21], [sflag:$0x3] =	stream.indirect.gather [spmem:s2], $0x40, s7, s16, $0xb8;
	[tilespmem:$0x1F540] =	vst v63  }
0x33: {  	_ =	swait.ge [sflag:s22], $0x1900  }
0x34: {  	[sflag:s22] =	ssyncset.done $0x0  }
0x35: {  	[sflag:s22] =	ssyncadd.s32 $0xFFFFE700  }
0x36: {  	[spmem:s3] =	stream.indirect.scatter.add.f32 [tilespmem:s17], [sflag:$0x5], $0x40, s12, s16, $0xb8;
	[tilespmem:$0x1F540] =	vst v63  }
0x37: {  	s20 =	simm.s32 $0x138  }
0x38: {  	[tilespmem:s24], [sflag:$0x4] =	stream.indirect.gather [spmem:s2], $0x40, s20, s16, $0xb8;
	[tilespmem:$0x1F540] =	vst v63  }
0x39: {  	_ =	swait.ge [sflag:s25], $0x1900  }
0x3a: {  	[sflag:s25] =	ssyncset.done $0x0  }
0x3b: {  	s26 =	simm.s32 $0x2908;
	[sflag:s25] =	ssyncadd.s32 $0xFFFFE700  }
0x3c: {  	[spmem:s3] =	stream.indirect.scatter.add.f32 [tilespmem:s19], [sflag:$0x6], $0x40, s26, s16, $0xb8;
	[tilespmem:$0x1F540] =	vst v63  }
0x3d: {  	_ =	swait.ge [sflag:s28], $0x1900  }
0x3e: {  	[sflag:s28] =	ssyncset.done $0x0  }
0x3f: {  	s5 =	simm.s32 $0x1A0;
	[sflag:s28] =	ssyncadd.s32 $0xFFFFE700  }
0x40: {  	[tilespmem:s17], [sflag:$0x1] =	stream.indirect.gather [spmem:s2], $0x40, s5, s16, $0xb8;
	[tilespmem:$0x1F540] =	vst v63  }
0x41: {  	_ =	swait.ge [sflag:s30], $0x1900  }
0x42: {  	[sflag:s30] =	ssyncset.done $0x0  }
0x43: {  	s6 =	simm.s32 $0x2970;
	[sflag:s30] =	ssyncadd.s32 $0xFFFFE700  }
0x44: {  	[spmem:s3] =	stream.indirect.scatter.add.f32 [tilespmem:s21], [sflag:$0x7], $0x40, s6, s16, $0xb8;
	[tilespmem:$0x1F540] =	vst v63  }
0x45: {  	_ =	swait.ge [sflag:s1], $0x1900  }
0x46: {  	[sflag:s1] =	ssyncset.done $0x0  }
0x47: {  	s7 =	simm.s32 $0x208;
	[sflag:s1] =	ssyncadd.s32 $0xFFFFE700  }
0x48: {  	[tilespmem:s19], [sflag:$0x2] =	stream.indirect.gather [spmem:s2], $0x40, s7, s16, $0xb8;
	[tilespmem:$0x1F540] =	vst v63  }
0x49: {  	_ =	swait.ge [sflag:s18], $0x1900  }
0x4a: {  	[sflag:s18] =	ssyncset.done $0x0  }
0x4b: {  	s20 =	simm.s32 $0x29D8;
	[sflag:s18] =	ssyncadd.s32 $0xFFFFE700  }
0x4c: {  	[spmem:s3] =	stream.indirect.scatter.add.f32 [tilespmem:s24], [sflag:$0x8], $0x40, s20, s16, $0xb8;
	[tilespmem:$0x1F540] =	vst v63  }
0x4d: {  	_ =	swait.ge [sflag:s23], $0x1900  }
0x4e: {  	[sflag:s23] =	ssyncset.done $0x0  }
0x4f: {  	s0 =	simm.s32 $0x0;
	s26 =	simm.s32 $0x270;
	[sflag:s23] =	ssyncadd.s32 $0xFFFFE700  }
0x50: {  	[tilespmem:s21], [sflag:$0x3] =	stream.indirect.gather [spmem:s2], $0x40, s26, s16, $0xb8;
	[tilespmem:$0x1F540] =	vst v63  }
.LBB2_2:
0x51: {  	_ =	swait.ge [sflag:s22], $0x1900  }
0x52: {  	s20 =	sshra.s32 s0, $0x2;
	[sflag:s22] =	ssyncset.done $0x0  }
0x53: {  	s26 =	sadd.s32 $0x2A40, s20;
	[sflag:s22] =	ssyncadd.s32 $0xFFFFE700  }
0x54: {  	[spmem:s3] =	stream.indirect.scatter.add.f32 [tilespmem:s17], [sflag:$0x5], $0x40, s26, s16, $0xb8;
	[tilespmem:$0x1F540] =	vst v63  }
0x55: {  	_ =	swait.ge [sflag:s29], $0x1900  }
0x56: {  	[sflag:s29] =	ssyncset.done $0x0  }
0x57: {  	s6 =	sadd.s32 $0x2D8, s20;
	[sflag:s29] =	ssyncadd.s32 $0xFFFFE700  }
0x58: {  	[tilespmem:s24], [sflag:$0x4] =	stream.indirect.gather [spmem:s2], $0x40, s6, s16, $0xb8;
	[tilespmem:$0x1F540] =	vst v63  }
0x59: {  	_ =	swait.ge [sflag:s25], $0x1900  }
0x5a: {  	[sflag:s25] =	ssyncset.done $0x0  }
0x5b: {  	s7 =	sadd.s32 $0x2AA8, s20;
	[sflag:s25] =	ssyncadd.s32 $0xFFFFE700  }
0x5c: {  	[spmem:s3] =	stream.indirect.scatter.add.f32 [tilespmem:s19], [sflag:$0x6], $0x40, s7, s16, $0xb8;
	[tilespmem:$0x1F540] =	vst v63  }
0x5d: {  	_ =	swait.ge [sflag:s28], $0x1900  }
0x5e: {  	p0 =	seq.s32 s0, $0x9580;
	[sflag:s28] =	ssyncset.done $0x0  }
0x5f: {  	s26 =	simm.s32 @p0 $0x3;
	[sflag:s28] =	ssyncadd.s32 $0xFFFFE700  }
0x60: {  	_ =	swait.ge @p0 [sflag:s26], $0x1900  }
0x61: {  	[sflag:s26] =	ssyncset.done @p0 $0x0  }
0x62: {  	[sflag:s26] =	ssyncadd.s32 @p0 $0xFFFFE700;
	s26 =	sshra.s32 @p0 s0, $0x2  }
0x63: {  	s5 =	simm.s32 @p0 $0x64;
	s6 =	simm.s32 @p0 $0x8340;
	s26 =	sadd.s32 @p0 $0x2B10, s26  }
0x64: {  	[spmem:s3] =	stream.indirect.scatter.add.f32 @p0 [tilespmem:s6], [sflag:$0x7], $0x40, s26, s5, $0xb8;
	[tilespmem:$0x1F540] =	vst v63  }
0x65: {  	s5 =	simm.s32 @p0 $0x6  }
0x66: {  	_ =	swait.ge @p0 [sflag:s5], $0x1900  }
0x67: {  	[sflag:s5] =	ssyncset.done @p0 $0x0  }
0x68: {  	[sflag:s5] =	ssyncadd.s32 @p0 $0xFFFFE700;
	s5 =	sshra.s32 @!p0 s0, $0x2  }
0x69: {  	s7 =	simm.s32 @!p0 $0x5140;
	s26 =	simm.s32 @!p0 $0x64;
	s6 =	sadd.s32 @!p0 $0x340, s5  }
0x6a: {  	[tilespmem:s7], [sflag:$0x1] =	stream.indirect.gather @!p0 [spmem:s2], $0x40, s6, s26, $0xb8;
	[tilespmem:$0x1F540] =	vst v63  }
0x6b: {  	s6 =	simm.s32 @!p0 $0x3  }
0x6c: {  	_ =	swait.ge @!p0 [sflag:s6], $0x1900  }
0x6d: {  	[sflag:s6] =	ssyncset.done @!p0 $0x0  }
0x6e: {  	s7 =	simm.s32 @!p0 $0x8340;
	[sflag:s6] =	ssyncadd.s32 @!p0 $0xFFFFE700;
	s6 =	sadd.s32 @!p0 $0x2B10, s5  }
0x6f: {  	[spmem:s3] =	stream.indirect.scatter.add.f32 @!p0 [tilespmem:s7], [sflag:$0x7], $0x40, s6, s26, $0xb8;
	[tilespmem:$0x1F540] =	vst v63  }
0x70: {  	s6 =	simm.s32 @!p0 $0x6  }
0x71: {  	_ =	swait.ge @!p0 [sflag:s6], $0x1900  }
0x72: {  	[sflag:s6] =	ssyncset.done @!p0 $0x0  }
0x73: {  	s5 =	sadd.s32 @!p0 $0x3A8, s5;
	[sflag:s6] =	ssyncadd.s32 @!p0 $0xFFFFE700;
	s6 =	simm.s32 @!p0 $0x6A40  }
0x74: {  	[tilespmem:s6], [sflag:$0x2] =	stream.indirect.gather @!p0 [spmem:s2], $0x40, s5, s26, $0xb8;
	[tilespmem:$0x1F540] =	vst v63  }
0x75: {  	_ =	swait.ge [sflag:s18], $0x1900  }
0x76: {  	[sflag:s18] =	ssyncset.done $0x0  }
.Ltmp2:
0x77: {  	s26 =	sadd.s32 $0x2B78, s20;
	[sflag:s18] =	ssyncadd.s32 $0xFFFFE700;
	(pc) =	sbr.rel @p0 .LBB2_4-.Ltmp2, $4  }
0x78: {  	[spmem:s3] =	stream.indirect.scatter.add.f32 [tilespmem:s24], [sflag:$0x8], $0x40, s26, s16, $0xb8;
	[tilespmem:$0x1F540] =	vst v63  }
0x79: {  	_ =	swait.ge [sflag:s23], $0x1900  }
0x7a: {  	[sflag:s23] =	ssyncset.done $0x0  }
0x7b: {  	[sflag:s23] =	ssyncadd.s32 $0xFFFFE700  }
.Ltmp3:
0x7c: {  	(pc) =	sbr.rel .LBB2_2-.Ltmp3, $3  }
0x7d: {  	_ =	sdelay $0x1  }
0x7e: {  	s5 =	sadd.s32 $0x410, s20;
	s0 =	sadd.s32 $0x680, s0  }
0x7f: {  	[tilespmem:s21], [sflag:$0x3] =	stream.indirect.gather [spmem:s2], $0x40, s5, s16, $0xb8;
	[tilespmem:$0x1F540] =	vst v63  }
.LBB2_5:
0x80: {  	_ =	sfence.sel $0x180000  }
0x81: {  	[bflag:$0x0] =	sbarrier.arrive $0xFFFF  }
0x82: {  	_ =	strace $0x9000004D  }
0x83: {  	s0 =	stileid.u32;
	[bflag:$0x2] =	sbarrier.arrive $0xFFFF  }
0x84: {  	p0 =	sne.s32 s0, $0x0;
	s0 =	rddreg [dreg:$0x3]  }
0x85: {  	s0 =	sadd.s32 @!p0 $0x100000, s0  }
0x86: {  	[sflag:s0] =	ssyncadd.tile.s32 @!p0 $0x1;
	_ =	shalt  }
.Lfunc_end2:
_tile_overlayer_lowered:
.L_overlay_start_2:
0x87: {  	(tag) =	ssettag $0x2  }
0x88: {  	s0 =	rddreg [dreg:$0x0];
	s2 =	stileid.u32  }
0x89: {  	s1 =	rddreg [dreg:$0x1];
	p0 =	sne.s32 s2, $0x0  }
0x8a: {  	s3 =	rddreg [dreg:$0x2];
	[bflag:$0x3] =	sbarrier.arrive $0xFFFF;
	s2 =	simm.s32 @!p0 $0x1C09  }
0x8b: {  	[timem:s3], [sflag:s2] =	dma.local @!p0 [hbm:s0], s1  }
0x8c: {  	s0 =	simm.s32 @!p0 $0x9  }
0x8d: {  	_ =	swait.ge @!p0 [sflag:s0], s1  }
0x8e: {  	s1 =	ssub.s32 @!p0 $0x0, s1;
	[sflag:s0] =	ssyncset.done @!p0 $0x0  }
0x8f: {  	[sflag:s0] =	ssyncadd.s32 @!p0 s1  }
0x90: {  	[bflag:$0x3] =	sbarrier.arrive $0xFFFF  }
0x91: {  	_ =	shalt  }

// kernel: kernel.9.cloned.1.call-start
scs
__scs_entry_jumppad:
0x0: {  	(pc) =	sbr.rel $0x88, $3  }
0x1: {  	(tag) =	ssettag $0x0;
	lr =	simm.s32 $0x1  }
0x2: {  	[smem:$0x3F9B] =	sst lr;
	_ =	strace $0xD0000000  }
0x3: {  	_ = 	snop  }
0x4: {  	_ = 	snop  }
0x5: {  	_ = 	snop  }
0x6: {  	_ = 	snop  }
0x7: {  	_ = 	snop  }
__scs_overlays_trampoline_lowered:
0x8: {  	[smem:$0x3FAA] =	sst s0  }
0x9: {  	[smem:$0x3FAB] =	sst s1  }
0xa: {  	[smem:$0x3FAC] =	sst s2  }
0xb: {  	[smem:$0x3FAD] =	sst s3  }
0xc: {  	[smem:$0x3FAE] =	sst s4  }
0xd: {  	[smem:$0x3FAF] =	sst s5  }
0xe: {  	[smem:$0x3FB0] =	sst s6  }
0xf: {  	[smem:$0x3FB1] =	sst s7  }
0x10: {  	[smem:$0x3FB2] =	sst s8  }
0x11: {  	[smem:$0x3FB3] =	sst s9;
	s0 =	simm.s32 @!p0 $0x0  }
0x12: {  	s1 =	sld [smem:$0x3F99];
	s0 =	simm.s32 @p0 $0x1  }
0x13: {  	[smem:$0x3FB4] =	sst s0;
	s0 =	simm.s32 @!p1 $0x0  }
0x14: {  	s2 =	sld [smem:$0x3F98];
	s0 =	simm.s32 @p1 $0x1  }
0x15: {  	[smem:$0x3FB5] =	sst s0;
	s0 =	simm.s32 @!p2 $0x0  }
0x16: {  	s3 =	sld [smem:$0x3FDB];
	s0 =	simm.s32 @p2 $0x1  }
0x17: {  	s4 =	simm.s32 $0x1BF5;
	[smem:$0x3FB7] =	sst s0  }
0x18: {  	s0 =	sld [smem:$0x3F9A];
	_ =	swait.ge [sflag:s4], $0x0  }
0x19: {  	s7 =	sld [smem:$0x3F9B]  }
0x1a: {  	s8 =	sadd.s32 $0xFFFFE003, lr  }
0x1b: {  	s9 =	sadd.s32 $0xFFFFFEF7, lr;
	s5 =	simm.s32 $0xFFFFFFFF;
	p2 =	slt.u32 s8, $0xFFFFF086  }
0x1c: {  	p1 =	slt.u32 s9, $0xF7A;
	s5 =	simm.s32 @!p2 $0x0  }
0x1d: {  	s5 =	simm.s32 @p1 $0x1;
	p0 =	seq.s32 s7, s2  }
0x1e: {  	s7 =	smul.u32 @!p0 $0xF7A, s2;
	p2 =	seq.s32 @!p0 s5, $0x0  }
0x1f: {  	s9 =	smul.u32 $0xF7A, s1;
	s8 =	simm.s32 @!p0 $0x1BF5;
	p2 =	por !p2, p0  }
0x20: {  	[sflag:s8] =	ssyncset.s32 @!p0 $0xFFFFF086;
	s6 =	sadd.s32 @!p0 s3, s7;
	s7 =	simm.s32 @!p0 $0x108  }
0x21: {  	s3 =	sadd.s32 s3, s9;
	s6 =	sadd.s32 @!p0 $0x88, s6;
	s7 =	simm.s32 @p2 $0x1082  }
0x22: {  	[simem:s7], [sflag:s8] =	dma.local @!p0 [hbm:s6], $0xF7A  }
0x23: {  	s9 =	sor.u32 $0xD0000000, s2;
	s6 =	simm.s32 $0x108;
	_ =	swait.ge @!p0 [sflag:s8], $0x0  }
0x24: {  	s3 =	sadd.s32 $0x88, s3;
	s6 =	simm.s32 @!p1 $0x1082;
	[sflag:s4] =	ssyncset.s32 $0xFFFFF086  }
0x25: {  	[simem:s6], [sflag:s4] =	dma.local [hbm:s3], $0xF7A  }
0x26: {  	[smem:$0x3F9B] =	sst s1;
	(tag) =	ssettag s2;
	_ =	strace s9  }
0x27: {  	s1 =	sld [smem:$0x3FAB]  }
0x28: {  	s2 =	sld [smem:$0x3FAC]  }
0x29: {  	s4 =	sld [smem:$0x3FAE]  }
0x2a: {  	p0 =	seq.s32 s5, $0x0;
	s5 =	sld [smem:$0x3FAF]  }
0x2b: {  	s6 =	sld [smem:$0x3FB0]  }
0x2c: {  	s7 =	sld [smem:$0x3FB1]  }
0x2d: {  	s3 =	simm.s32 $0x108;
	s8 =	sld [smem:$0x3FB2]  }
0x2e: {  	s3 =	simm.s32 @!p0 $0x1082;
	s9 =	sld [smem:$0x3FB3]  }
0x2f: {  	lr =	sadd.s32 s0, s3;
	s0 =	sld [smem:$0x3FAA]  }
0x30: {  	s3 =	sld [smem:$0x3FAD]  }
0x31: {  	[smem:$0x3FB6] =	sst s10  }
0x32: {  	s10 =	sld [smem:$0x3FB4];
	_ =	sdelay $0x3  }
0x33: {  	p0 =	seq.s32 s10, $0x1;
	s10 =	sld [smem:$0x3FB6];
	_ =	sdelay $0x3  }
0x34: {  	[smem:$0x3FB6] =	sst s10  }
0x35: {  	s10 =	sld [smem:$0x3FB5];
	_ =	sdelay $0x3  }
0x36: {  	p1 =	seq.s32 s10, $0x1;
	s10 =	sld [smem:$0x3FB6];
	_ =	sdelay $0x3  }
0x37: {  	[smem:$0x3FB6] =	sst s10  }
0x38: {  	s10 =	sld [smem:$0x3FB7]  }
0x39: {  	_ = 	snop;
	(pc) =	sbr.ind lr, $3  }
0x3a: {  	_ = 	snop  }
0x3b: {  	_ = 	snop  }
0x3c: {  	p2 =	seq.s32 s10, $0x1;
	s10 =	sld [smem:$0x3FB6]  }
0x3d: {  	_ =	shalt  }
0x3e: {  	_ =	shalt  }
0x3f: {  	_ =	shalt  }
0x40: {  	_ =	shalt  }
0x41: {  	_ =	shalt  }
0x42: {  	_ =	shalt  }
0x43: {  	_ =	shalt  }
0x44: {  	_ =	shalt  }
0x45: {  	_ =	shalt  }
0x46: {  	_ =	shalt  }
0x47: {  	_ =	shalt  }
0x48: {  	_ =	shalt  }
0x49: {  	_ =	shalt  }
0x4a: {  	_ =	shalt  }
0x4b: {  	_ =	shalt  }
0x4c: {  	_ =	shalt  }
0x4d: {  	_ =	shalt  }
0x4e: {  	_ =	shalt  }
0x4f: {  	_ =	shalt  }
0x50: {  	_ =	shalt  }
0x51: {  	_ =	shalt  }
0x52: {  	_ =	shalt  }
0x53: {  	_ =	shalt  }
0x54: {  	_ =	shalt  }
0x55: {  	_ =	shalt  }
0x56: {  	_ =	shalt  }
0x57: {  	_ =	shalt  }
0x58: {  	_ =	shalt  }
0x59: {  	_ =	shalt  }
0x5a: {  	_ =	shalt  }
0x5b: {  	_ =	shalt  }
0x5c: {  	_ =	shalt  }
0x5d: {  	_ =	shalt  }
0x5e: {  	_ =	shalt  }
0x5f: {  	_ =	shalt  }
0x60: {  	_ =	shalt  }
0x61: {  	_ =	shalt  }
0x62: {  	_ =	shalt  }
0x63: {  	_ =	shalt  }
0x64: {  	_ =	shalt  }
0x65: {  	_ =	shalt  }
0x66: {  	_ =	shalt  }
0x67: {  	_ =	shalt  }
0x68: {  	_ =	shalt  }
0x69: {  	_ =	shalt  }
0x6a: {  	_ =	shalt  }
0x6b: {  	_ =	shalt  }
0x6c: {  	_ =	shalt  }
0x6d: {  	_ =	shalt  }
0x6e: {  	_ =	shalt  }
0x6f: {  	_ =	shalt  }
0x70: {  	_ =	shalt  }
0x71: {  	_ =	shalt  }
0x72: {  	_ =	shalt  }
0x73: {  	_ =	shalt  }
0x74: {  	_ =	shalt  }
0x75: {  	_ =	shalt  }
0x76: {  	_ =	shalt  }
0x77: {  	_ =	shalt  }
0x78: {  	_ =	shalt  }
0x79: {  	_ =	shalt  }
0x7a: {  	_ =	shalt  }
0x7b: {  	_ =	shalt  }
0x7c: {  	_ =	shalt  }
0x7d: {  	_ =	shalt  }
0x7e: {  	_ =	shalt  }
0x7f: {  	_ =	shalt  }
0x80: {  	_ =	shalt  }
0x81: {  	_ =	shalt  }
0x82: {  	_ =	shalt  }
0x83: {  	_ =	shalt  }
0x84: {  	_ =	shalt  }
0x85: {  	_ =	shalt  }
0x86: {  	_ =	shalt  }
0x87: {  	_ =	shalt  }
.Lfunc_end0:
.L_simem_size_0:
called_computation_lowered:
.L_overlay_start_0:
0x88: {  	s2 =	sld [smem:$0x3FD9]  }
0x89: {  	s3 =	sld [smem:$0x3FFE];
	_ =	sdelay $0x1  }
0x8a: {  	s1 =	srdreg.scid  }
0x8b: {  	s0 =	sand.u32 $0x1, s1  }
0x8c: {  	s17 =	sshll.u32 s0, $0xA;
	s2 =	sadd.s32 s3, s2  }
0x8d: {  	s2 =	sadd.s32 s2, s17  }
0x8e: {  	[smem:$0x3FC2] =	sst s2  }
0x8f: {  	_ = 	snop  }
0x90: {  	s2 =	sld [smem:$0x3FD0];
	(tm) =	ssettm $0x1  }
0x91: {  	s18 =	sld [smem:$0x3FFB];
	_ =	sdelay $0x3  }
0x92: {  	_ =	strace s18  }
0x93: {  	s3 =	sld [smem:$0x3FFC];
	_ =	sdelay $0x3  }
0x94: {  	_ =	strace s3  }
0x95: {  	s3 =	sld [smem:$0x3FFD];
	_ =	sdelay $0x3  }
0x96: {  	_ =	strace s3  }
0x97: {  	_ =	strace $0x8FFFFFFF  }
0x98: {  	s19 =	sld [smem:$0x3FDB];
	_ =	sdelay $0x1  }
0x99: {  	s4 =	simm.s32 $_scs_section_size  }
0x9a: {  	s5 =	simm.s32 $_size__tile_overlayer_lowered;
	s6 =	simm.s32 $_tile_overlayer_lowered  }
0x9b: {  	s22 =	simm.s32 $0x1BFF;
	s21 =	sshll.u32 s6, $0x1;
	s3 =	sadd.s32 s4, s19  }
0x9c: {  	s7 =	simm.s32 $0x0;
	s20 =	sshll.u32 s5, $0x1;
	s5 =	sadd.s32 s21, s3  }
0x9d: {  	[timem:s7], [sflag:s22] =	dma.local [hbm:s5], s20  }
0x9e: {  	_ =	swait.ge [sflag:s22], s20  }
0x9f: {  	s4 =	ssub.s32 $0x0, s20;
	[sflag:s22] =	ssyncset.done $0x0  }
0xa0: {  	[sflag:s22] =	ssyncadd.s32 s4;
	_ =	sdelay $0x1  }
0xa1: {  	s23 =	simm.s32 $0x1B8B  }
0xa2: {  	_ =	swait.ge [sflag:s23], $0x1  }
0xa3: {  	[sflag:s23] =	ssyncset.done $0x0  }
0xa4: {  	s25 =	simm.s32 $0x1B8E;
	s24 =	sld [smem:$0x3FFE];
	[sflag:s23] =	ssyncadd.s32 $0xFFFFFFFF  }
0xa5: {  	s26 =	simm.s32 $execute0_lowered;
	[smem:$0x3FD2] =	sst s25  }
0xa6: {  	s5 =	sshll.u32 s26, $0x1;
	_ =	strace $0x80000046;
	[dreg:$0x1] =	wrdreg $0xFFFFFFFF  }
0xa7: {  	s28 =	simm.s32 $_size_execute0_lowered;
	s3 =	sadd.s32 s3, s5;
	[dreg:$0x0] =	wrdreg $0x0  }
0xa8: {  	s5 =	sshll.u32 s28, $0x1;
	[dreg:$0x2] =	wrdreg s3  }
0xa9: {  	[dreg:$0x3] =	wrdreg s5  }
0xaa: {  	[dreg:$0x4] =	wrdreg $0xC0  }
0xab: {  	_ =	task [dreg:s7], $0x5FFFF  }
0xac: {  	[dreg:$0x1] =	wrdreg $0xFFFFFFFF  }
0xad: {  	[dreg:$0x0] =	wrdreg $0x60  }
0xae: {  	[dreg:$0x2] =	wrdreg s2  }
0xaf: {  	[dreg:$0x3] =	wrdreg s24  }
0xb0: {  	[dreg:$0x4] =	wrdreg $0x34800  }
0xb1: {  	[dreg:$0x5] =	wrdreg $0x9  }
0xb2: {  	_ =	task.clear_ibuf [dreg:s7], $0x6FFFF;
	_ =	strace $0x90000046  }
0xb3: {  	s29 =	simm.s32 $0x9;
	_ =	strace $0x80000048  }
0xb4: {  	_ =	swait.ge [sflag:s29], $0x1  }
0xb5: {  	[sflag:s29] =	ssyncadd.s32 $0xFFFFFFFF  }
0xb6: {  	_ =	strace $0x90000048  }
0xb7: {  	_ =	sfence  }
0xb8: {  	s30 =	sld [smem:$0x0];
	_ =	sdelay $0x2  }
0xb9: {  	s31 =	sshll.u32 s1, $0xD;
	s1 =	sshrl.u32 s1, $0x2  }
0xba: {  	s3 =	sand.u32 $0x4000, s31;
	s1 =	sadd.s32 s1, s30  }
0xbb: {  	s0 =	sor.u32 s3, s0;
	s1 =	sshll.u32 s1, $0x11  }
0xbc: {  	s0 =	sor.u32 s1, s0  }
0xbd: {  	s0 =	sadd.s32 $0x8F2B, s0  }
0xbe: {  	[sflag:s0] =	ssyncadd.remote.s32 $0x1  }
0xbf: {  	_ =	sfence.sel $0xFFFF  }
0xc0: {  	[dreg:$0x0] =	wrdreg $0xFFFFFFFF;
	(pc) =	sbr.abs _section_cstart, $3  }
0xc1: {  	[dreg:$0x1] =	wrdreg $0xFFFFFFFF  }
0xc2: {  	_ =	task.clear_ibuf [dreg:s7], $0x2FFFF;
	_ =	strace $0x9FFFFFFF  }
0xc3: {  	(tm) =	ssettm $0x7FFFFFFF  }
tec
execute0_lowered:
.L_overlay_start_1:
0x0: {  	(tag) =	ssettag $0x1  }
0x1: {  	s4 =	rddreg [dreg:$0x0]  }
0x2: {  	s5 =	rddreg [dreg:$0x1]  }
0x3: {  	s2 =	rddreg [dreg:$0x2]  }
0x4: {  	s0 =	rddreg [dreg:$0x3];
	s1 =	stileid.u32  }
0x5: {  	s3 =	simm.s32 $0x0;
	s7 =	srdreg.scid;
	s12 =	simm.s32 $0x3400  }
0x6: {  	s13 =	simm.s32 $0x20;
	s14 =	simm.s32 $0x10;
	s15 =	simm.s32 $0x0  }
0x7: {  	s6 =	smul.u32 $0x280, s1;
	[smem:$0x7FF] =	sst s3;
	s7 =	sand.u32 $0x1, s7  }
0x8: {  	s8 =	smul.u32 $0x500, s1;
	s10 =	sshll.u32 s1, $0x1;
	s31 =	sshll.u32 s1, $0x6  }
0x9: {  	_ =	strace $0x80000047;
	s9 =	sshll.u32 s7, $0x7;
	s26 =	sor.u32 s7, s10  }
0xa: {  	s7 =	ssub.s32 $0x2, s7;
	s11 =	sshrl.u32 s6, $0x3;
	s8 =	sor.u32 s9, s8  }
0xb: {  	s9 =	smul.u32 $0x680, s26;
	s29 =	sshrl.u32 s7, $0x1;
	s30 =	sadd.s32 s6, s2  }
0xc: {  	s8 =	sshrl.u32 s8, $0x3;
	s28 =	sadd.s32 s11, s5;
	s7 =	ssub.s32 s7, s29  }
0xd: {  	s10 =	sshrl.u32 s30, $0x3;
	s11 =	simm.s32 $0x64;
	s8 =	sadd.s32 s8, s5  }
0xe: {  	s4 =	sadd.s32 s4, s9;
	s5 =	sadd.s32 $0x1800, s28;
	s7 =	smax.u32 s7, $0x1  }
0xf: {  	v0 =	vimm.f32 $1.000000000e+00;
	s9 =	sor.u32 $0x1C01, s31;
	s6 =	sadd.s32 $0x1E00, s8;
	s8 =	simm.s32 $0x1  }
.LBB2_1:
0x10: {  	[tilespmem:s3], [sflag:$0x1] =	stream.linear.gather [hbm4b:s4+s3], $0x3200, $0x38;
	[tilespmem:$0x3700] =	vst v63  }
0x11: {  	_ =	swait.ge [sflag:s8], $0x3200  }
0x12: {  	[sflag:s8] =	ssyncset.done $0x0  }
0x13: {  	[sflag:s8] =	ssyncadd.s32 $0xFFFFCE00  }
0x14: {  	[tilespmem:$0x3400] =	vst v0  }
0x15: {  	[tilespmem:$0x3410] =	vst v0  }
0x16: {  	[tilespmem:$0x3420] =	vst v0  }
0x17: {  	[tilespmem:$0x3430] =	vst v0  }
0x18: {  	[tilespmem:$0x3440] =	vst v0  }
0x19: {  	[tilespmem:$0x3450] =	vst v0  }
0x1a: {  	[tilespmem:$0x3454] =	vst v0  }
0x1b: {  	[spmem:s10], [sflag:s9] =	dma.local [hbm:s5], $0x50  }
0x1c: {  	_ =	swait.ge [sflag:s8], $0x50  }
0x1d: {  	[sflag:s8] =	ssyncset.done $0x0  }
0x1e: {  	[sflag:s8] =	ssyncadd.s32 $0xFFFFFFB0  }
0x1f: {  	s16 =	simm.s32 $0x0;
	[bflag:$0x0] =	sbarrier.arrive $0xFFFF  }
0x20: {  	[spmem:s2] =	stream.indirect.scatter.add.f32 [tilespmem:s12], [sflag:$0x1], $0x1, s16, s11, $0xb8;
	[tilespmem:$0x3700] =	vst v63  }
0x21: {  	_ =	swait.ge [sflag:s8], $0x64  }
0x22: {  	s16 =	simm.s32 $0x200;
	[sflag:s8] =	ssyncset.done $0x0  }
.LBB2_2:
0x23: {  	s17 =	sshra.s32 s16, $0x2;
	[sflag:s8] =	ssyncadd.s32 $0xFFFFFF9C;
	p0 =	sne.s32 s16, $0xC600  }
0x24: {  	[spmem:s2] =	stream.indirect.scatter.add.f32 [tilespmem:s12], [sflag:$0x1], $0x1, s17, s11, $0xb8;
	[tilespmem:$0x3700] =	vst v63  }
.Ltmp0:
0x25: {  	_ = 	snop;
	(pc) =	sbr.rel @p0 .LBB2_2-.Ltmp0, $4  }
0x26: {  	_ = 	snop  }
0x27: {  	s16 =	sadd.s32 $0x200, s16  }
0x28: {  	_ =	swait.ge [sflag:s8], $0x64  }
0x29: {  	[sflag:s8] =	ssyncset.done $0x0  }
0x2a: {  	s15 =	sadd.s32 $0x1, s15  }
0x2b: {  	[sflag:s8] =	ssyncadd.s32 $0xFFFFFF9C;
	p0 =	sne.s32 s15, s7  }
.Ltmp1:
0x2c: {  	[bflag:$0x0] =	sbarrier.arrive $0xFFFF;
	(pc) =	sbr.rel @p0 .LBB2_1-.Ltmp1, $4  }
0x2d: {  	[hbm:s6@s13], [sflag:s9] =	dma.strided [spmem:s10@s14], $0x50, s8, $0x10   }
0x2e: {  	_ =	swait.ge [sflag:s8], $0x50  }
0x2f: {  	[sflag:s8] =	ssyncset.done $0x0  }
0x30: {  	[sflag:s8] =	ssyncadd.s32 $0xFFFFFFB0  }
0x31: {  	_ =	sfence.sel $0x180000  }
0x32: {  	[bflag:$0x0] =	sbarrier.arrive $0xFFFF  }
0x33: {  	p0 =	sne.s32 s1, $0x0;
	_ =	strace $0x90000047  }
0x34: {  	s0 =	sadd.s32 @!p0 $0x100000, s0;
	[bflag:$0x2] =	sbarrier.arrive $0xFFFF  }
0x35: {  	[sflag:s0] =	ssyncadd.tile.s32 @!p0 $0x1;
	_ =	shalt  }
.Lfunc_end2:
_tile_overlayer_lowered:
.L_overlay_start_2:
0x36: {  	(tag) =	ssettag $0x2  }
0x37: {  	s0 =	rddreg [dreg:$0x0];
	s2 =	stileid.u32  }
0x38: {  	s1 =	rddreg [dreg:$0x1];
	p0 =	sne.s32 s2, $0x0  }
0x39: {  	s3 =	rddreg [dreg:$0x2];
	[bflag:$0x3] =	sbarrier.arrive $0xFFFF;
	s2 =	simm.s32 @!p0 $0x1C01  }
0x3a: {  	[timem:s3], [sflag:s2] =	dma.local @!p0 [hbm:s0], s1  }
0x3b: {  	s0 =	simm.s32 @!p0 $0x1  }
0x3c: {  	_ =	swait.ge @!p0 [sflag:s0], s1  }
0x3d: {  	s1 =	ssub.s32 @!p0 $0x0, s1;
	[sflag:s0] =	ssyncset.done @!p0 $0x0  }
0x3e: {  	[sflag:s0] =	ssyncadd.s32 @!p0 s1  }
0x3f: {  	[bflag:$0x3] =	sbarrier.arrive $0xFFFF  }
0x40: {  	_ =	shalt  }

</sc_bundles>
